<compile_context>
chip_gen: v7x
topology: tpu7x:2x2x1
jax: 0.10.2.dev20260603
libtpu: 0.0.44.dev20260713+nightly
codegen_flags: <defaults>
</compile_context>

<pallas_src>
import functools

import jax
import jax.numpy as jnp
from jax import lax
from jax.experimental import pallas as pl
from jax.experimental.pallas import tpu as pltpu
from jax.experimental.pallas import tpu_sc as plsc

N = 10000
E = 320000
D = 128
H = 128
C = 40
P = 1024

NP = 10240
NC = 2
NS = 16
NW = NC * NS
CHUNK = 64
NBUF = 4
EPR = 128
EPT_ROWS = 80
EPT = EPT_ROWS * EPR
NCH = EPT // CHUNK
E_PAD = EPT * NW
ROWS_PER_SUB = NP // NS
P_PER_SUB = P // NS
EPS = 1e-5


def _sc_mesh():
  return plsc.VectorSubcoreMesh(core_axis_name="c", subcore_axis_name="s")


def _unpack(ed, row, half, sidx, didx):
  r = ed.at[row]
  for k in range(CHUNK // 16):
    v = r[pl.ds(64 * half + 16 * k, 16)]
    sidx[pl.ds(16 * k, 16)] = lax.bitwise_and(v, 0xFFFF)
    didx[pl.ds(16 * k, 16)] = lax.shift_right_logical(v, 16)


PR = 1152
PR_PER_SUB = PR // NS


def _prime_body(h_ref, ed_ref, z_ref, nmap_ref, rep_ref, out_ref,
                ed, sidx_a, didx_a, ldst_a, sidx_b, didx_b, ldst_b,
                rows_a, rows_b, nmap, table, acc,
                sem_a, sem_b, lsem_a, lsem_b):
  c = lax.axis_index("c")
  s = lax.axis_index("s")
  wid = c * NS + s
  rs = s * ROWS_PER_SUB

  pltpu.sync_copy(h_ref.at[pl.ds(rs, ROWS_PER_SUB)],
                  table.at[pl.ds(rs, ROWS_PER_SUB)])
  pltpu.sync_copy(z_ref, acc.at[pl.ds(s * PR_PER_SUB, PR_PER_SUB)])
  pltpu.sync_copy(nmap_ref.at[pl.ds(rs, ROWS_PER_SUB)],
                  nmap.at[pl.ds(rs, ROWS_PER_SUB)])
  plsc.subcore_barrier()

  def lookup(didx, ldst, lsem):
    pltpu.async_copy(nmap.at[didx], ldst, lsem)

  def lwait(didx, ldst, lsem):
    pltpu.make_async_copy(nmap.at[didx], ldst, lsem).wait()

  def gather(sidx, rows, gsem):
    pltpu.async_copy(table.at[sidx], rows, gsem)

  def gwait(sidx, rows, gsem):
    pltpu.make_async_copy(table.at[sidx], rows, gsem).wait()

  def scat(rows, ldst, ssem):
    pltpu.async_copy(rows, acc.at[ldst], ssem, add=True)

  def swait(rows, ldst, ssem):
    pltpu.make_async_copy(rows, acc.at[ldst], ssem).wait()

  def prep(cr, ch, sidx, didx, ldst, lsem):
    _unpack(ed, cr, ch, sidx, didx)
    lookup(didx, ldst, lsem)

  def pair(j, carry):
    swait(rows_a, ldst_a, sem_a)
    prep(j, 0, sidx_a, didx_a, ldst_a, lsem_a)
    gather(sidx_a, rows_a, sem_a)
    swait(rows_b, ldst_b, sem_b)
    prep(j, 1, sidx_b, didx_b, ldst_b, lsem_b)
    gather(sidx_b, rows_b, sem_b)
    gwait(sidx_a, rows_a, sem_a)
    lwait(didx_a, ldst_a, lsem_a)
    scat(rows_a, ldst_a, sem_a)
    gwait(sidx_b, rows_b, sem_b)
    lwait(didx_b, ldst_b, lsem_b)
    scat(rows_b, ldst_b, sem_b)
    return carry

  for p in range(2):
    pltpu.sync_copy(
        ed_ref.at[pl.ds(wid * EPT_ROWS + p * (EPT_ROWS // 2), EPT_ROWS // 2)],
        ed)
    prep(0, 0, sidx_a, didx_a, ldst_a, lsem_a)
    gather(sidx_a, rows_a, sem_a)
    prep(0, 1, sidx_b, didx_b, ldst_b, lsem_b)
    gather(sidx_b, rows_b, sem_b)
    gwait(sidx_a, rows_a, sem_a)
    lwait(didx_a, ldst_a, lsem_a)
    scat(rows_a, ldst_a, sem_a)
    gwait(sidx_b, rows_b, sem_b)
    lwait(didx_b, ldst_b, lsem_b)
    scat(rows_b, ldst_b, sem_b)
    lax.fori_loop(1, EPT_ROWS // 2, pair, 0)
    swait(rows_a, ldst_a, sem_a)
    swait(rows_b, ldst_b, sem_b)
  plsc.subcore_barrier()

  midx = sidx_a.at[pl.ds(0, P_PER_SUB)]
  mrows = rows_a.at[pl.ds(0, P_PER_SUB)]
  pltpu.sync_copy(rep_ref.at[pl.ds(s * P_PER_SUB, P_PER_SUB)], midx)
  pltpu.async_copy(acc.at[midx], mrows, sem_a).wait()
  pltpu.sync_copy(mrows, out_ref.at[pl.ds(c * P + s * P_PER_SUB, P_PER_SUB)])


def _make_prime():
  return pl.kernel(
      _prime_body,
      out_type=jax.ShapeDtypeStruct((2 * P, H), jnp.float32),
      mesh=_sc_mesh(),
      scratch_types=[
          pltpu.VMEM((EPT_ROWS // 2, EPR), jnp.int32),
          pltpu.VMEM((CHUNK,), jnp.int32),
          pltpu.VMEM((CHUNK,), jnp.int32),
          pltpu.VMEM((CHUNK,), jnp.int32),
          pltpu.VMEM((CHUNK,), jnp.int32),
          pltpu.VMEM((CHUNK,), jnp.int32),
          pltpu.VMEM((CHUNK,), jnp.int32),
          pltpu.VMEM((CHUNK, H), jnp.float32),
          pltpu.VMEM((CHUNK, H), jnp.float32),
          pltpu.VMEM_SHARED((NP,), jnp.int32),
          pltpu.VMEM_SHARED((NP, H), jnp.float32),
          pltpu.VMEM_SHARED((PR, H), jnp.float32),
          pltpu.SemaphoreType.DMA,
          pltpu.SemaphoreType.DMA,
          pltpu.SemaphoreType.DMA,
          pltpu.SemaphoreType.DMA,
      ],
      name="sc_edge_agg_prime",
  )


def _agg_body(prime, h_ref, ed_ref, z_ref, mask_ref, out_ref,
              ed, sidx, didx, rows, acc, sems):
  c = lax.axis_index("c")
  s = lax.axis_index("s")
  wid = c * NS + s

  pltpu.sync_copy(z_ref, acc.at[pl.ds(s * ROWS_PER_SUB, ROWS_PER_SUB)])

  pltpu.sync_copy(ed_ref.at[pl.ds(wid * EPT_ROWS, EPT_ROWS)], ed)
  plsc.subcore_barrier()

  def unpack_c(cr, ch, q):
    _unpack(ed, cr, ch, sidx[q], didx[q])

  def gather(q):
    pltpu.async_copy(h_ref.at[sidx[q]], rows[q], sems[q])

  def gwait(q):
    pltpu.make_async_copy(h_ref.at[sidx[q]], rows[q], sems[q]).wait()

  def scat(q):
    pltpu.async_copy(rows[q], acc.at[didx[q]], sems[q], add=True)

  def swait(q):
    pltpu.make_async_copy(rows[q], acc.at[didx[q]], sems[q]).wait()

  for q in range(NBUF):
    unpack_c(q // 2, q % 2, q)
    gather(q)

  def body(j, carry):
    for q in range(NBUF):
      gwait(q)
      scat(q)
    for q in range(NBUF):
      swait(q)
      unpack_c(2 * j + q // 2, q % 2, q)
      gather(q)
    return carry

  lax.fori_loop(1, NCH // NBUF, body, 0)
  for q in range(NBUF):
    gwait(q)
    scat(q)
  for q in range(NBUF):
    swait(q)
  plsc.subcore_barrier()

  if prime:
    midx = sidx[0]
    mrows = rows[0]
    pltpu.sync_copy(mask_ref.at[pl.ds(s * P_PER_SUB, P_PER_SUB)], midx)
    pltpu.async_copy(acc.at[midx], mrows, sems[0]).wait()
    pltpu.sync_copy(mrows, out_ref.at[pl.ds(c * P + s * P_PER_SUB, P_PER_SUB)])
  else:
    pltpu.sync_copy(acc.at[pl.ds(s * ROWS_PER_SUB, ROWS_PER_SUB)],
                    out_ref.at[pl.ds(c * NP + s * ROWS_PER_SUB, ROWS_PER_SUB)])


def _make_agg(prime):
  out_rows = 2 * P if prime else 2 * NP
  body = functools.partial(_agg_body, prime)
  return pl.kernel(
      body,
      out_type=jax.ShapeDtypeStruct((out_rows, H), jnp.float32),
      mesh=_sc_mesh(),
      scratch_types=[
          pltpu.VMEM((EPT_ROWS, EPR), jnp.int32),
          [pltpu.VMEM((CHUNK,), jnp.int32) for _ in range(NBUF)],
          [pltpu.VMEM((CHUNK,), jnp.int32) for _ in range(NBUF)],
          [pltpu.VMEM((CHUNK, H), jnp.float32) for _ in range(NBUF)],
          pltpu.VMEM_SHARED((NP, H), jnp.float32),
          [pltpu.SemaphoreType.DMA for _ in range(NBUF)],
      ],
      name="sc_edge_agg_prime" if prime else "sc_edge_agg",
  )


def _mm_body(x_ref, w_ref, o_ref):
  o_ref[...] = jnp.dot(x_ref[...], w_ref[...],
                       preferred_element_type=jnp.float32)


def _tc_matmul(x, w):
  m = x.shape[0]
  bm = 1280
  grid = m // bm
  return pl.pallas_call(
      _mm_body,
      grid=(grid,),
      in_specs=[
          pl.BlockSpec((bm, D), lambda i: (i, 0)),
          pl.BlockSpec((D, H), lambda i: (0, 0)),
      ],
      out_specs=pl.BlockSpec((bm, H), lambda i: (i, 0)),
      out_shape=jax.ShapeDtypeStruct((m, H), jnp.float32),
  )(x, w)


def _ln_relu(a, g, b):
  mu = jnp.mean(a, axis=-1, keepdims=True)
  var = jnp.mean((a - mu) ** 2, axis=-1, keepdims=True)
  hn = (a - mu) * lax.rsqrt(var + EPS) * g + b
  return jnp.maximum(hn, 0.0)


def _mid_body(p0_ref, p1_ref, g_ref, b_ref, w_ref, o_ref):
  a = p0_ref[...] + p1_ref[...]
  h = _ln_relu(a, g_ref[...], b_ref[...])
  o_ref[...] = jnp.dot(h, w_ref[...], preferred_element_type=jnp.float32)


def _tc_mid(p0, p1, g, b, w):
  m = p0.shape[0]
  bm = 1280
  grid = m // bm
  return pl.pallas_call(
      _mid_body,
      grid=(grid,),
      in_specs=[
          pl.BlockSpec((bm, H), lambda i: (i, 0)),
          pl.BlockSpec((bm, H), lambda i: (i, 0)),
          pl.BlockSpec((1, H), lambda i: (0, 0)),
          pl.BlockSpec((1, H), lambda i: (0, 0)),
          pl.BlockSpec((H, H), lambda i: (0, 0)),
      ],
      out_specs=pl.BlockSpec((bm, H), lambda i: (i, 0)),
      out_shape=jax.ShapeDtypeStruct((m, H), jnp.float32),
  )(p0, p1, g, b, w)


def _final_body(p0_ref, p1_ref, g_ref, b_ref, w_ref, bl_ref, o_ref):
  a = p0_ref[...] + p1_ref[...]
  h = _ln_relu(a, g_ref[...], b_ref[...])
  z = jnp.dot(h, w_ref[...], preferred_element_type=jnp.float32) + bl_ref[...]
  col = lax.broadcasted_iota(jnp.int32, z.shape, 1)
  z = jnp.where(col < C, z, -1e30)
  m = jnp.max(z, axis=-1, keepdims=True)
  lse = jnp.log(jnp.sum(jnp.exp(z - m), axis=-1, keepdims=True))
  o_ref[...] = z - m - lse


def _tc_final(p0, p1, g, b, w, bl):
  return pl.pallas_call(
      _final_body,
      out_shape=jax.ShapeDtypeStruct((P, H), jnp.float32),
  )(p0, p1, g, b, w, bl)


def kernel(x, edge_index, output_node_mask, W0, ln0_g, ln0_b, W1, ln1_g,
           ln1_b, Wl, bl):
  xp = jnp.pad(x, ((0, NP - N), (0, 0)))
  dst = jnp.concatenate(
      [edge_index[0], jnp.full((E_PAD - E,), NP - 1, jnp.int32)])
  src = jnp.concatenate([edge_index[1], jnp.zeros((E_PAD - E,), jnp.int32)])
  packed = jnp.bitwise_or(src, jnp.left_shift(dst, 16))
  ed2d = packed.reshape(E_PAD // EPR, EPR)
  zeros = jnp.zeros((ROWS_PER_SUB, H), jnp.float32)
  zeros_p = jnp.zeros((PR_PER_SUB, H), jnp.float32)
  dummy_mask = jnp.zeros((P,), jnp.int32)

  g0 = ln0_g.reshape(1, H)
  b0 = ln0_b.reshape(1, H)
  g1 = ln1_g.reshape(1, H)
  b1 = ln1_b.reshape(1, H)
  Wl_pad = jnp.pad(Wl, ((0, 0), (0, H - C)))
  bl_pad = jnp.pad(bl, ((0, H - C))).reshape(1, H)

  h = _tc_matmul(xp, W0)
  parts = _make_agg(False)(h, ed2d, zeros, dummy_mask)
  h2 = _tc_mid(parts[:NP], parts[NP:], g0, b0, W1)
  nmap_arr = jnp.full((NP,), 1024, jnp.int32).at[output_node_mask].set(
      jnp.arange(P, dtype=jnp.int32))
  rep_arr = nmap_arr[output_node_mask]
  parts2 = _make_prime()(h2, ed2d, zeros_p, nmap_arr, rep_arr)
  outp = _tc_final(parts2[:P], parts2[P:], g1, b1, Wl_pad, bl_pad)
  return outp[:, :C]

# --- scband reference (transcript-rebuilt; emitter-appended) ---
"""Pipeline reference for scband-gcn-44633300140578 (READ-ONLY COPY).

The authoritative reference and input builder live on the scoring server;
editing this copy changes nothing except your own understanding.
"""

import jax, jax.numpy as jnp
import numpy as np

N = 10000
E = 320000
D = 128
H = 128
C = 40
P = 1024


def _layer_norm(h, g, b, eps=1e-5):
    mu = jnp.mean(h, axis=-1, keepdims=True)
    var = jnp.mean((h - mu) ** 2, axis=-1, keepdims=True)
    return (h - mu) / jnp.sqrt(var + eps) * g + b


def setup_inputs(seed: int = 0) -> dict:
    key = jax.random.key(seed)
    ks = jax.random.split(key, 12)
    x = jax.random.normal(ks[0], (N, D), dtype=jnp.float32)
    edge_index = jax.random.randint(ks[1], (2, E), 0, N, dtype=jnp.int32)
    output_node_mask = jax.random.randint(ks[2], (P,), 0, N, dtype=jnp.int32)
    # GCNConv lin layers (bias=False in torch_geometric GCNConv.lin)
    W0 = jax.random.normal(ks[3], (D, H), dtype=jnp.float32) * (1.0 / np.sqrt(D))
    W1 = jax.random.normal(ks[4], (H, H), dtype=jnp.float32) * (1.0 / np.sqrt(H))
    # LayerNorm params (elementwise_affine=True)
    ln0_g = jnp.ones((H,), dtype=jnp.float32)
    ln0_b = jnp.zeros((H,), dtype=jnp.float32)
    ln1_g = jnp.ones((H,), dtype=jnp.float32)
    ln1_b = jnp.zeros((H,), dtype=jnp.float32)
    # final Linear
    Wl = jax.random.normal(ks[5], (H, C), dtype=jnp.float32) * (1.0 / np.sqrt(H))
    bl = jnp.zeros((C,), dtype=jnp.float32)
    return {
        'x': x, 'edge_index': edge_index, 'output_node_mask': output_node_mask,
        'W0': W0, 'ln0_g': ln0_g, 'ln0_b': ln0_b,
        'W1': W1, 'ln1_g': ln1_g, 'ln1_b': ln1_b,
        'Wl': Wl, 'bl': bl,
    }


def reference(x, edge_index, output_node_mask, W0, ln0_g, ln0_b, W1, ln1_g, ln1_b, Wl, bl):
    # MyGCNConv.forward: x = lin(x); out = matmul(adj, x, reduce='add')
    # SparseTensor adj: row=edge_index[0] (dst), col=edge_index[1] (src);
    # matmul(adj, x)[i] = sum_{j: (i,j) in adj} x[j] -> scatter-add of x[src] into dst.
    dst = edge_index[0]
    src = edge_index[1]
    # layer 0 (full graph)
    h = x @ W0
    agg = jax.ops.segment_sum(h[src], dst, num_segments=N)
    h = _layer_norm(agg, ln0_g, ln0_b)
    h = jax.nn.relu(h)  # dropout p=0.5 skipped (eval mode)
    # layer 1 (last layer): adj[prime_index, :] @ lin(x) == full scatter then gather prime rows
    h2 = h @ W1
    agg2 = jax.ops.segment_sum(h2[src], dst, num_segments=N)
    agg2 = agg2[output_node_mask]
    h2 = _layer_norm(agg2, ln1_g, ln1_b)
    h2 = jax.nn.relu(h2)
    out = h2 @ Wl + bl
    return jax.nn.log_softmax(out, axis=-1)

if __name__ == "__main__":
    import jax
    _d = setup_inputs()
    print(jax.jit(kernel)(*tuple(_d.values())))

</pallas_src>

<mosaic_0001>
#map = affine_map<(d0, d1) -> (0, 0)>
#map1 = affine_map<(d0, d1) -> (0)>
module attributes {stable_mosaic.version = 14 : i64} {
  func.func @sc_edge_agg(%arg0: i32, %arg1: i32, %arg2: memref<10240x128xf32, #tpu.memory_space<hbm>>, %arg3: memref<2560x128xi32, #tpu.memory_space<hbm>>, %arg4: memref<640x128xf32, #tpu.memory_space<hbm>>, %arg5: memref<1024xi32, #tpu.memory_space<hbm>>, %arg6: memref<20480x128xf32, #tpu.memory_space<hbm>>, %arg7: memref<80x128xi32, #tpu.memory_space<vmem>>, %arg8: memref<64xi32, #tpu.memory_space<vmem>>, %arg9: memref<64xi32, #tpu.memory_space<vmem>>, %arg10: memref<64xi32, #tpu.memory_space<vmem>>, %arg11: memref<64xi32, #tpu.memory_space<vmem>>, %arg12: memref<64xi32, #tpu.memory_space<vmem>>, %arg13: memref<64xi32, #tpu.memory_space<vmem>>, %arg14: memref<64xi32, #tpu.memory_space<vmem>>, %arg15: memref<64xi32, #tpu.memory_space<vmem>>, %arg16: memref<64x128xf32, #tpu.memory_space<vmem>>, %arg17: memref<64x128xf32, #tpu.memory_space<vmem>>, %arg18: memref<64x128xf32, #tpu.memory_space<vmem>>, %arg19: memref<64x128xf32, #tpu.memory_space<vmem>>, %arg20: memref<10240x128xf32, #tpu.memory_space<vmem_shared>>, %arg21: memref<!tpu.dma_semaphore, #tpu.memory_space<semaphore_mem>>, %arg22: memref<!tpu.dma_semaphore, #tpu.memory_space<semaphore_mem>>, %arg23: memref<!tpu.dma_semaphore, #tpu.memory_space<semaphore_mem>>, %arg24: memref<!tpu.dma_semaphore, #tpu.memory_space<semaphore_mem>>) attributes {dimension_semantics = [#tpu.dimension_semantics<core_parallel>, #tpu.dimension_semantics<subcore_parallel>], iteration_bounds = array<i64: 2, 16>, scalar_prefetch = 0 : i64, scratch_operands = 18 : i64, tpu.core_type = #tpu.core_type<sc_vector_subcore>, window_params = [{transform_indices = #map}, {transform_indices = #map}, {transform_indices = #map}, {transform_indices = #map1}, {transform_indices = #map}]} {
    %mul3A = arith.constant 16 : i32
    %mul3A_0 = arith.muli %arg0, %mul3A : i32
    %add3A = arith.addi %mul3A_0, %arg1 : i32
    %mul3A_1 = arith.constant 640 : i32
    %mul3A_2 = arith.muli %arg1, %mul3A_1 : i32
    "tpu.region"() ({
      %run_scoped3A = tpu.sem_alloc : memref<!tpu.dma_semaphore, #tpu.memory_space<semaphore_mem>>
      %dma_start3A_396 = arith.constant 0 : i32
      %dma_start3A_397 = tpu.memref_slice %arg20[%mul3A_2, %dma_start3A_396] : memref<10240x128xf32, #tpu.memory_space<vmem_shared>> -> memref<640x128xf32, #tpu.memory_space<vmem_shared>>
      tpu.enqueue_dma source(%arg4 : memref<640x128xf32, #tpu.memory_space<hbm>>) target(%dma_start3A_397 : memref<640x128xf32, #tpu.memory_space<vmem_shared>>) target_semaphore(%run_scoped3A : memref<!tpu.dma_semaphore, #tpu.memory_space<semaphore_mem>>)
      %dma_wait3A_398 = arith.constant 0 : i32
      %dma_wait3A_399 = tpu.memref_slice %arg20[%mul3A_2, %dma_wait3A_398] : memref<10240x128xf32, #tpu.memory_space<vmem_shared>> -> memref<640x128xf32, #tpu.memory_space<vmem_shared>>
      tpu.wait_dma2 semaphore(%run_scoped3A : memref<!tpu.dma_semaphore, #tpu.memory_space<semaphore_mem>>) src(%arg4 : memref<640x128xf32, #tpu.memory_space<hbm>>) dst(%dma_wait3A_399 : memref<640x128xf32, #tpu.memory_space<vmem_shared>>)
      tpu.yield
    }) : () -> ()
    %mul3A_3 = arith.constant 80 : i32
    %mul3A_4 = arith.muli %add3A, %mul3A_3 : i32
    "tpu.region"() ({
      %run_scoped3A = tpu.sem_alloc : memref<!tpu.dma_semaphore, #tpu.memory_space<semaphore_mem>>
      %dma_start3A_396 = arith.constant 0 : i32
      %dma_start3A_397 = tpu.memref_slice %arg3[%mul3A_4, %dma_start3A_396] : memref<2560x128xi32, #tpu.memory_space<hbm>> -> memref<80x128xi32, #tpu.memory_space<hbm>>
      %dma_start3A_398 = arith.constant 0 : i32
      %dma_start3A_399 = tpu.memref_slice %arg3[%mul3A_4, %dma_start3A_398] : memref<2560x128xi32, #tpu.memory_space<hbm>> -> memref<80x128xi32, #tpu.memory_space<hbm>>
      tpu.enqueue_dma source(%dma_start3A_399 : memref<80x128xi32, #tpu.memory_space<hbm>>) target(%arg7 : memref<80x128xi32, #tpu.memory_space<vmem>>) target_semaphore(%run_scoped3A : memref<!tpu.dma_semaphore, #tpu.memory_space<semaphore_mem>>)
      %dma_wait3A_400 = arith.constant 0 : i32
      %dma_wait3A_401 = tpu.memref_slice %arg3[%mul3A_4, %dma_wait3A_400] : memref<2560x128xi32, #tpu.memory_space<hbm>> -> memref<80x128xi32, #tpu.memory_space<hbm>>
      %dma_wait3A_402 = arith.constant 0 : i32
      %dma_wait3A_403 = tpu.memref_slice %arg3[%mul3A_4, %dma_wait3A_402] : memref<2560x128xi32, #tpu.memory_space<hbm>> -> memref<80x128xi32, #tpu.memory_space<hbm>>
      tpu.wait_dma2 semaphore(%run_scoped3A : memref<!tpu.dma_semaphore, #tpu.memory_space<semaphore_mem>>) src(%dma_wait3A_403 : memref<80x128xi32, #tpu.memory_space<hbm>>) dst(%arg7 : memref<80x128xi32, #tpu.memory_space<vmem>>)
      tpu.yield
    }) : () -> ()
    %barrier3A = arith.constant 0 : index
    tpu.barrier barrier_id(%barrier3A)
    %get3A = arith.constant 0 : i32
    %get3A_5 = arith.constant 0 : i32
    %get3A_6 = tpu.memref_slice %arg7[%get3A, %get3A_5] : memref<80x128xi32, #tpu.memory_space<vmem>> -> memref<1x128xi32, #tpu.memory_space<vmem>>
    %get3A_7 = tpu.memref_squeeze %get3A_6 : memref<1x128xi32, #tpu.memory_space<vmem>> -> memref<128xi32, #tpu.memory_space<vmem>>
    %get3A_8 = arith.constant 0 : index
    %get3A_9 = tpu.vector_load %get3A_7[%get3A_8] {strides = array<i32>} : memref<128xi32, #tpu.memory_space<vmem>>, vector<16xi32>,
    %get3A_10 = vector.shape_cast %get3A_9 : vector<16xi32> to vector<16xi32>
    %and3A = arith.constant 65535 : i32
    %and3A_11 = vector.broadcast %and3A : i32 to vector<16xi32>
    %and3A_12 = arith.andi %get3A_10, %and3A_11 : vector<16xi32>
    %swap3A = arith.constant 0 : index
    %swap3A_13 = tpu.vector_load %arg8[%swap3A] {strides = array<i32>} : memref<64xi32, #tpu.memory_space<vmem>>, vector<16xi32>,
    %swap3A_14 = vector.shape_cast %swap3A_13 : vector<16xi32> to vector<16xi32>
    %swap3A_15 = vector.shape_cast %and3A_12 : vector<16xi32> to vector<16xi32>
    tpu.vector_store %arg8[%swap3A], %swap3A_15 {strides = array<i32>} : memref<64xi32, #tpu.memory_space<vmem>>, vector<16xi32>,
    %shift_right_logical3A = arith.constant 16 : i32
    %shift_right_logical3A_16 = vector.broadcast %shift_right_logical3A : i32 to vector<16xi32>
    %shift_right_logical3A_17 = arith.shrui %get3A_10, %shift_right_logical3A_16 : vector<16xi32>
    %swap3A_18 = arith.constant 0 : index
    %swap3A_19 = tpu.vector_load %arg12[%swap3A_18] {strides = array<i32>} : memref<64xi32, #tpu.memory_space<vmem>>, vector<16xi32>,
    %swap3A_20 = vector.shape_cast %swap3A_19 : vector<16xi32> to vector<16xi32>
    %swap3A_21 = vector.shape_cast %shift_right_logical3A_17 : vector<16xi32> to vector<16xi32>
    tpu.vector_store %arg12[%swap3A_18], %swap3A_21 {strides = array<i32>} : memref<64xi32, #tpu.memory_space<vmem>>, vector<16xi32>,
    %get3A_22 = arith.constant 0 : i32
    %get3A_23 = arith.constant 0 : i32
    %get3A_24 = tpu.memref_slice %arg7[%get3A_22, %get3A_23] : memref<80x128xi32, #tpu.memory_space<vmem>> -> memref<1x128xi32, #tpu.memory_space<vmem>>
    %get3A_25 = tpu.memref_squeeze %get3A_24 : memref<1x128xi32, #tpu.memory_space<vmem>> -> memref<128xi32, #tpu.memory_space<vmem>>
    %get3A_26 = arith.constant 16 : index
    %get3A_27 = tpu.vector_load %get3A_25[%get3A_26] {strides = array<i32>} : memref<128xi32, #tpu.memory_space<vmem>>, vector<16xi32>,
    %get3A_28 = vector.shape_cast %get3A_27 : vector<16xi32> to vector<16xi32>
    %and3A_29 = arith.constant 65535 : i32
    %and3A_30 = vector.broadcast %and3A_29 : i32 to vector<16xi32>
    %and3A_31 = arith.andi %get3A_28, %and3A_30 : vector<16xi32>
    %swap3A_32 = arith.constant 16 : index
    %swap3A_33 = tpu.vector_load %arg8[%swap3A_32] {strides = array<i32>} : memref<64xi32, #tpu.memory_space<vmem>>, vector<16xi32>,
    %swap3A_34 = vector.shape_cast %swap3A_33 : vector<16xi32> to vector<16xi32>
    %swap3A_35 = vector.shape_cast %and3A_31 : vector<16xi32> to vector<16xi32>
    tpu.vector_store %arg8[%swap3A_32], %swap3A_35 {strides = array<i32>} : memref<64xi32, #tpu.memory_space<vmem>>, vector<16xi32>,
    %shift_right_logical3A_36 = arith.constant 16 : i32
    %shift_right_logical3A_37 = vector.broadcast %shift_right_logical3A_36 : i32 to vector<16xi32>
    %shift_right_logical3A_38 = arith.shrui %get3A_28, %shift_right_logical3A_37 : vector<16xi32>
    %swap3A_39 = arith.constant 16 : index
    %swap3A_40 = tpu.vector_load %arg12[%swap3A_39] {strides = array<i32>} : memref<64xi32, #tpu.memory_space<vmem>>, vector<16xi32>,
    %swap3A_41 = vector.shape_cast %swap3A_40 : vector<16xi32> to vector<16xi32>
    %swap3A_42 = vector.shape_cast %shift_right_logical3A_38 : vector<16xi32> to vector<16xi32>
    tpu.vector_store %arg12[%swap3A_39], %swap3A_42 {strides = array<i32>} : memref<64xi32, #tpu.memory_space<vmem>>, vector<16xi32>,
    %get3A_43 = arith.constant 0 : i32
    %get3A_44 = arith.constant 0 : i32
    %get3A_45 = tpu.memref_slice %arg7[%get3A_43, %get3A_44] : memref<80x128xi32, #tpu.memory_space<vmem>> -> memref<1x128xi32, #tpu.memory_space<vmem>>
    %get3A_46 = tpu.memref_squeeze %get3A_45 : memref<1x128xi32, #tpu.memory_space<vmem>> -> memref<128xi32, #tpu.memory_space<vmem>>
    %get3A_47 = arith.constant 32 : index
    %get3A_48 = tpu.vector_load %get3A_46[%get3A_47] {strides = array<i32>} : memref<128xi32, #tpu.memory_space<vmem>>, vector<16xi32>,
    %get3A_49 = vector.shape_cast %get3A_48 : vector<16xi32> to vector<16xi32>
    %and3A_50 = arith.constant 65535 : i32
    %and3A_51 = vector.broadcast %and3A_50 : i32 to vector<16xi32>
    %and3A_52 = arith.andi %get3A_49, %and3A_51 : vector<16xi32>
    %swap3A_53 = arith.constant 32 : index
    %swap3A_54 = tpu.vector_load %arg8[%swap3A_53] {strides = array<i32>} : memref<64xi32, #tpu.memory_space<vmem>>, vector<16xi32>,
    %swap3A_55 = vector.shape_cast %swap3A_54 : vector<16xi32> to vector<16xi32>
    %swap3A_56 = vector.shape_cast %and3A_52 : vector<16xi32> to vector<16xi32>
    tpu.vector_store %arg8[%swap3A_53], %swap3A_56 {strides = array<i32>} : memref<64xi32, #tpu.memory_space<vmem>>, vector<16xi32>,
    %shift_right_logical3A_57 = arith.constant 16 : i32
    %shift_right_logical3A_58 = vector.broadcast %shift_right_logical3A_57 : i32 to vector<16xi32>
    %shift_right_logical3A_59 = arith.shrui %get3A_49, %shift_right_logical3A_58 : vector<16xi32>
    %swap3A_60 = arith.constant 32 : index
    %swap3A_61 = tpu.vector_load %arg12[%swap3A_60] {strides = array<i32>} : memref<64xi32, #tpu.memory_space<vmem>>, vector<16xi32>,
    %swap3A_62 = vector.shape_cast %swap3A_61 : vector<16xi32> to vector<16xi32>
    %swap3A_63 = vector.shape_cast %shift_right_logical3A_59 : vector<16xi32> to vector<16xi32>
    tpu.vector_store %arg12[%swap3A_60], %swap3A_63 {strides = array<i32>} : memref<64xi32, #tpu.memory_space<vmem>>, vector<16xi32>,
    %get3A_64 = arith.constant 0 : i32
    %get3A_65 = arith.constant 0 : i32
    %get3A_66 = tpu.memref_slice %arg7[%get3A_64, %get3A_65] : memref<80x128xi32, #tpu.memory_space<vmem>> -> memref<1x128xi32, #tpu.memory_space<vmem>>
    %get3A_67 = tpu.memref_squeeze %get3A_66 : memref<1x128xi32, #tpu.memory_space<vmem>> -> memref<128xi32, #tpu.memory_space<vmem>>
    %get3A_68 = arith.constant 48 : index
    %get3A_69 = tpu.vector_load %get3A_67[%get3A_68] {strides = array<i32>} : memref<128xi32, #tpu.memory_space<vmem>>, vector<16xi32>,
    %get3A_70 = vector.shape_cast %get3A_69 : vector<16xi32> to vector<16xi32>
    %and3A_71 = arith.constant 65535 : i32
    %and3A_72 = vector.broadcast %and3A_71 : i32 to vector<16xi32>
    %and3A_73 = arith.andi %get3A_70, %and3A_72 : vector<16xi32>
    %swap3A_74 = arith.constant 48 : index
    %swap3A_75 = tpu.vector_load %arg8[%swap3A_74] {strides = array<i32>} : memref<64xi32, #tpu.memory_space<vmem>>, vector<16xi32>,
    %swap3A_76 = vector.shape_cast %swap3A_75 : vector<16xi32> to vector<16xi32>
    %swap3A_77 = vector.shape_cast %and3A_73 : vector<16xi32> to vector<16xi32>
    tpu.vector_store %arg8[%swap3A_74], %swap3A_77 {strides = array<i32>} : memref<64xi32, #tpu.memory_space<vmem>>, vector<16xi32>,
    %shift_right_logical3A_78 = arith.constant 16 : i32
    %shift_right_logical3A_79 = vector.broadcast %shift_right_logical3A_78 : i32 to vector<16xi32>
    %shift_right_logical3A_80 = arith.shrui %get3A_70, %shift_right_logical3A_79 : vector<16xi32>
    %swap3A_81 = arith.constant 48 : index
    %swap3A_82 = tpu.vector_load %arg12[%swap3A_81] {strides = array<i32>} : memref<64xi32, #tpu.memory_space<vmem>>, vector<16xi32>,
    %swap3A_83 = vector.shape_cast %swap3A_82 : vector<16xi32> to vector<16xi32>
    %swap3A_84 = vector.shape_cast %shift_right_logical3A_80 : vector<16xi32> to vector<16xi32>
    tpu.vector_store %arg12[%swap3A_81], %swap3A_84 {strides = array<i32>} : memref<64xi32, #tpu.memory_space<vmem>>, vector<16xi32>,
    %dma_start3A = arith.constant 0 : i32
    %dma_start3A_85 = arith.constant 0 : i32
    %dma_start3A_86 = tpu.memref_slice %arg2[%dma_start3A, %dma_start3A_85] : memref<10240x128xf32, #tpu.memory_space<hbm>> -> memref<10240x128xf32, #tpu.memory_space<hbm>>
    tpu.enqueue_indirect_dma source(%dma_start3A_86 : memref<10240x128xf32, #tpu.memory_space<hbm>>) target(%arg16 : memref<64x128xf32, #tpu.memory_space<vmem>>) offsets(%arg8 : memref<64xi32, #tpu.memory_space<vmem>>) semaphore(%arg21 : memref<!tpu.dma_semaphore, #tpu.memory_space<semaphore_mem>>)
    %get3A_87 = arith.constant 0 : i32
    %get3A_88 = arith.constant 0 : i32
    %get3A_89 = tpu.memref_slice %arg7[%get3A_87, %get3A_88] : memref<80x128xi32, #tpu.memory_space<vmem>> -> memref<1x128xi32, #tpu.memory_space<vmem>>
    %get3A_90 = tpu.memref_squeeze %get3A_89 : memref<1x128xi32, #tpu.memory_space<vmem>> -> memref<128xi32, #tpu.memory_space<vmem>>
    %get3A_91 = arith.constant 64 : index
    %get3A_92 = tpu.vector_load %get3A_90[%get3A_91] {strides = array<i32>} : memref<128xi32, #tpu.memory_space<vmem>>, vector<16xi32>,
    %get3A_93 = vector.shape_cast %get3A_92 : vector<16xi32> to vector<16xi32>
    %and3A_94 = arith.constant 65535 : i32
    %and3A_95 = vector.broadcast %and3A_94 : i32 to vector<16xi32>
    %and3A_96 = arith.andi %get3A_93, %and3A_95 : vector<16xi32>
    %swap3A_97 = arith.constant 0 : index
    %swap3A_98 = tpu.vector_load %arg9[%swap3A_97] {strides = array<i32>} : memref<64xi32, #tpu.memory_space<vmem>>, vector<16xi32>,
    %swap3A_99 = vector.shape_cast %swap3A_98 : vector<16xi32> to vector<16xi32>
    %swap3A_100 = vector.shape_cast %and3A_96 : vector<16xi32> to vector<16xi32>
    tpu.vector_store %arg9[%swap3A_97], %swap3A_100 {strides = array<i32>} : memref<64xi32, #tpu.memory_space<vmem>>, vector<16xi32>,
    %shift_right_logical3A_101 = arith.constant 16 : i32
    %shift_right_logical3A_102 = vector.broadcast %shift_right_logical3A_101 : i32 to vector<16xi32>
    %shift_right_logical3A_103 = arith.shrui %get3A_93, %shift_right_logical3A_102 : vector<16xi32>
    %swap3A_104 = arith.constant 0 : index
    %swap3A_105 = tpu.vector_load %arg13[%swap3A_104] {strides = array<i32>} : memref<64xi32, #tpu.memory_space<vmem>>, vector<16xi32>,
    %swap3A_106 = vector.shape_cast %swap3A_105 : vector<16xi32> to vector<16xi32>
    %swap3A_107 = vector.shape_cast %shift_right_logical3A_103 : vector<16xi32> to vector<16xi32>
    tpu.vector_store %arg13[%swap3A_104], %swap3A_107 {strides = array<i32>} : memref<64xi32, #tpu.memory_space<vmem>>, vector<16xi32>,
    %get3A_108 = arith.constant 0 : i32
    %get3A_109 = arith.constant 0 : i32
    %get3A_110 = tpu.memref_slice %arg7[%get3A_108, %get3A_109] : memref<80x128xi32, #tpu.memory_space<vmem>> -> memref<1x128xi32, #tpu.memory_space<vmem>>
    %get3A_111 = tpu.memref_squeeze %get3A_110 : memref<1x128xi32, #tpu.memory_space<vmem>> -> memref<128xi32, #tpu.memory_space<vmem>>
    %get3A_112 = arith.constant 80 : index
    %get3A_113 = tpu.vector_load %get3A_111[%get3A_112] {strides = array<i32>} : memref<128xi32, #tpu.memory_space<vmem>>, vector<16xi32>,
    %get3A_114 = vector.shape_cast %get3A_113 : vector<16xi32> to vector<16xi32>
    %and3A_115 = arith.constant 65535 : i32
    %and3A_116 = vector.broadcast %and3A_115 : i32 to vector<16xi32>
    %and3A_117 = arith.andi %get3A_114, %and3A_116 : vector<16xi32>
    %swap3A_118 = arith.constant 16 : index
    %swap3A_119 = tpu.vector_load %arg9[%swap3A_118] {strides = array<i32>} : memref<64xi32, #tpu.memory_space<vmem>>, vector<16xi32>,
    %swap3A_120 = vector.shape_cast %swap3A_119 : vector<16xi32> to vector<16xi32>
    %swap3A_121 = vector.shape_cast %and3A_117 : vector<16xi32> to vector<16xi32>
    tpu.vector_store %arg9[%swap3A_118], %swap3A_121 {strides = array<i32>} : memref<64xi32, #tpu.memory_space<vmem>>, vector<16xi32>,
    %shift_right_logical3A_122 = arith.constant 16 : i32
    %shift_right_logical3A_123 = vector.broadcast %shift_right_logical3A_122 : i32 to vector<16xi32>
    %shift_right_logical3A_124 = arith.shrui %get3A_114, %shift_right_logical3A_123 : vector<16xi32>
    %swap3A_125 = arith.constant 16 : index
    %swap3A_126 = tpu.vector_load %arg13[%swap3A_125] {strides = array<i32>} : memref<64xi32, #tpu.memory_space<vmem>>, vector<16xi32>,
    %swap3A_127 = vector.shape_cast %swap3A_126 : vector<16xi32> to vector<16xi32>
    %swap3A_128 = vector.shape_cast %shift_right_logical3A_124 : vector<16xi32> to vector<16xi32>
    tpu.vector_store %arg13[%swap3A_125], %swap3A_128 {strides = array<i32>} : memref<64xi32, #tpu.memory_space<vmem>>, vector<16xi32>,
    %get3A_129 = arith.constant 0 : i32
    %get3A_130 = arith.constant 0 : i32
    %get3A_131 = tpu.memref_slice %arg7[%get3A_129, %get3A_130] : memref<80x128xi32, #tpu.memory_space<vmem>> -> memref<1x128xi32, #tpu.memory_space<vmem>>
    %get3A_132 = tpu.memref_squeeze %get3A_131 : memref<1x128xi32, #tpu.memory_space<vmem>> -> memref<128xi32, #tpu.memory_space<vmem>>
    %get3A_133 = arith.constant 96 : index
    %get3A_134 = tpu.vector_load %get3A_132[%get3A_133] {strides = array<i32>} : memref<128xi32, #tpu.memory_space<vmem>>, vector<16xi32>,
    %get3A_135 = vector.shape_cast %get3A_134 : vector<16xi32> to vector<16xi32>
    %and3A_136 = arith.constant 65535 : i32
    %and3A_137 = vector.broadcast %and3A_136 : i32 to vector<16xi32>
    %and3A_138 = arith.andi %get3A_135, %and3A_137 : vector<16xi32>
    %swap3A_139 = arith.constant 32 : index
    %swap3A_140 = tpu.vector_load %arg9[%swap3A_139] {strides = array<i32>} : memref<64xi32, #tpu.memory_space<vmem>>, vector<16xi32>,
    %swap3A_141 = vector.shape_cast %swap3A_140 : vector<16xi32> to vector<16xi32>
    %swap3A_142 = vector.shape_cast %and3A_138 : vector<16xi32> to vector<16xi32>
    tpu.vector_store %arg9[%swap3A_139], %swap3A_142 {strides = array<i32>} : memref<64xi32, #tpu.memory_space<vmem>>, vector<16xi32>,
    %shift_right_logical3A_143 = arith.constant 16 : i32
    %shift_right_logical3A_144 = vector.broadcast %shift_right_logical3A_143 : i32 to vector<16xi32>
    %shift_right_logical3A_145 = arith.shrui %get3A_135, %shift_right_logical3A_144 : vector<16xi32>
    %swap3A_146 = arith.constant 32 : index
    %swap3A_147 = tpu.vector_load %arg13[%swap3A_146] {strides = array<i32>} : memref<64xi32, #tpu.memory_space<vmem>>, vector<16xi32>,
    %swap3A_148 = vector.shape_cast %swap3A_147 : vector<16xi32> to vector<16xi32>
    %swap3A_149 = vector.shape_cast %shift_right_logical3A_145 : vector<16xi32> to vector<16xi32>
    tpu.vector_store %arg13[%swap3A_146], %swap3A_149 {strides = array<i32>} : memref<64xi32, #tpu.memory_space<vmem>>, vector<16xi32>,
    %get3A_150 = arith.constant 0 : i32
    %get3A_151 = arith.constant 0 : i32
    %get3A_152 = tpu.memref_slice %arg7[%get3A_150, %get3A_151] : memref<80x128xi32, #tpu.memory_space<vmem>> -> memref<1x128xi32, #tpu.memory_space<vmem>>
    %get3A_153 = tpu.memref_squeeze %get3A_152 : memref<1x128xi32, #tpu.memory_space<vmem>> -> memref<128xi32, #tpu.memory_space<vmem>>
    %get3A_154 = arith.constant 112 : index
    %get3A_155 = tpu.vector_load %get3A_153[%get3A_154] {strides = array<i32>} : memref<128xi32, #tpu.memory_space<vmem>>, vector<16xi32>,
    %get3A_156 = vector.shape_cast %get3A_155 : vector<16xi32> to vector<16xi32>
    %and3A_157 = arith.constant 65535 : i32
    %and3A_158 = vector.broadcast %and3A_157 : i32 to vector<16xi32>
    %and3A_159 = arith.andi %get3A_156, %and3A_158 : vector<16xi32>
    %swap3A_160 = arith.constant 48 : index
    %swap3A_161 = tpu.vector_load %arg9[%swap3A_160] {strides = array<i32>} : memref<64xi32, #tpu.memory_space<vmem>>, vector<16xi32>,
    %swap3A_162 = vector.shape_cast %swap3A_161 : vector<16xi32> to vector<16xi32>
    %swap3A_163 = vector.shape_cast %and3A_159 : vector<16xi32> to vector<16xi32>
    tpu.vector_store %arg9[%swap3A_160], %swap3A_163 {strides = array<i32>} : memref<64xi32, #tpu.memory_space<vmem>>, vector<16xi32>,
    %shift_right_logical3A_164 = arith.constant 16 : i32
    %shift_right_logical3A_165 = vector.broadcast %shift_right_logical3A_164 : i32 to vector<16xi32>
    %shift_right_logical3A_166 = arith.shrui %get3A_156, %shift_right_logical3A_165 : vector<16xi32>
    %swap3A_167 = arith.constant 48 : index
    %swap3A_168 = tpu.vector_load %arg13[%swap3A_167] {strides = array<i32>} : memref<64xi32, #tpu.memory_space<vmem>>, vector<16xi32>,
    %swap3A_169 = vector.shape_cast %swap3A_168 : vector<16xi32> to vector<16xi32>
    %swap3A_170 = vector.shape_cast %shift_right_logical3A_166 : vector<16xi32> to vector<16xi32>
    tpu.vector_store %arg13[%swap3A_167], %swap3A_170 {strides = array<i32>} : memref<64xi32, #tpu.memory_space<vmem>>, vector<16xi32>,
    %dma_start3A_171 = arith.constant 0 : i32
    %dma_start3A_172 = arith.constant 0 : i32
    %dma_start3A_173 = tpu.memref_slice %arg2[%dma_start3A_171, %dma_start3A_172] : memref<10240x128xf32, #tpu.memory_space<hbm>> -> memref<10240x128xf32, #tpu.memory_space<hbm>>
    tpu.enqueue_indirect_dma source(%dma_start3A_173 : memref<10240x128xf32, #tpu.memory_space<hbm>>) target(%arg17 : memref<64x128xf32, #tpu.memory_space<vmem>>) offsets(%arg9 : memref<64xi32, #tpu.memory_space<vmem>>) semaphore(%arg22 : memref<!tpu.dma_semaphore, #tpu.memory_space<semaphore_mem>>)
    %get3A_174 = arith.constant 1 : i32
    %get3A_175 = arith.constant 0 : i32
    %get3A_176 = tpu.memref_slice %arg7[%get3A_174, %get3A_175] : memref<80x128xi32, #tpu.memory_space<vmem>> -> memref<1x128xi32, #tpu.memory_space<vmem>>
    %get3A_177 = tpu.memref_squeeze %get3A_176 : memref<1x128xi32, #tpu.memory_space<vmem>> -> memref<128xi32, #tpu.memory_space<vmem>>
    %get3A_178 = arith.constant 0 : index
    %get3A_179 = tpu.vector_load %get3A_177[%get3A_178] {strides = array<i32>} : memref<128xi32, #tpu.memory_space<vmem>>, vector<16xi32>,
    %get3A_180 = vector.shape_cast %get3A_179 : vector<16xi32> to vector<16xi32>
    %and3A_181 = arith.constant 65535 : i32
    %and3A_182 = vector.broadcast %and3A_181 : i32 to vector<16xi32>
    %and3A_183 = arith.andi %get3A_180, %and3A_182 : vector<16xi32>
    %swap3A_184 = arith.constant 0 : index
    %swap3A_185 = tpu.vector_load %arg10[%swap3A_184] {strides = array<i32>} : memref<64xi32, #tpu.memory_space<vmem>>, vector<16xi32>,
    %swap3A_186 = vector.shape_cast %swap3A_185 : vector<16xi32> to vector<16xi32>
    %swap3A_187 = vector.shape_cast %and3A_183 : vector<16xi32> to vector<16xi32>
    tpu.vector_store %arg10[%swap3A_184], %swap3A_187 {strides = array<i32>} : memref<64xi32, #tpu.memory_space<vmem>>, vector<16xi32>,
    %shift_right_logical3A_188 = arith.constant 16 : i32
    %shift_right_logical3A_189 = vector.broadcast %shift_right_logical3A_188 : i32 to vector<16xi32>
    %shift_right_logical3A_190 = arith.shrui %get3A_180, %shift_right_logical3A_189 : vector<16xi32>
    %swap3A_191 = arith.constant 0 : index
    %swap3A_192 = tpu.vector_load %arg14[%swap3A_191] {strides = array<i32>} : memref<64xi32, #tpu.memory_space<vmem>>, vector<16xi32>,
    %swap3A_193 = vector.shape_cast %swap3A_192 : vector<16xi32> to vector<16xi32>
    %swap3A_194 = vector.shape_cast %shift_right_logical3A_190 : vector<16xi32> to vector<16xi32>
    tpu.vector_store %arg14[%swap3A_191], %swap3A_194 {strides = array<i32>} : memref<64xi32, #tpu.memory_space<vmem>>, vector<16xi32>,
    %get3A_195 = arith.constant 1 : i32
    %get3A_196 = arith.constant 0 : i32
    %get3A_197 = tpu.memref_slice %arg7[%get3A_195, %get3A_196] : memref<80x128xi32, #tpu.memory_space<vmem>> -> memref<1x128xi32, #tpu.memory_space<vmem>>
    %get3A_198 = tpu.memref_squeeze %get3A_197 : memref<1x128xi32, #tpu.memory_space<vmem>> -> memref<128xi32, #tpu.memory_space<vmem>>
    %get3A_199 = arith.constant 16 : index
    %get3A_200 = tpu.vector_load %get3A_198[%get3A_199] {strides = array<i32>} : memref<128xi32, #tpu.memory_space<vmem>>, vector<16xi32>,
    %get3A_201 = vector.shape_cast %get3A_200 : vector<16xi32> to vector<16xi32>
    %and3A_202 = arith.constant 65535 : i32
    %and3A_203 = vector.broadcast %and3A_202 : i32 to vector<16xi32>
    %and3A_204 = arith.andi %get3A_201, %and3A_203 : vector<16xi32>
    %swap3A_205 = arith.constant 16 : index
    %swap3A_206 = tpu.vector_load %arg10[%swap3A_205] {strides = array<i32>} : memref<64xi32, #tpu.memory_space<vmem>>, vector<16xi32>,
    %swap3A_207 = vector.shape_cast %swap3A_206 : vector<16xi32> to vector<16xi32>
    %swap3A_208 = vector.shape_cast %and3A_204 : vector<16xi32> to vector<16xi32>
    tpu.vector_store %arg10[%swap3A_205], %swap3A_208 {strides = array<i32>} : memref<64xi32, #tpu.memory_space<vmem>>, vector<16xi32>,
    %shift_right_logical3A_209 = arith.constant 16 : i32
    %shift_right_logical3A_210 = vector.broadcast %shift_right_logical3A_209 : i32 to vector<16xi32>
    %shift_right_logical3A_211 = arith.shrui %get3A_201, %shift_right_logical3A_210 : vector<16xi32>
    %swap3A_212 = arith.constant 16 : index
    %swap3A_213 = tpu.vector_load %arg14[%swap3A_212] {strides = array<i32>} : memref<64xi32, #tpu.memory_space<vmem>>, vector<16xi32>,
    %swap3A_214 = vector.shape_cast %swap3A_213 : vector<16xi32> to vector<16xi32>
    %swap3A_215 = vector.shape_cast %shift_right_logical3A_211 : vector<16xi32> to vector<16xi32>
    tpu.vector_store %arg14[%swap3A_212], %swap3A_215 {strides = array<i32>} : memref<64xi32, #tpu.memory_space<vmem>>, vector<16xi32>,
    %get3A_216 = arith.constant 1 : i32
    %get3A_217 = arith.constant 0 : i32
    %get3A_218 = tpu.memref_slice %arg7[%get3A_216, %get3A_217] : memref<80x128xi32, #tpu.memory_space<vmem>> -> memref<1x128xi32, #tpu.memory_space<vmem>>
    %get3A_219 = tpu.memref_squeeze %get3A_218 : memref<1x128xi32, #tpu.memory_space<vmem>> -> memref<128xi32, #tpu.memory_space<vmem>>
    %get3A_220 = arith.constant 32 : index
    %get3A_221 = tpu.vector_load %get3A_219[%get3A_220] {strides = array<i32>} : memref<128xi32, #tpu.memory_space<vmem>>, vector<16xi32>,
    %get3A_222 = vector.shape_cast %get3A_221 : vector<16xi32> to vector<16xi32>
    %and3A_223 = arith.constant 65535 : i32
    %and3A_224 = vector.broadcast %and3A_223 : i32 to vector<16xi32>
    %and3A_225 = arith.andi %get3A_222, %and3A_224 : vector<16xi32>
    %swap3A_226 = arith.constant 32 : index
    %swap3A_227 = tpu.vector_load %arg10[%swap3A_226] {strides = array<i32>} : memref<64xi32, #tpu.memory_space<vmem>>, vector<16xi32>,
    %swap3A_228 = vector.shape_cast %swap3A_227 : vector<16xi32> to vector<16xi32>
    %swap3A_229 = vector.shape_cast %and3A_225 : vector<16xi32> to vector<16xi32>
    tpu.vector_store %arg10[%swap3A_226], %swap3A_229 {strides = array<i32>} : memref<64xi32, #tpu.memory_space<vmem>>, vector<16xi32>,
    %shift_right_logical3A_230 = arith.constant 16 : i32
    %shift_right_logical3A_231 = vector.broadcast %shift_right_logical3A_230 : i32 to vector<16xi32>
    %shift_right_logical3A_232 = arith.shrui %get3A_222, %shift_right_logical3A_231 : vector<16xi32>
    %swap3A_233 = arith.constant 32 : index
    %swap3A_234 = tpu.vector_load %arg14[%swap3A_233] {strides = array<i32>} : memref<64xi32, #tpu.memory_space<vmem>>, vector<16xi32>,
    %swap3A_235 = vector.shape_cast %swap3A_234 : vector<16xi32> to vector<16xi32>
    %swap3A_236 = vector.shape_cast %shift_right_logical3A_232 : vector<16xi32> to vector<16xi32>
    tpu.vector_store %arg14[%swap3A_233], %swap3A_236 {strides = array<i32>} : memref<64xi32, #tpu.memory_space<vmem>>, vector<16xi32>,
    %get3A_237 = arith.constant 1 : i32
    %get3A_238 = arith.constant 0 : i32
    %get3A_239 = tpu.memref_slice %arg7[%get3A_237, %get3A_238] : memref<80x128xi32, #tpu.memory_space<vmem>> -> memref<1x128xi32, #tpu.memory_space<vmem>>
    %get3A_240 = tpu.memref_squeeze %get3A_239 : memref<1x128xi32, #tpu.memory_space<vmem>> -> memref<128xi32, #tpu.memory_space<vmem>>
    %get3A_241 = arith.constant 48 : index
    %get3A_242 = tpu.vector_load %get3A_240[%get3A_241] {strides = array<i32>} : memref<128xi32, #tpu.memory_space<vmem>>, vector<16xi32>,
    %get3A_243 = vector.shape_cast %get3A_242 : vector<16xi32> to vector<16xi32>
    %and3A_244 = arith.constant 65535 : i32
    %and3A_245 = vector.broadcast %and3A_244 : i32 to vector<16xi32>
    %and3A_246 = arith.andi %get3A_243, %and3A_245 : vector<16xi32>
    %swap3A_247 = arith.constant 48 : index
    %swap3A_248 = tpu.vector_load %arg10[%swap3A_247] {strides = array<i32>} : memref<64xi32, #tpu.memory_space<vmem>>, vector<16xi32>,
    %swap3A_249 = vector.shape_cast %swap3A_248 : vector<16xi32> to vector<16xi32>
    %swap3A_250 = vector.shape_cast %and3A_246 : vector<16xi32> to vector<16xi32>
    tpu.vector_store %arg10[%swap3A_247], %swap3A_250 {strides = array<i32>} : memref<64xi32, #tpu.memory_space<vmem>>, vector<16xi32>,
    %shift_right_logical3A_251 = arith.constant 16 : i32
    %shift_right_logical3A_252 = vector.broadcast %shift_right_logical3A_251 : i32 to vector<16xi32>
    %shift_right_logical3A_253 = arith.shrui %get3A_243, %shift_right_logical3A_252 : vector<16xi32>
    %swap3A_254 = arith.constant 48 : index
    %swap3A_255 = tpu.vector_load %arg14[%swap3A_254] {strides = array<i32>} : memref<64xi32, #tpu.memory_space<vmem>>, vector<16xi32>,
    %swap3A_256 = vector.shape_cast %swap3A_255 : vector<16xi32> to vector<16xi32>
    %swap3A_257 = vector.shape_cast %shift_right_logical3A_253 : vector<16xi32> to vector<16xi32>
    tpu.vector_store %arg14[%swap3A_254], %swap3A_257 {strides = array<i32>} : memref<64xi32, #tpu.memory_space<vmem>>, vector<16xi32>,
    %dma_start3A_258 = arith.constant 0 : i32
    %dma_start3A_259 = arith.constant 0 : i32
    %dma_start3A_260 = tpu.memref_slice %arg2[%dma_start3A_258, %dma_start3A_259] : memref<10240x128xf32, #tpu.memory_space<hbm>> -> memref<10240x128xf32, #tpu.memory_space<hbm>>
    tpu.enqueue_indirect_dma source(%dma_start3A_260 : memref<10240x128xf32, #tpu.memory_space<hbm>>) target(%arg18 : memref<64x128xf32, #tpu.memory_space<vmem>>) offsets(%arg10 : memref<64xi32, #tpu.memory_space<vmem>>) semaphore(%arg23 : memref<!tpu.dma_semaphore, #tpu.memory_space<semaphore_mem>>)
    %get3A_261 = arith.constant 1 : i32
    %get3A_262 = arith.constant 0 : i32
    %get3A_263 = tpu.memref_slice %arg7[%get3A_261, %get3A_262] : memref<80x128xi32, #tpu.memory_space<vmem>> -> memref<1x128xi32, #tpu.memory_space<vmem>>
    %get3A_264 = tpu.memref_squeeze %get3A_263 : memref<1x128xi32, #tpu.memory_space<vmem>> -> memref<128xi32, #tpu.memory_space<vmem>>
    %get3A_265 = arith.constant 64 : index
    %get3A_266 = tpu.vector_load %get3A_264[%get3A_265] {strides = array<i32>} : memref<128xi32, #tpu.memory_space<vmem>>, vector<16xi32>,
    %get3A_267 = vector.shape_cast %get3A_266 : vector<16xi32> to vector<16xi32>
    %and3A_268 = arith.constant 65535 : i32
    %and3A_269 = vector.broadcast %and3A_268 : i32 to vector<16xi32>
    %and3A_270 = arith.andi %get3A_267, %and3A_269 : vector<16xi32>
    %swap3A_271 = arith.constant 0 : index
    %swap3A_272 = tpu.vector_load %arg11[%swap3A_271] {strides = array<i32>} : memref<64xi32, #tpu.memory_space<vmem>>, vector<16xi32>,
    %swap3A_273 = vector.shape_cast %swap3A_272 : vector<16xi32> to vector<16xi32>
    %swap3A_274 = vector.shape_cast %and3A_270 : vector<16xi32> to vector<16xi32>
    tpu.vector_store %arg11[%swap3A_271], %swap3A_274 {strides = array<i32>} : memref<64xi32, #tpu.memory_space<vmem>>, vector<16xi32>,
    %shift_right_logical3A_275 = arith.constant 16 : i32
    %shift_right_logical3A_276 = vector.broadcast %shift_right_logical3A_275 : i32 to vector<16xi32>
    %shift_right_logical3A_277 = arith.shrui %get3A_267, %shift_right_logical3A_276 : vector<16xi32>
    %swap3A_278 = arith.constant 0 : index
    %swap3A_279 = tpu.vector_load %arg15[%swap3A_278] {strides = array<i32>} : memref<64xi32, #tpu.memory_space<vmem>>, vector<16xi32>,
    %swap3A_280 = vector.shape_cast %swap3A_279 : vector<16xi32> to vector<16xi32>
    %swap3A_281 = vector.shape_cast %shift_right_logical3A_277 : vector<16xi32> to vector<16xi32>
    tpu.vector_store %arg15[%swap3A_278], %swap3A_281 {strides = array<i32>} : memref<64xi32, #tpu.memory_space<vmem>>, vector<16xi32>,
    %get3A_282 = arith.constant 1 : i32
    %get3A_283 = arith.constant 0 : i32
    %get3A_284 = tpu.memref_slice %arg7[%get3A_282, %get3A_283] : memref<80x128xi32, #tpu.memory_space<vmem>> -> memref<1x128xi32, #tpu.memory_space<vmem>>
    %get3A_285 = tpu.memref_squeeze %get3A_284 : memref<1x128xi32, #tpu.memory_space<vmem>> -> memref<128xi32, #tpu.memory_space<vmem>>
    %get3A_286 = arith.constant 80 : index
    %get3A_287 = tpu.vector_load %get3A_285[%get3A_286] {strides = array<i32>} : memref<128xi32, #tpu.memory_space<vmem>>, vector<16xi32>,
    %get3A_288 = vector.shape_cast %get3A_287 : vector<16xi32> to vector<16xi32>
    %and3A_289 = arith.constant 65535 : i32
    %and3A_290 = vector.broadcast %and3A_289 : i32 to vector<16xi32>
    %and3A_291 = arith.andi %get3A_288, %and3A_290 : vector<16xi32>
    %swap3A_292 = arith.constant 16 : index
    %swap3A_293 = tpu.vector_load %arg11[%swap3A_292] {strides = array<i32>} : memref<64xi32, #tpu.memory_space<vmem>>, vector<16xi32>,
    %swap3A_294 = vector.shape_cast %swap3A_293 : vector<16xi32> to vector<16xi32>
    %swap3A_295 = vector.shape_cast %and3A_291 : vector<16xi32> to vector<16xi32>
    tpu.vector_store %arg11[%swap3A_292], %swap3A_295 {strides = array<i32>} : memref<64xi32, #tpu.memory_space<vmem>>, vector<16xi32>,
    %shift_right_logical3A_296 = arith.constant 16 : i32
    %shift_right_logical3A_297 = vector.broadcast %shift_right_logical3A_296 : i32 to vector<16xi32>
    %shift_right_logical3A_298 = arith.shrui %get3A_288, %shift_right_logical3A_297 : vector<16xi32>
    %swap3A_299 = arith.constant 16 : index
    %swap3A_300 = tpu.vector_load %arg15[%swap3A_299] {strides = array<i32>} : memref<64xi32, #tpu.memory_space<vmem>>, vector<16xi32>,
    %swap3A_301 = vector.shape_cast %swap3A_300 : vector<16xi32> to vector<16xi32>
    %swap3A_302 = vector.shape_cast %shift_right_logical3A_298 : vector<16xi32> to vector<16xi32>
    tpu.vector_store %arg15[%swap3A_299], %swap3A_302 {strides = array<i32>} : memref<64xi32, #tpu.memory_space<vmem>>, vector<16xi32>,
    %get3A_303 = arith.constant 1 : i32
    %get3A_304 = arith.constant 0 : i32
    %get3A_305 = tpu.memref_slice %arg7[%get3A_303, %get3A_304] : memref<80x128xi32, #tpu.memory_space<vmem>> -> memref<1x128xi32, #tpu.memory_space<vmem>>
    %get3A_306 = tpu.memref_squeeze %get3A_305 : memref<1x128xi32, #tpu.memory_space<vmem>> -> memref<128xi32, #tpu.memory_space<vmem>>
    %get3A_307 = arith.constant 96 : index
    %get3A_308 = tpu.vector_load %get3A_306[%get3A_307] {strides = array<i32>} : memref<128xi32, #tpu.memory_space<vmem>>, vector<16xi32>,
    %get3A_309 = vector.shape_cast %get3A_308 : vector<16xi32> to vector<16xi32>
    %and3A_310 = arith.constant 65535 : i32
    %and3A_311 = vector.broadcast %and3A_310 : i32 to vector<16xi32>
    %and3A_312 = arith.andi %get3A_309, %and3A_311 : vector<16xi32>
    %swap3A_313 = arith.constant 32 : index
    %swap3A_314 = tpu.vector_load %arg11[%swap3A_313] {strides = array<i32>} : memref<64xi32, #tpu.memory_space<vmem>>, vector<16xi32>,
    %swap3A_315 = vector.shape_cast %swap3A_314 : vector<16xi32> to vector<16xi32>
    %swap3A_316 = vector.shape_cast %and3A_312 : vector<16xi32> to vector<16xi32>
    tpu.vector_store %arg11[%swap3A_313], %swap3A_316 {strides = array<i32>} : memref<64xi32, #tpu.memory_space<vmem>>, vector<16xi32>,
    %shift_right_logical3A_317 = arith.constant 16 : i32
    %shift_right_logical3A_318 = vector.broadcast %shift_right_logical3A_317 : i32 to vector<16xi32>
    %shift_right_logical3A_319 = arith.shrui %get3A_309, %shift_right_logical3A_318 : vector<16xi32>
    %swap3A_320 = arith.constant 32 : index
    %swap3A_321 = tpu.vector_load %arg15[%swap3A_320] {strides = array<i32>} : memref<64xi32, #tpu.memory_space<vmem>>, vector<16xi32>,
    %swap3A_322 = vector.shape_cast %swap3A_321 : vector<16xi32> to vector<16xi32>
    %swap3A_323 = vector.shape_cast %shift_right_logical3A_319 : vector<16xi32> to vector<16xi32>
    tpu.vector_store %arg15[%swap3A_320], %swap3A_323 {strides = array<i32>} : memref<64xi32, #tpu.memory_space<vmem>>, vector<16xi32>,
    %get3A_324 = arith.constant 1 : i32
    %get3A_325 = arith.constant 0 : i32
    %get3A_326 = tpu.memref_slice %arg7[%get3A_324, %get3A_325] : memref<80x128xi32, #tpu.memory_space<vmem>> -> memref<1x128xi32, #tpu.memory_space<vmem>>
    %get3A_327 = tpu.memref_squeeze %get3A_326 : memref<1x128xi32, #tpu.memory_space<vmem>> -> memref<128xi32, #tpu.memory_space<vmem>>
    %get3A_328 = arith.constant 112 : index
    %get3A_329 = tpu.vector_load %get3A_327[%get3A_328] {strides = array<i32>} : memref<128xi32, #tpu.memory_space<vmem>>, vector<16xi32>,
    %get3A_330 = vector.shape_cast %get3A_329 : vector<16xi32> to vector<16xi32>
    %and3A_331 = arith.constant 65535 : i32
    %and3A_332 = vector.broadcast %and3A_331 : i32 to vector<16xi32>
    %and3A_333 = arith.andi %get3A_330, %and3A_332 : vector<16xi32>
    %swap3A_334 = arith.constant 48 : index
    %swap3A_335 = tpu.vector_load %arg11[%swap3A_334] {strides = array<i32>} : memref<64xi32, #tpu.memory_space<vmem>>, vector<16xi32>,
    %swap3A_336 = vector.shape_cast %swap3A_335 : vector<16xi32> to vector<16xi32>
    %swap3A_337 = vector.shape_cast %and3A_333 : vector<16xi32> to vector<16xi32>
    tpu.vector_store %arg11[%swap3A_334], %swap3A_337 {strides = array<i32>} : memref<64xi32, #tpu.memory_space<vmem>>, vector<16xi32>,
    %shift_right_logical3A_338 = arith.constant 16 : i32
    %shift_right_logical3A_339 = vector.broadcast %shift_right_logical3A_338 : i32 to vector<16xi32>
    %shift_right_logical3A_340 = arith.shrui %get3A_330, %shift_right_logical3A_339 : vector<16xi32>
    %swap3A_341 = arith.constant 48 : index
    %swap3A_342 = tpu.vector_load %arg15[%swap3A_341] {strides = array<i32>} : memref<64xi32, #tpu.memory_space<vmem>>, vector<16xi32>,
    %swap3A_343 = vector.shape_cast %swap3A_342 : vector<16xi32> to vector<16xi32>
    %swap3A_344 = vector.shape_cast %shift_right_logical3A_340 : vector<16xi32> to vector<16xi32>
    tpu.vector_store %arg15[%swap3A_341], %swap3A_344 {strides = array<i32>} : memref<64xi32, #tpu.memory_space<vmem>>, vector<16xi32>,
    %dma_start3A_345 = arith.constant 0 : i32
    %dma_start3A_346 = arith.constant 0 : i32
    %dma_start3A_347 = tpu.memref_slice %arg2[%dma_start3A_345, %dma_start3A_346] : memref<10240x128xf32, #tpu.memory_space<hbm>> -> memref<10240x128xf32, #tpu.memory_space<hbm>>
    tpu.enqueue_indirect_dma source(%dma_start3A_347 : memref<10240x128xf32, #tpu.memory_space<hbm>>) target(%arg19 : memref<64x128xf32, #tpu.memory_space<vmem>>) offsets(%arg11 : memref<64xi32, #tpu.memory_space<vmem>>) semaphore(%arg24 : memref<!tpu.dma_semaphore, #tpu.memory_space<semaphore_mem>>)
    %scan3A = arith.constant 0 : i32
    %scan3A_348 = arith.constant 1 : i32
    %scan3A_349 = arith.constant 39 : i32
    %scan3A_350 = arith.addi %scan3A_348, %scan3A_349 : i32
    %scan3A_351 = arith.constant 1 : i32
    scf.for %scan3A_396 = %scan3A_348 to %scan3A_350 step %scan3A_351  : i32 {
      %dma_wait3A_397 = arith.constant 0 : i32
      %dma_wait3A_398 = arith.constant 0 : i32
      %dma_wait3A_399 = tpu.memref_slice %arg2[%dma_wait3A_397, %dma_wait3A_398] : memref<10240x128xf32, #tpu.memory_space<hbm>> -> memref<10240x128xf32, #tpu.memory_space<hbm>>
      tpu.wait_indirect_dma semaphore(%arg21 : memref<!tpu.dma_semaphore, #tpu.memory_space<semaphore_mem>>) src(%dma_wait3A_399 : memref<10240x128xf32, #tpu.memory_space<hbm>>) dst(%arg16 : memref<64x128xf32, #tpu.memory_space<vmem>>)
      %dma_start3A_400 = arith.constant 0 : i32
      %dma_start3A_401 = arith.constant 0 : i32
      %dma_start3A_402 = tpu.memref_slice %arg20[%dma_start3A_400, %dma_start3A_401] : memref<10240x128xf32, #tpu.memory_space<vmem_shared>> -> memref<10240x128xf32, #tpu.memory_space<vmem_shared>>
      tpu.enqueue_indirect_dma source(%arg16 : memref<64x128xf32, #tpu.memory_space<vmem>>) target(%dma_start3A_402 : memref<10240x128xf32, #tpu.memory_space<vmem_shared>>) offsets(%arg12 : memref<64xi32, #tpu.memory_space<vmem>>) semaphore(%arg21 : memref<!tpu.dma_semaphore, #tpu.memory_space<semaphore_mem>>) {add = true}
      %dma_wait3A_403 = arith.constant 0 : i32
      %dma_wait3A_404 = arith.constant 0 : i32
      %dma_wait3A_405 = tpu.memref_slice %arg2[%dma_wait3A_403, %dma_wait3A_404] : memref<10240x128xf32, #tpu.memory_space<hbm>> -> memref<10240x128xf32, #tpu.memory_space<hbm>>
      tpu.wait_indirect_dma semaphore(%arg22 : memref<!tpu.dma_semaphore, #tpu.memory_space<semaphore_mem>>) src(%dma_wait3A_405 : memref<10240x128xf32, #tpu.memory_space<hbm>>) dst(%arg17 : memref<64x128xf32, #tpu.memory_space<vmem>>)
      %dma_start3A_406 = arith.constant 0 : i32
      %dma_start3A_407 = arith.constant 0 : i32
      %dma_start3A_408 = tpu.memref_slice %arg20[%dma_start3A_406, %dma_start3A_407] : memref<10240x128xf32, #tpu.memory_space<vmem_shared>> -> memref<10240x128xf32, #tpu.memory_space<vmem_shared>>
      tpu.enqueue_indirect_dma source(%arg17 : memref<64x128xf32, #tpu.memory_space<vmem>>) target(%dma_start3A_408 : memref<10240x128xf32, #tpu.memory_space<vmem_shared>>) offsets(%arg13 : memref<64xi32, #tpu.memory_space<vmem>>) semaphore(%arg22 : memref<!tpu.dma_semaphore, #tpu.memory_space<semaphore_mem>>) {add = true}
      %dma_wait3A_409 = arith.constant 0 : i32
      %dma_wait3A_410 = arith.constant 0 : i32
      %dma_wait3A_411 = tpu.memref_slice %arg2[%dma_wait3A_409, %dma_wait3A_410] : memref<10240x128xf32, #tpu.memory_space<hbm>> -> memref<10240x128xf32, #tpu.memory_space<hbm>>
      tpu.wait_indirect_dma semaphore(%arg23 : memref<!tpu.dma_semaphore, #tpu.memory_space<semaphore_mem>>) src(%dma_wait3A_411 : memref<10240x128xf32, #tpu.memory_space<hbm>>) dst(%arg18 : memref<64x128xf32, #tpu.memory_space<vmem>>)
      %dma_start3A_412 = arith.constant 0 : i32
      %dma_start3A_413 = arith.constant 0 : i32
      %dma_start3A_414 = tpu.memref_slice %arg20[%dma_start3A_412, %dma_start3A_413] : memref<10240x128xf32, #tpu.memory_space<vmem_shared>> -> memref<10240x128xf32, #tpu.memory_space<vmem_shared>>
      tpu.enqueue_indirect_dma source(%arg18 : memref<64x128xf32, #tpu.memory_space<vmem>>) target(%dma_start3A_414 : memref<10240x128xf32, #tpu.memory_space<vmem_shared>>) offsets(%arg14 : memref<64xi32, #tpu.memory_space<vmem>>) semaphore(%arg23 : memref<!tpu.dma_semaphore, #tpu.memory_space<semaphore_mem>>) {add = true}
      %dma_wait3A_415 = arith.constant 0 : i32
      %dma_wait3A_416 = arith.constant 0 : i32
      %dma_wait3A_417 = tpu.memref_slice %arg2[%dma_wait3A_415, %dma_wait3A_416] : memref<10240x128xf32, #tpu.memory_space<hbm>> -> memref<10240x128xf32, #tpu.memory_space<hbm>>
      tpu.wait_indirect_dma semaphore(%arg24 : memref<!tpu.dma_semaphore, #tpu.memory_space<semaphore_mem>>) src(%dma_wait3A_417 : memref<10240x128xf32, #tpu.memory_space<hbm>>) dst(%arg19 : memref<64x128xf32, #tpu.memory_space<vmem>>)
      %dma_start3A_418 = arith.constant 0 : i32
      %dma_start3A_419 = arith.constant 0 : i32
      %dma_start3A_420 = tpu.memref_slice %arg20[%dma_start3A_418, %dma_start3A_419] : memref<10240x128xf32, #tpu.memory_space<vmem_shared>> -> memref<10240x128xf32, #tpu.memory_space<vmem_shared>>
      tpu.enqueue_indirect_dma source(%arg19 : memref<64x128xf32, #tpu.memory_space<vmem>>) target(%dma_start3A_420 : memref<10240x128xf32, #tpu.memory_space<vmem_shared>>) offsets(%arg15 : memref<64xi32, #tpu.memory_space<vmem>>) semaphore(%arg24 : memref<!tpu.dma_semaphore, #tpu.memory_space<semaphore_mem>>) {add = true}
      %dma_wait3A_421 = arith.constant 0 : i32
      %dma_wait3A_422 = arith.constant 0 : i32
      %dma_wait3A_423 = tpu.memref_slice %arg20[%dma_wait3A_421, %dma_wait3A_422] : memref<10240x128xf32, #tpu.memory_space<vmem_shared>> -> memref<10240x128xf32, #tpu.memory_space<vmem_shared>>
      tpu.wait_indirect_dma semaphore(%arg21 : memref<!tpu.dma_semaphore, #tpu.memory_space<semaphore_mem>>) src(%arg16 : memref<64x128xf32, #tpu.memory_space<vmem>>) dst(%dma_wait3A_423 : memref<10240x128xf32, #tpu.memory_space<vmem_shared>>)
      %mul3A_424 = arith.constant 2 : i32
      %mul3A_425 = arith.muli %mul3A_424, %scan3A_396 : i32
      %add3A_426 = arith.constant 0 : i32
      %add3A_427 = arith.addi %mul3A_425, %add3A_426 : i32
      %get3A_428 = arith.constant 0 : i32
      %get3A_429 = tpu.memref_slice %arg7[%add3A_427, %get3A_428] : memref<80x128xi32, #tpu.memory_space<vmem>> -> memref<1x128xi32, #tpu.memory_space<vmem>>
      %get3A_430 = tpu.memref_squeeze %get3A_429 : memref<1x128xi32, #tpu.memory_space<vmem>> -> memref<128xi32, #tpu.memory_space<vmem>>
      %get3A_431 = arith.constant 0 : index
      %get3A_432 = tpu.vector_load %get3A_430[%get3A_431] {strides = array<i32>} : memref<128xi32, #tpu.memory_space<vmem>>, vector<16xi32>,
      %get3A_433 = vector.shape_cast %get3A_432 : vector<16xi32> to vector<16xi32>
      %and3A_434 = arith.constant 65535 : i32
      %and3A_435 = vector.broadcast %and3A_434 : i32 to vector<16xi32>
      %and3A_436 = arith.andi %get3A_433, %and3A_435 : vector<16xi32>
      %swap3A_437 = arith.constant 0 : index
      %swap3A_438 = tpu.vector_load %arg8[%swap3A_437] {strides = array<i32>} : memref<64xi32, #tpu.memory_space<vmem>>, vector<16xi32>,
      %swap3A_439 = vector.shape_cast %swap3A_438 : vector<16xi32> to vector<16xi32>
      %swap3A_440 = vector.shape_cast %and3A_436 : vector<16xi32> to vector<16xi32>
      tpu.vector_store %arg8[%swap3A_437], %swap3A_440 {strides = array<i32>} : memref<64xi32, #tpu.memory_space<vmem>>, vector<16xi32>,
      %shift_right_logical3A_441 = arith.constant 16 : i32
      %shift_right_logical3A_442 = vector.broadcast %shift_right_logical3A_441 : i32 to vector<16xi32>
      %shift_right_logical3A_443 = arith.shrui %get3A_433, %shift_right_logical3A_442 : vector<16xi32>
      %swap3A_444 = arith.constant 0 : index
      %swap3A_445 = tpu.vector_load %arg12[%swap3A_444] {strides = array<i32>} : memref<64xi32, #tpu.memory_space<vmem>>, vector<16xi32>,
      %swap3A_446 = vector.shape_cast %swap3A_445 : vector<16xi32> to vector<16xi32>
      %swap3A_447 = vector.shape_cast %shift_right_logical3A_443 : vector<16xi32> to vector<16xi32>
      tpu.vector_store %arg12[%swap3A_444], %swap3A_447 {strides = array<i32>} : memref<64xi32, #tpu.memory_space<vmem>>, vector<16xi32>,
      %get3A_448 = arith.constant 0 : i32
      %get3A_449 = tpu.memref_slice %arg7[%add3A_427, %get3A_448] : memref<80x128xi32, #tpu.memory_space<vmem>> -> memref<1x128xi32, #tpu.memory_space<vmem>>
      %get3A_450 = tpu.memref_squeeze %get3A_449 : memref<1x128xi32, #tpu.memory_space<vmem>> -> memref<128xi32, #tpu.memory_space<vmem>>
      %get3A_451 = arith.constant 16 : index
      %get3A_452 = tpu.vector_load %get3A_450[%get3A_451] {strides = array<i32>} : memref<128xi32, #tpu.memory_space<vmem>>, vector<16xi32>,
      %get3A_453 = vector.shape_cast %get3A_452 : vector<16xi32> to vector<16xi32>
      %and3A_454 = arith.constant 65535 : i32
      %and3A_455 = vector.broadcast %and3A_454 : i32 to vector<16xi32>
      %and3A_456 = arith.andi %get3A_453, %and3A_455 : vector<16xi32>
      %swap3A_457 = arith.constant 16 : index
      %swap3A_458 = tpu.vector_load %arg8[%swap3A_457] {strides = array<i32>} : memref<64xi32, #tpu.memory_space<vmem>>, vector<16xi32>,
      %swap3A_459 = vector.shape_cast %swap3A_458 : vector<16xi32> to vector<16xi32>
      %swap3A_460 = vector.shape_cast %and3A_456 : vector<16xi32> to vector<16xi32>
      tpu.vector_store %arg8[%swap3A_457], %swap3A_460 {strides = array<i32>} : memref<64xi32, #tpu.memory_space<vmem>>, vector<16xi32>,
      %shift_right_logical3A_461 = arith.constant 16 : i32
      %shift_right_logical3A_462 = vector.broadcast %shift_right_logical3A_461 : i32 to vector<16xi32>
      %shift_right_logical3A_463 = arith.shrui %get3A_453, %shift_right_logical3A_462 : vector<16xi32>
      %swap3A_464 = arith.constant 16 : index
      %swap3A_465 = tpu.vector_load %arg12[%swap3A_464] {strides = array<i32>} : memref<64xi32, #tpu.memory_space<vmem>>, vector<16xi32>,
      %swap3A_466 = vector.shape_cast %swap3A_465 : vector<16xi32> to vector<16xi32>
      %swap3A_467 = vector.shape_cast %shift_right_logical3A_463 : vector<16xi32> to vector<16xi32>
      tpu.vector_store %arg12[%swap3A_464], %swap3A_467 {strides = array<i32>} : memref<64xi32, #tpu.memory_space<vmem>>, vector<16xi32>,
      %get3A_468 = arith.constant 0 : i32
      %get3A_469 = tpu.memref_slice %arg7[%add3A_427, %get3A_468] : memref<80x128xi32, #tpu.memory_space<vmem>> -> memref<1x128xi32, #tpu.memory_space<vmem>>
      %get3A_470 = tpu.memref_squeeze %get3A_469 : memref<1x128xi32, #tpu.memory_space<vmem>> -> memref<128xi32, #tpu.memory_space<vmem>>
      %get3A_471 = arith.constant 32 : index
      %get3A_472 = tpu.vector_load %get3A_470[%get3A_471] {strides = array<i32>} : memref<128xi32, #tpu.memory_space<vmem>>, vector<16xi32>,
      %get3A_473 = vector.shape_cast %get3A_472 : vector<16xi32> to vector<16xi32>
      %and3A_474 = arith.constant 65535 : i32
      %and3A_475 = vector.broadcast %and3A_474 : i32 to vector<16xi32>
      %and3A_476 = arith.andi %get3A_473, %and3A_475 : vector<16xi32>
      %swap3A_477 = arith.constant 32 : index
      %swap3A_478 = tpu.vector_load %arg8[%swap3A_477] {strides = array<i32>} : memref<64xi32, #tpu.memory_space<vmem>>, vector<16xi32>,
      %swap3A_479 = vector.shape_cast %swap3A_478 : vector<16xi32> to vector<16xi32>
      %swap3A_480 = vector.shape_cast %and3A_476 : vector<16xi32> to vector<16xi32>
      tpu.vector_store %arg8[%swap3A_477], %swap3A_480 {strides = array<i32>} : memref<64xi32, #tpu.memory_space<vmem>>, vector<16xi32>,
      %shift_right_logical3A_481 = arith.constant 16 : i32
      %shift_right_logical3A_482 = vector.broadcast %shift_right_logical3A_481 : i32 to vector<16xi32>
      %shift_right_logical3A_483 = arith.shrui %get3A_473, %shift_right_logical3A_482 : vector<16xi32>
      %swap3A_484 = arith.constant 32 : index
      %swap3A_485 = tpu.vector_load %arg12[%swap3A_484] {strides = array<i32>} : memref<64xi32, #tpu.memory_space<vmem>>, vector<16xi32>,
      %swap3A_486 = vector.shape_cast %swap3A_485 : vector<16xi32> to vector<16xi32>
      %swap3A_487 = vector.shape_cast %shift_right_logical3A_483 : vector<16xi32> to vector<16xi32>
      tpu.vector_store %arg12[%swap3A_484], %swap3A_487 {strides = array<i32>} : memref<64xi32, #tpu.memory_space<vmem>>, vector<16xi32>,
      %get3A_488 = arith.constant 0 : i32
      %get3A_489 = tpu.memref_slice %arg7[%add3A_427, %get3A_488] : memref<80x128xi32, #tpu.memory_space<vmem>> -> memref<1x128xi32, #tpu.memory_space<vmem>>
      %get3A_490 = tpu.memref_squeeze %get3A_489 : memref<1x128xi32, #tpu.memory_space<vmem>> -> memref<128xi32, #tpu.memory_space<vmem>>
      %get3A_491 = arith.constant 48 : index
      %get3A_492 = tpu.vector_load %get3A_490[%get3A_491] {strides = array<i32>} : memref<128xi32, #tpu.memory_space<vmem>>, vector<16xi32>,
      %get3A_493 = vector.shape_cast %get3A_492 : vector<16xi32> to vector<16xi32>
      %and3A_494 = arith.constant 65535 : i32
      %and3A_495 = vector.broadcast %and3A_494 : i32 to vector<16xi32>
      %and3A_496 = arith.andi %get3A_493, %and3A_495 : vector<16xi32>
      %swap3A_497 = arith.constant 48 : index
      %swap3A_498 = tpu.vector_load %arg8[%swap3A_497] {strides = array<i32>} : memref<64xi32, #tpu.memory_space<vmem>>, vector<16xi32>,
      %swap3A_499 = vector.shape_cast %swap3A_498 : vector<16xi32> to vector<16xi32>
      %swap3A_500 = vector.shape_cast %and3A_496 : vector<16xi32> to vector<16xi32>
      tpu.vector_store %arg8[%swap3A_497], %swap3A_500 {strides = array<i32>} : memref<64xi32, #tpu.memory_space<vmem>>, vector<16xi32>,
      %shift_right_logical3A_501 = arith.constant 16 : i32
      %shift_right_logical3A_502 = vector.broadcast %shift_right_logical3A_501 : i32 to vector<16xi32>
      %shift_right_logical3A_503 = arith.shrui %get3A_493, %shift_right_logical3A_502 : vector<16xi32>
      %swap3A_504 = arith.constant 48 : index
      %swap3A_505 = tpu.vector_load %arg12[%swap3A_504] {strides = array<i32>} : memref<64xi32, #tpu.memory_space<vmem>>, vector<16xi32>,
      %swap3A_506 = vector.shape_cast %swap3A_505 : vector<16xi32> to vector<16xi32>
      %swap3A_507 = vector.shape_cast %shift_right_logical3A_503 : vector<16xi32> to vector<16xi32>
      tpu.vector_store %arg12[%swap3A_504], %swap3A_507 {strides = array<i32>} : memref<64xi32, #tpu.memory_space<vmem>>, vector<16xi32>,
      %dma_start3A_508 = arith.constant 0 : i32
      %dma_start3A_509 = arith.constant 0 : i32
      %dma_start3A_510 = tpu.memref_slice %arg2[%dma_start3A_508, %dma_start3A_509] : memref<10240x128xf32, #tpu.memory_space<hbm>> -> memref<10240x128xf32, #tpu.memory_space<hbm>>
      tpu.enqueue_indirect_dma source(%dma_start3A_510 : memref<10240x128xf32, #tpu.memory_space<hbm>>) target(%arg16 : memref<64x128xf32, #tpu.memory_space<vmem>>) offsets(%arg8 : memref<64xi32, #tpu.memory_space<vmem>>) semaphore(%arg21 : memref<!tpu.dma_semaphore, #tpu.memory_space<semaphore_mem>>)
      %dma_wait3A_511 = arith.constant 0 : i32
      %dma_wait3A_512 = arith.constant 0 : i32
      %dma_wait3A_513 = tpu.memref_slice %arg20[%dma_wait3A_511, %dma_wait3A_512] : memref<10240x128xf32, #tpu.memory_space<vmem_shared>> -> memref<10240x128xf32, #tpu.memory_space<vmem_shared>>
      tpu.wait_indirect_dma semaphore(%arg22 : memref<!tpu.dma_semaphore, #tpu.memory_space<semaphore_mem>>) src(%arg17 : memref<64x128xf32, #tpu.memory_space<vmem>>) dst(%dma_wait3A_513 : memref<10240x128xf32, #tpu.memory_space<vmem_shared>>)
      %mul3A_514 = arith.constant 2 : i32
      %mul3A_515 = arith.muli %mul3A_514, %scan3A_396 : i32
      %add3A_516 = arith.constant 0 : i32
      %add3A_517 = arith.addi %mul3A_515, %add3A_516 : i32
      %get3A_518 = arith.constant 0 : i32
      %get3A_519 = tpu.memref_slice %arg7[%add3A_517, %get3A_518] : memref<80x128xi32, #tpu.memory_space<vmem>> -> memref<1x128xi32, #tpu.memory_space<vmem>>
      %get3A_520 = tpu.memref_squeeze %get3A_519 : memref<1x128xi32, #tpu.memory_space<vmem>> -> memref<128xi32, #tpu.memory_space<vmem>>
      %get3A_521 = arith.constant 64 : index
      %get3A_522 = tpu.vector_load %get3A_520[%get3A_521] {strides = array<i32>} : memref<128xi32, #tpu.memory_space<vmem>>, vector<16xi32>,
      %get3A_523 = vector.shape_cast %get3A_522 : vector<16xi32> to vector<16xi32>
      %and3A_524 = arith.constant 65535 : i32
      %and3A_525 = vector.broadcast %and3A_524 : i32 to vector<16xi32>
      %and3A_526 = arith.andi %get3A_523, %and3A_525 : vector<16xi32>
      %swap3A_527 = arith.constant 0 : index
      %swap3A_528 = tpu.vector_load %arg9[%swap3A_527] {strides = array<i32>} : memref<64xi32, #tpu.memory_space<vmem>>, vector<16xi32>,
      %swap3A_529 = vector.shape_cast %swap3A_528 : vector<16xi32> to vector<16xi32>
      %swap3A_530 = vector.shape_cast %and3A_526 : vector<16xi32> to vector<16xi32>
      tpu.vector_store %arg9[%swap3A_527], %swap3A_530 {strides = array<i32>} : memref<64xi32, #tpu.memory_space<vmem>>, vector<16xi32>,
      %shift_right_logical3A_531 = arith.constant 16 : i32
      %shift_right_logical3A_532 = vector.broadcast %shift_right_logical3A_531 : i32 to vector<16xi32>
      %shift_right_logical3A_533 = arith.shrui %get3A_523, %shift_right_logical3A_532 : vector<16xi32>
      %swap3A_534 = arith.constant 0 : index
      %swap3A_535 = tpu.vector_load %arg13[%swap3A_534] {strides = array<i32>} : memref<64xi32, #tpu.memory_space<vmem>>, vector<16xi32>,
      %swap3A_536 = vector.shape_cast %swap3A_535 : vector<16xi32> to vector<16xi32>
      %swap3A_537 = vector.shape_cast %shift_right_logical3A_533 : vector<16xi32> to vector<16xi32>
      tpu.vector_store %arg13[%swap3A_534], %swap3A_537 {strides = array<i32>} : memref<64xi32, #tpu.memory_space<vmem>>, vector<16xi32>,
      %get3A_538 = arith.constant 0 : i32
      %get3A_539 = tpu.memref_slice %arg7[%add3A_517, %get3A_538] : memref<80x128xi32, #tpu.memory_space<vmem>> -> memref<1x128xi32, #tpu.memory_space<vmem>>
      %get3A_540 = tpu.memref_squeeze %get3A_539 : memref<1x128xi32, #tpu.memory_space<vmem>> -> memref<128xi32, #tpu.memory_space<vmem>>
      %get3A_541 = arith.constant 80 : index
      %get3A_542 = tpu.vector_load %get3A_540[%get3A_541] {strides = array<i32>} : memref<128xi32, #tpu.memory_space<vmem>>, vector<16xi32>,
      %get3A_543 = vector.shape_cast %get3A_542 : vector<16xi32> to vector<16xi32>
      %and3A_544 = arith.constant 65535 : i32
      %and3A_545 = vector.broadcast %and3A_544 : i32 to vector<16xi32>
      %and3A_546 = arith.andi %get3A_543, %and3A_545 : vector<16xi32>
      %swap3A_547 = arith.constant 16 : index
      %swap3A_548 = tpu.vector_load %arg9[%swap3A_547] {strides = array<i32>} : memref<64xi32, #tpu.memory_space<vmem>>, vector<16xi32>,
      %swap3A_549 = vector.shape_cast %swap3A_548 : vector<16xi32> to vector<16xi32>
      %swap3A_550 = vector.shape_cast %and3A_546 : vector<16xi32> to vector<16xi32>
      tpu.vector_store %arg9[%swap3A_547], %swap3A_550 {strides = array<i32>} : memref<64xi32, #tpu.memory_space<vmem>>, vector<16xi32>,
      %shift_right_logical3A_551 = arith.constant 16 : i32
      %shift_right_logical3A_552 = vector.broadcast %shift_right_logical3A_551 : i32 to vector<16xi32>
      %shift_right_logical3A_553 = arith.shrui %get3A_543, %shift_right_logical3A_552 : vector<16xi32>
      %swap3A_554 = arith.constant 16 : index
      %swap3A_555 = tpu.vector_load %arg13[%swap3A_554] {strides = array<i32>} : memref<64xi32, #tpu.memory_space<vmem>>, vector<16xi32>,
      %swap3A_556 = vector.shape_cast %swap3A_555 : vector<16xi32> to vector<16xi32>
      %swap3A_557 = vector.shape_cast %shift_right_logical3A_553 : vector<16xi32> to vector<16xi32>
      tpu.vector_store %arg13[%swap3A_554], %swap3A_557 {strides = array<i32>} : memref<64xi32, #tpu.memory_space<vmem>>, vector<16xi32>,
      %get3A_558 = arith.constant 0 : i32
      %get3A_559 = tpu.memref_slice %arg7[%add3A_517, %get3A_558] : memref<80x128xi32, #tpu.memory_space<vmem>> -> memref<1x128xi32, #tpu.memory_space<vmem>>
      %get3A_560 = tpu.memref_squeeze %get3A_559 : memref<1x128xi32, #tpu.memory_space<vmem>> -> memref<128xi32, #tpu.memory_space<vmem>>
      %get3A_561 = arith.constant 96 : index
      %get3A_562 = tpu.vector_load %get3A_560[%get3A_561] {strides = array<i32>} : memref<128xi32, #tpu.memory_space<vmem>>, vector<16xi32>,
      %get3A_563 = vector.shape_cast %get3A_562 : vector<16xi32> to vector<16xi32>
      %and3A_564 = arith.constant 65535 : i32
      %and3A_565 = vector.broadcast %and3A_564 : i32 to vector<16xi32>
      %and3A_566 = arith.andi %get3A_563, %and3A_565 : vector<16xi32>
      %swap3A_567 = arith.constant 32 : index
      %swap3A_568 = tpu.vector_load %arg9[%swap3A_567] {strides = array<i32>} : memref<64xi32, #tpu.memory_space<vmem>>, vector<16xi32>,
      %swap3A_569 = vector.shape_cast %swap3A_568 : vector<16xi32> to vector<16xi32>
      %swap3A_570 = vector.shape_cast %and3A_566 : vector<16xi32> to vector<16xi32>
      tpu.vector_store %arg9[%swap3A_567], %swap3A_570 {strides = array<i32>} : memref<64xi32, #tpu.memory_space<vmem>>, vector<16xi32>,
      %shift_right_logical3A_571 = arith.constant 16 : i32
      %shift_right_logical3A_572 = vector.broadcast %shift_right_logical3A_571 : i32 to vector<16xi32>
      %shift_right_logical3A_573 = arith.shrui %get3A_563, %shift_right_logical3A_572 : vector<16xi32>
      %swap3A_574 = arith.constant 32 : index
      %swap3A_575 = tpu.vector_load %arg13[%swap3A_574] {strides = array<i32>} : memref<64xi32, #tpu.memory_space<vmem>>, vector<16xi32>,
      %swap3A_576 = vector.shape_cast %swap3A_575 : vector<16xi32> to vector<16xi32>
      %swap3A_577 = vector.shape_cast %shift_right_logical3A_573 : vector<16xi32> to vector<16xi32>
      tpu.vector_store %arg13[%swap3A_574], %swap3A_577 {strides = array<i32>} : memref<64xi32, #tpu.memory_space<vmem>>, vector<16xi32>,
      %get3A_578 = arith.constant 0 : i32
      %get3A_579 = tpu.memref_slice %arg7[%add3A_517, %get3A_578] : memref<80x128xi32, #tpu.memory_space<vmem>> -> memref<1x128xi32, #tpu.memory_space<vmem>>
      %get3A_580 = tpu.memref_squeeze %get3A_579 : memref<1x128xi32, #tpu.memory_space<vmem>> -> memref<128xi32, #tpu.memory_space<vmem>>
      %get3A_581 = arith.constant 112 : index
      %get3A_582 = tpu.vector_load %get3A_580[%get3A_581] {strides = array<i32>} : memref<128xi32, #tpu.memory_space<vmem>>, vector<16xi32>,
      %get3A_583 = vector.shape_cast %get3A_582 : vector<16xi32> to vector<16xi32>
      %and3A_584 = arith.constant 65535 : i32
      %and3A_585 = vector.broadcast %and3A_584 : i32 to vector<16xi32>
      %and3A_586 = arith.andi %get3A_583, %and3A_585 : vector<16xi32>
      %swap3A_587 = arith.constant 48 : index
      %swap3A_588 = tpu.vector_load %arg9[%swap3A_587] {strides = array<i32>} : memref<64xi32, #tpu.memory_space<vmem>>, vector<16xi32>,
      %swap3A_589 = vector.shape_cast %swap3A_588 : vector<16xi32> to vector<16xi32>
      %swap3A_590 = vector.shape_cast %and3A_586 : vector<16xi32> to vector<16xi32>
      tpu.vector_store %arg9[%swap3A_587], %swap3A_590 {strides = array<i32>} : memref<64xi32, #tpu.memory_space<vmem>>, vector<16xi32>,
      %shift_right_logical3A_591 = arith.constant 16 : i32
      %shift_right_logical3A_592 = vector.broadcast %shift_right_logical3A_591 : i32 to vector<16xi32>
      %shift_right_logical3A_593 = arith.shrui %get3A_583, %shift_right_logical3A_592 : vector<16xi32>
      %swap3A_594 = arith.constant 48 : index
      %swap3A_595 = tpu.vector_load %arg13[%swap3A_594] {strides = array<i32>} : memref<64xi32, #tpu.memory_space<vmem>>, vector<16xi32>,
      %swap3A_596 = vector.shape_cast %swap3A_595 : vector<16xi32> to vector<16xi32>
      %swap3A_597 = vector.shape_cast %shift_right_logical3A_593 : vector<16xi32> to vector<16xi32>
      tpu.vector_store %arg13[%swap3A_594], %swap3A_597 {strides = array<i32>} : memref<64xi32, #tpu.memory_space<vmem>>, vector<16xi32>,
      %dma_start3A_598 = arith.constant 0 : i32
      %dma_start3A_599 = arith.constant 0 : i32
      %dma_start3A_600 = tpu.memref_slice %arg2[%dma_start3A_598, %dma_start3A_599] : memref<10240x128xf32, #tpu.memory_space<hbm>> -> memref<10240x128xf32, #tpu.memory_space<hbm>>
      tpu.enqueue_indirect_dma source(%dma_start3A_600 : memref<10240x128xf32, #tpu.memory_space<hbm>>) target(%arg17 : memref<64x128xf32, #tpu.memory_space<vmem>>) offsets(%arg9 : memref<64xi32, #tpu.memory_space<vmem>>) semaphore(%arg22 : memref<!tpu.dma_semaphore, #tpu.memory_space<semaphore_mem>>)
      %dma_wait3A_601 = arith.constant 0 : i32
      %dma_wait3A_602 = arith.constant 0 : i32
      %dma_wait3A_603 = tpu.memref_slice %arg20[%dma_wait3A_601, %dma_wait3A_602] : memref<10240x128xf32, #tpu.memory_space<vmem_shared>> -> memref<10240x128xf32, #tpu.memory_space<vmem_shared>>
      tpu.wait_indirect_dma semaphore(%arg23 : memref<!tpu.dma_semaphore, #tpu.memory_space<semaphore_mem>>) src(%arg18 : memref<64x128xf32, #tpu.memory_space<vmem>>) dst(%dma_wait3A_603 : memref<10240x128xf32, #tpu.memory_space<vmem_shared>>)
      %mul3A_604 = arith.constant 2 : i32
      %mul3A_605 = arith.muli %mul3A_604, %scan3A_396 : i32
      %add3A_606 = arith.constant 1 : i32
      %add3A_607 = arith.addi %mul3A_605, %add3A_606 : i32
      %get3A_608 = arith.constant 0 : i32
      %get3A_609 = tpu.memref_slice %arg7[%add3A_607, %get3A_608] : memref<80x128xi32, #tpu.memory_space<vmem>> -> memref<1x128xi32, #tpu.memory_space<vmem>>
      %get3A_610 = tpu.memref_squeeze %get3A_609 : memref<1x128xi32, #tpu.memory_space<vmem>> -> memref<128xi32, #tpu.memory_space<vmem>>
      %get3A_611 = arith.constant 0 : index
      %get3A_612 = tpu.vector_load %get3A_610[%get3A_611] {strides = array<i32>} : memref<128xi32, #tpu.memory_space<vmem>>, vector<16xi32>,
      %get3A_613 = vector.shape_cast %get3A_612 : vector<16xi32> to vector<16xi32>
      %and3A_614 = arith.constant 65535 : i32
      %and3A_615 = vector.broadcast %and3A_614 : i32 to vector<16xi32>
      %and3A_616 = arith.andi %get3A_613, %and3A_615 : vector<16xi32>
      %swap3A_617 = arith.constant 0 : index
      %swap3A_618 = tpu.vector_load %arg10[%swap3A_617] {strides = array<i32>} : memref<64xi32, #tpu.memory_space<vmem>>, vector<16xi32>,
      %swap3A_619 = vector.shape_cast %swap3A_618 : vector<16xi32> to vector<16xi32>
      %swap3A_620 = vector.shape_cast %and3A_616 : vector<16xi32> to vector<16xi32>
      tpu.vector_store %arg10[%swap3A_617], %swap3A_620 {strides = array<i32>} : memref<64xi32, #tpu.memory_space<vmem>>, vector<16xi32>,
      %shift_right_logical3A_621 = arith.constant 16 : i32
      %shift_right_logical3A_622 = vector.broadcast %shift_right_logical3A_621 : i32 to vector<16xi32>
      %shift_right_logical3A_623 = arith.shrui %get3A_613, %shift_right_logical3A_622 : vector<16xi32>
      %swap3A_624 = arith.constant 0 : index
      %swap3A_625 = tpu.vector_load %arg14[%swap3A_624] {strides = array<i32>} : memref<64xi32, #tpu.memory_space<vmem>>, vector<16xi32>,
      %swap3A_626 = vector.shape_cast %swap3A_625 : vector<16xi32> to vector<16xi32>
      %swap3A_627 = vector.shape_cast %shift_right_logical3A_623 : vector<16xi32> to vector<16xi32>
      tpu.vector_store %arg14[%swap3A_624], %swap3A_627 {strides = array<i32>} : memref<64xi32, #tpu.memory_space<vmem>>, vector<16xi32>,
      %get3A_628 = arith.constant 0 : i32
      %get3A_629 = tpu.memref_slice %arg7[%add3A_607, %get3A_628] : memref<80x128xi32, #tpu.memory_space<vmem>> -> memref<1x128xi32, #tpu.memory_space<vmem>>
      %get3A_630 = tpu.memref_squeeze %get3A_629 : memref<1x128xi32, #tpu.memory_space<vmem>> -> memref<128xi32, #tpu.memory_space<vmem>>
      %get3A_631 = arith.constant 16 : index
      %get3A_632 = tpu.vector_load %get3A_630[%get3A_631] {strides = array<i32>} : memref<128xi32, #tpu.memory_space<vmem>>, vector<16xi32>,
      %get3A_633 = vector.shape_cast %get3A_632 : vector<16xi32> to vector<16xi32>
      %and3A_634 = arith.constant 65535 : i32
      %and3A_635 = vector.broadcast %and3A_634 : i32 to vector<16xi32>
      %and3A_636 = arith.andi %get3A_633, %and3A_635 : vector<16xi32>
      %swap3A_637 = arith.constant 16 : index
      %swap3A_638 = tpu.vector_load %arg10[%swap3A_637] {strides = array<i32>} : memref<64xi32, #tpu.memory_space<vmem>>, vector<16xi32>,
      %swap3A_639 = vector.shape_cast %swap3A_638 : vector<16xi32> to vector<16xi32>
      %swap3A_640 = vector.shape_cast %and3A_636 : vector<16xi32> to vector<16xi32>
      tpu.vector_store %arg10[%swap3A_637], %swap3A_640 {strides = array<i32>} : memref<64xi32, #tpu.memory_space<vmem>>, vector<16xi32>,
      %shift_right_logical3A_641 = arith.constant 16 : i32
      %shift_right_logical3A_642 = vector.broadcast %shift_right_logical3A_641 : i32 to vector<16xi32>
      %shift_right_logical3A_643 = arith.shrui %get3A_633, %shift_right_logical3A_642 : vector<16xi32>
      %swap3A_644 = arith.constant 16 : index
      %swap3A_645 = tpu.vector_load %arg14[%swap3A_644] {strides = array<i32>} : memref<64xi32, #tpu.memory_space<vmem>>, vector<16xi32>,
      %swap3A_646 = vector.shape_cast %swap3A_645 : vector<16xi32> to vector<16xi32>
      %swap3A_647 = vector.shape_cast %shift_right_logical3A_643 : vector<16xi32> to vector<16xi32>
      tpu.vector_store %arg14[%swap3A_644], %swap3A_647 {strides = array<i32>} : memref<64xi32, #tpu.memory_space<vmem>>, vector<16xi32>,
      %get3A_648 = arith.constant 0 : i32
      %get3A_649 = tpu.memref_slice %arg7[%add3A_607, %get3A_648] : memref<80x128xi32, #tpu.memory_space<vmem>> -> memref<1x128xi32, #tpu.memory_space<vmem>>
      %get3A_650 = tpu.memref_squeeze %get3A_649 : memref<1x128xi32, #tpu.memory_space<vmem>> -> memref<128xi32, #tpu.memory_space<vmem>>
      %get3A_651 = arith.constant 32 : index
      %get3A_652 = tpu.vector_load %get3A_650[%get3A_651] {strides = array<i32>} : memref<128xi32, #tpu.memory_space<vmem>>, vector<16xi32>,
      %get3A_653 = vector.shape_cast %get3A_652 : vector<16xi32> to vector<16xi32>
      %and3A_654 = arith.constant 65535 : i32
      %and3A_655 = vector.broadcast %and3A_654 : i32 to vector<16xi32>
      %and3A_656 = arith.andi %get3A_653, %and3A_655 : vector<16xi32>
      %swap3A_657 = arith.constant 32 : index
      %swap3A_658 = tpu.vector_load %arg10[%swap3A_657] {strides = array<i32>} : memref<64xi32, #tpu.memory_space<vmem>>, vector<16xi32>,
      %swap3A_659 = vector.shape_cast %swap3A_658 : vector<16xi32> to vector<16xi32>
      %swap3A_660 = vector.shape_cast %and3A_656 : vector<16xi32> to vector<16xi32>
      tpu.vector_store %arg10[%swap3A_657], %swap3A_660 {strides = array<i32>} : memref<64xi32, #tpu.memory_space<vmem>>, vector<16xi32>,
      %shift_right_logical3A_661 = arith.constant 16 : i32
      %shift_right_logical3A_662 = vector.broadcast %shift_right_logical3A_661 : i32 to vector<16xi32>
      %shift_right_logical3A_663 = arith.shrui %get3A_653, %shift_right_logical3A_662 : vector<16xi32>
      %swap3A_664 = arith.constant 32 : index
      %swap3A_665 = tpu.vector_load %arg14[%swap3A_664] {strides = array<i32>} : memref<64xi32, #tpu.memory_space<vmem>>, vector<16xi32>,
      %swap3A_666 = vector.shape_cast %swap3A_665 : vector<16xi32> to vector<16xi32>
      %swap3A_667 = vector.shape_cast %shift_right_logical3A_663 : vector<16xi32> to vector<16xi32>
      tpu.vector_store %arg14[%swap3A_664], %swap3A_667 {strides = array<i32>} : memref<64xi32, #tpu.memory_space<vmem>>, vector<16xi32>,
      %get3A_668 = arith.constant 0 : i32
      %get3A_669 = tpu.memref_slice %arg7[%add3A_607, %get3A_668] : memref<80x128xi32, #tpu.memory_space<vmem>> -> memref<1x128xi32, #tpu.memory_space<vmem>>
      %get3A_670 = tpu.memref_squeeze %get3A_669 : memref<1x128xi32, #tpu.memory_space<vmem>> -> memref<128xi32, #tpu.memory_space<vmem>>
      %get3A_671 = arith.constant 48 : index
      %get3A_672 = tpu.vector_load %get3A_670[%get3A_671] {strides = array<i32>} : memref<128xi32, #tpu.memory_space<vmem>>, vector<16xi32>,
      %get3A_673 = vector.shape_cast %get3A_672 : vector<16xi32> to vector<16xi32>
      %and3A_674 = arith.constant 65535 : i32
      %and3A_675 = vector.broadcast %and3A_674 : i32 to vector<16xi32>
      %and3A_676 = arith.andi %get3A_673, %and3A_675 : vector<16xi32>
      %swap3A_677 = arith.constant 48 : index
      %swap3A_678 = tpu.vector_load %arg10[%swap3A_677] {strides = array<i32>} : memref<64xi32, #tpu.memory_space<vmem>>, vector<16xi32>,
      %swap3A_679 = vector.shape_cast %swap3A_678 : vector<16xi32> to vector<16xi32>
      %swap3A_680 = vector.shape_cast %and3A_676 : vector<16xi32> to vector<16xi32>
      tpu.vector_store %arg10[%swap3A_677], %swap3A_680 {strides = array<i32>} : memref<64xi32, #tpu.memory_space<vmem>>, vector<16xi32>,
      %shift_right_logical3A_681 = arith.constant 16 : i32
      %shift_right_logical3A_682 = vector.broadcast %shift_right_logical3A_681 : i32 to vector<16xi32>
      %shift_right_logical3A_683 = arith.shrui %get3A_673, %shift_right_logical3A_682 : vector<16xi32>
      %swap3A_684 = arith.constant 48 : index
      %swap3A_685 = tpu.vector_load %arg14[%swap3A_684] {strides = array<i32>} : memref<64xi32, #tpu.memory_space<vmem>>, vector<16xi32>,
      %swap3A_686 = vector.shape_cast %swap3A_685 : vector<16xi32> to vector<16xi32>
      %swap3A_687 = vector.shape_cast %shift_right_logical3A_683 : vector<16xi32> to vector<16xi32>
      tpu.vector_store %arg14[%swap3A_684], %swap3A_687 {strides = array<i32>} : memref<64xi32, #tpu.memory_space<vmem>>, vector<16xi32>,
      %dma_start3A_688 = arith.constant 0 : i32
      %dma_start3A_689 = arith.constant 0 : i32
      %dma_start3A_690 = tpu.memref_slice %arg2[%dma_start3A_688, %dma_start3A_689] : memref<10240x128xf32, #tpu.memory_space<hbm>> -> memref<10240x128xf32, #tpu.memory_space<hbm>>
      tpu.enqueue_indirect_dma source(%dma_start3A_690 : memref<10240x128xf32, #tpu.memory_space<hbm>>) target(%arg18 : memref<64x128xf32, #tpu.memory_space<vmem>>) offsets(%arg10 : memref<64xi32, #tpu.memory_space<vmem>>) semaphore(%arg23 : memref<!tpu.dma_semaphore, #tpu.memory_space<semaphore_mem>>)
      %dma_wait3A_691 = arith.constant 0 : i32
      %dma_wait3A_692 = arith.constant 0 : i32
      %dma_wait3A_693 = tpu.memref_slice %arg20[%dma_wait3A_691, %dma_wait3A_692] : memref<10240x128xf32, #tpu.memory_space<vmem_shared>> -> memref<10240x128xf32, #tpu.memory_space<vmem_shared>>
      tpu.wait_indirect_dma semaphore(%arg24 : memref<!tpu.dma_semaphore, #tpu.memory_space<semaphore_mem>>) src(%arg19 : memref<64x128xf32, #tpu.memory_space<vmem>>) dst(%dma_wait3A_693 : memref<10240x128xf32, #tpu.memory_space<vmem_shared>>)
      %mul3A_694 = arith.constant 2 : i32
      %mul3A_695 = arith.muli %mul3A_694, %scan3A_396 : i32
      %add3A_696 = arith.constant 1 : i32
      %add3A_697 = arith.addi %mul3A_695, %add3A_696 : i32
      %get3A_698 = arith.constant 0 : i32
      %get3A_699 = tpu.memref_slice %arg7[%add3A_697, %get3A_698] : memref<80x128xi32, #tpu.memory_space<vmem>> -> memref<1x128xi32, #tpu.memory_space<vmem>>
      %get3A_700 = tpu.memref_squeeze %get3A_699 : memref<1x128xi32, #tpu.memory_space<vmem>> -> memref<128xi32, #tpu.memory_space<vmem>>
      %get3A_701 = arith.constant 64 : index
      %get3A_702 = tpu.vector_load %get3A_700[%get3A_701] {strides = array<i32>} : memref<128xi32, #tpu.memory_space<vmem>>, vector<16xi32>,
      %get3A_703 = vector.shape_cast %get3A_702 : vector<16xi32> to vector<16xi32>
      %and3A_704 = arith.constant 65535 : i32
      %and3A_705 = vector.broadcast %and3A_704 : i32 to vector<16xi32>
      %and3A_706 = arith.andi %get3A_703, %and3A_705 : vector<16xi32>
      %swap3A_707 = arith.constant 0 : index
      %swap3A_708 = tpu.vector_load %arg11[%swap3A_707] {strides = array<i32>} : memref<64xi32, #tpu.memory_space<vmem>>, vector<16xi32>,
      %swap3A_709 = vector.shape_cast %swap3A_708 : vector<16xi32> to vector<16xi32>
      %swap3A_710 = vector.shape_cast %and3A_706 : vector<16xi32> to vector<16xi32>
      tpu.vector_store %arg11[%swap3A_707], %swap3A_710 {strides = array<i32>} : memref<64xi32, #tpu.memory_space<vmem>>, vector<16xi32>,
      %shift_right_logical3A_711 = arith.constant 16 : i32
      %shift_right_logical3A_712 = vector.broadcast %shift_right_logical3A_711 : i32 to vector<16xi32>
      %shift_right_logical3A_713 = arith.shrui %get3A_703, %shift_right_logical3A_712 : vector<16xi32>
      %swap3A_714 = arith.constant 0 : index
      %swap3A_715 = tpu.vector_load %arg15[%swap3A_714] {strides = array<i32>} : memref<64xi32, #tpu.memory_space<vmem>>, vector<16xi32>,
      %swap3A_716 = vector.shape_cast %swap3A_715 : vector<16xi32> to vector<16xi32>
      %swap3A_717 = vector.shape_cast %shift_right_logical3A_713 : vector<16xi32> to vector<16xi32>
      tpu.vector_store %arg15[%swap3A_714], %swap3A_717 {strides = array<i32>} : memref<64xi32, #tpu.memory_space<vmem>>, vector<16xi32>,
      %get3A_718 = arith.constant 0 : i32
      %get3A_719 = tpu.memref_slice %arg7[%add3A_697, %get3A_718] : memref<80x128xi32, #tpu.memory_space<vmem>> -> memref<1x128xi32, #tpu.memory_space<vmem>>
      %get3A_720 = tpu.memref_squeeze %get3A_719 : memref<1x128xi32, #tpu.memory_space<vmem>> -> memref<128xi32, #tpu.memory_space<vmem>>
      %get3A_721 = arith.constant 80 : index
      %get3A_722 = tpu.vector_load %get3A_720[%get3A_721] {strides = array<i32>} : memref<128xi32, #tpu.memory_space<vmem>>, vector<16xi32>,
      %get3A_723 = vector.shape_cast %get3A_722 : vector<16xi32> to vector<16xi32>
      %and3A_724 = arith.constant 65535 : i32
      %and3A_725 = vector.broadcast %and3A_724 : i32 to vector<16xi32>
      %and3A_726 = arith.andi %get3A_723, %and3A_725 : vector<16xi32>
      %swap3A_727 = arith.constant 16 : index
      %swap3A_728 = tpu.vector_load %arg11[%swap3A_727] {strides = array<i32>} : memref<64xi32, #tpu.memory_space<vmem>>, vector<16xi32>,
      %swap3A_729 = vector.shape_cast %swap3A_728 : vector<16xi32> to vector<16xi32>
      %swap3A_730 = vector.shape_cast %and3A_726 : vector<16xi32> to vector<16xi32>
      tpu.vector_store %arg11[%swap3A_727], %swap3A_730 {strides = array<i32>} : memref<64xi32, #tpu.memory_space<vmem>>, vector<16xi32>,
      %shift_right_logical3A_731 = arith.constant 16 : i32
      %shift_right_logical3A_732 = vector.broadcast %shift_right_logical3A_731 : i32 to vector<16xi32>
      %shift_right_logical3A_733 = arith.shrui %get3A_723, %shift_right_logical3A_732 : vector<16xi32>
      %swap3A_734 = arith.constant 16 : index
      %swap3A_735 = tpu.vector_load %arg15[%swap3A_734] {strides = array<i32>} : memref<64xi32, #tpu.memory_space<vmem>>, vector<16xi32>,
      %swap3A_736 = vector.shape_cast %swap3A_735 : vector<16xi32> to vector<16xi32>
      %swap3A_737 = vector.shape_cast %shift_right_logical3A_733 : vector<16xi32> to vector<16xi32>
      tpu.vector_store %arg15[%swap3A_734], %swap3A_737 {strides = array<i32>} : memref<64xi32, #tpu.memory_space<vmem>>, vector<16xi32>,
      %get3A_738 = arith.constant 0 : i32
      %get3A_739 = tpu.memref_slice %arg7[%add3A_697, %get3A_738] : memref<80x128xi32, #tpu.memory_space<vmem>> -> memref<1x128xi32, #tpu.memory_space<vmem>>
      %get3A_740 = tpu.memref_squeeze %get3A_739 : memref<1x128xi32, #tpu.memory_space<vmem>> -> memref<128xi32, #tpu.memory_space<vmem>>
      %get3A_741 = arith.constant 96 : index
      %get3A_742 = tpu.vector_load %get3A_740[%get3A_741] {strides = array<i32>} : memref<128xi32, #tpu.memory_space<vmem>>, vector<16xi32>,
      %get3A_743 = vector.shape_cast %get3A_742 : vector<16xi32> to vector<16xi32>
      %and3A_744 = arith.constant 65535 : i32
      %and3A_745 = vector.broadcast %and3A_744 : i32 to vector<16xi32>
      %and3A_746 = arith.andi %get3A_743, %and3A_745 : vector<16xi32>
      %swap3A_747 = arith.constant 32 : index
      %swap3A_748 = tpu.vector_load %arg11[%swap3A_747] {strides = array<i32>} : memref<64xi32, #tpu.memory_space<vmem>>, vector<16xi32>,
      %swap3A_749 = vector.shape_cast %swap3A_748 : vector<16xi32> to vector<16xi32>
      %swap3A_750 = vector.shape_cast %and3A_746 : vector<16xi32> to vector<16xi32>
      tpu.vector_store %arg11[%swap3A_747], %swap3A_750 {strides = array<i32>} : memref<64xi32, #tpu.memory_space<vmem>>, vector<16xi32>,
      %shift_right_logical3A_751 = arith.constant 16 : i32
      %shift_right_logical3A_752 = vector.broadcast %shift_right_logical3A_751 : i32 to vector<16xi32>
      %shift_right_logical3A_753 = arith.shrui %get3A_743, %shift_right_logical3A_752 : vector<16xi32>
      %swap3A_754 = arith.constant 32 : index
      %swap3A_755 = tpu.vector_load %arg15[%swap3A_754] {strides = array<i32>} : memref<64xi32, #tpu.memory_space<vmem>>, vector<16xi32>,
      %swap3A_756 = vector.shape_cast %swap3A_755 : vector<16xi32> to vector<16xi32>
      %swap3A_757 = vector.shape_cast %shift_right_logical3A_753 : vector<16xi32> to vector<16xi32>
      tpu.vector_store %arg15[%swap3A_754], %swap3A_757 {strides = array<i32>} : memref<64xi32, #tpu.memory_space<vmem>>, vector<16xi32>,
      %get3A_758 = arith.constant 0 : i32
      %get3A_759 = tpu.memref_slice %arg7[%add3A_697, %get3A_758] : memref<80x128xi32, #tpu.memory_space<vmem>> -> memref<1x128xi32, #tpu.memory_space<vmem>>
      %get3A_760 = tpu.memref_squeeze %get3A_759 : memref<1x128xi32, #tpu.memory_space<vmem>> -> memref<128xi32, #tpu.memory_space<vmem>>
      %get3A_761 = arith.constant 112 : index
      %get3A_762 = tpu.vector_load %get3A_760[%get3A_761] {strides = array<i32>} : memref<128xi32, #tpu.memory_space<vmem>>, vector<16xi32>,
      %get3A_763 = vector.shape_cast %get3A_762 : vector<16xi32> to vector<16xi32>
      %and3A_764 = arith.constant 65535 : i32
      %and3A_765 = vector.broadcast %and3A_764 : i32 to vector<16xi32>
      %and3A_766 = arith.andi %get3A_763, %and3A_765 : vector<16xi32>
      %swap3A_767 = arith.constant 48 : index
      %swap3A_768 = tpu.vector_load %arg11[%swap3A_767] {strides = array<i32>} : memref<64xi32, #tpu.memory_space<vmem>>, vector<16xi32>,
      %swap3A_769 = vector.shape_cast %swap3A_768 : vector<16xi32> to vector<16xi32>
      %swap3A_770 = vector.shape_cast %and3A_766 : vector<16xi32> to vector<16xi32>
      tpu.vector_store %arg11[%swap3A_767], %swap3A_770 {strides = array<i32>} : memref<64xi32, #tpu.memory_space<vmem>>, vector<16xi32>,
      %shift_right_logical3A_771 = arith.constant 16 : i32
      %shift_right_logical3A_772 = vector.broadcast %shift_right_logical3A_771 : i32 to vector<16xi32>
      %shift_right_logical3A_773 = arith.shrui %get3A_763, %shift_right_logical3A_772 : vector<16xi32>
      %swap3A_774 = arith.constant 48 : index
      %swap3A_775 = tpu.vector_load %arg15[%swap3A_774] {strides = array<i32>} : memref<64xi32, #tpu.memory_space<vmem>>, vector<16xi32>,
      %swap3A_776 = vector.shape_cast %swap3A_775 : vector<16xi32> to vector<16xi32>
      %swap3A_777 = vector.shape_cast %shift_right_logical3A_773 : vector<16xi32> to vector<16xi32>
      tpu.vector_store %arg15[%swap3A_774], %swap3A_777 {strides = array<i32>} : memref<64xi32, #tpu.memory_space<vmem>>, vector<16xi32>,
      %dma_start3A_778 = arith.constant 0 : i32
      %dma_start3A_779 = arith.constant 0 : i32
      %dma_start3A_780 = tpu.memref_slice %arg2[%dma_start3A_778, %dma_start3A_779] : memref<10240x128xf32, #tpu.memory_space<hbm>> -> memref<10240x128xf32, #tpu.memory_space<hbm>>
      tpu.enqueue_indirect_dma source(%dma_start3A_780 : memref<10240x128xf32, #tpu.memory_space<hbm>>) target(%arg19 : memref<64x128xf32, #tpu.memory_space<vmem>>) offsets(%arg11 : memref<64xi32, #tpu.memory_space<vmem>>) semaphore(%arg24 : memref<!tpu.dma_semaphore, #tpu.memory_space<semaphore_mem>>)
    }
    %scan3A_352 = arith.constant 39 : i32
    %dma_wait3A = arith.constant 0 : i32
    %dma_wait3A_353 = arith.constant 0 : i32
    %dma_wait3A_354 = tpu.memref_slice %arg2[%dma_wait3A, %dma_wait3A_353] : memref<10240x128xf32, #tpu.memory_space<hbm>> -> memref<10240x128xf32, #tpu.memory_space<hbm>>
    tpu.wait_indirect_dma semaphore(%arg21 : memref<!tpu.dma_semaphore, #tpu.memory_space<semaphore_mem>>) src(%dma_wait3A_354 : memref<10240x128xf32, #tpu.memory_space<hbm>>) dst(%arg16 : memref<64x128xf32, #tpu.memory_space<vmem>>)
    %dma_start3A_355 = arith.constant 0 : i32
    %dma_start3A_356 = arith.constant 0 : i32
    %dma_start3A_357 = tpu.memref_slice %arg20[%dma_start3A_355, %dma_start3A_356] : memref<10240x128xf32, #tpu.memory_space<vmem_shared>> -> memref<10240x128xf32, #tpu.memory_space<vmem_shared>>
    tpu.enqueue_indirect_dma source(%arg16 : memref<64x128xf32, #tpu.memory_space<vmem>>) target(%dma_start3A_357 : memref<10240x128xf32, #tpu.memory_space<vmem_shared>>) offsets(%arg12 : memref<64xi32, #tpu.memory_space<vmem>>) semaphore(%arg21 : memref<!tpu.dma_semaphore, #tpu.memory_space<semaphore_mem>>) {add = true}
    %dma_wait3A_358 = arith.constant 0 : i32
    %dma_wait3A_359 = arith.constant 0 : i32
    %dma_wait3A_360 = tpu.memref_slice %arg2[%dma_wait3A_358, %dma_wait3A_359] : memref<10240x128xf32, #tpu.memory_space<hbm>> -> memref<10240x128xf32, #tpu.memory_space<hbm>>
    tpu.wait_indirect_dma semaphore(%arg22 : memref<!tpu.dma_semaphore, #tpu.memory_space<semaphore_mem>>) src(%dma_wait3A_360 : memref<10240x128xf32, #tpu.memory_space<hbm>>) dst(%arg17 : memref<64x128xf32, #tpu.memory_space<vmem>>)
    %dma_start3A_361 = arith.constant 0 : i32
    %dma_start3A_362 = arith.constant 0 : i32
    %dma_start3A_363 = tpu.memref_slice %arg20[%dma_start3A_361, %dma_start3A_362] : memref<10240x128xf32, #tpu.memory_space<vmem_shared>> -> memref<10240x128xf32, #tpu.memory_space<vmem_shared>>
    tpu.enqueue_indirect_dma source(%arg17 : memref<64x128xf32, #tpu.memory_space<vmem>>) target(%dma_start3A_363 : memref<10240x128xf32, #tpu.memory_space<vmem_shared>>) offsets(%arg13 : memref<64xi32, #tpu.memory_space<vmem>>) semaphore(%arg22 : memref<!tpu.dma_semaphore, #tpu.memory_space<semaphore_mem>>) {add = true}
    %dma_wait3A_364 = arith.constant 0 : i32
    %dma_wait3A_365 = arith.constant 0 : i32
    %dma_wait3A_366 = tpu.memref_slice %arg2[%dma_wait3A_364, %dma_wait3A_365] : memref<10240x128xf32, #tpu.memory_space<hbm>> -> memref<10240x128xf32, #tpu.memory_space<hbm>>
    tpu.wait_indirect_dma semaphore(%arg23 : memref<!tpu.dma_semaphore, #tpu.memory_space<semaphore_mem>>) src(%dma_wait3A_366 : memref<10240x128xf32, #tpu.memory_space<hbm>>) dst(%arg18 : memref<64x128xf32, #tpu.memory_space<vmem>>)
    %dma_start3A_367 = arith.constant 0 : i32
    %dma_start3A_368 = arith.constant 0 : i32
    %dma_start3A_369 = tpu.memref_slice %arg20[%dma_start3A_367, %dma_start3A_368] : memref<10240x128xf32, #tpu.memory_space<vmem_shared>> -> memref<10240x128xf32, #tpu.memory_space<vmem_shared>>
    tpu.enqueue_indirect_dma source(%arg18 : memref<64x128xf32, #tpu.memory_space<vmem>>) target(%dma_start3A_369 : memref<10240x128xf32, #tpu.memory_space<vmem_shared>>) offsets(%arg14 : memref<64xi32, #tpu.memory_space<vmem>>) semaphore(%arg23 : memref<!tpu.dma_semaphore, #tpu.memory_space<semaphore_mem>>) {add = true}
    %dma_wait3A_370 = arith.constant 0 : i32
    %dma_wait3A_371 = arith.constant 0 : i32
    %dma_wait3A_372 = tpu.memref_slice %arg2[%dma_wait3A_370, %dma_wait3A_371] : memref<10240x128xf32, #tpu.memory_space<hbm>> -> memref<10240x128xf32, #tpu.memory_space<hbm>>
    tpu.wait_indirect_dma semaphore(%arg24 : memref<!tpu.dma_semaphore, #tpu.memory_space<semaphore_mem>>) src(%dma_wait3A_372 : memref<10240x128xf32, #tpu.memory_space<hbm>>) dst(%arg19 : memref<64x128xf32, #tpu.memory_space<vmem>>)
    %dma_start3A_373 = arith.constant 0 : i32
    %dma_start3A_374 = arith.constant 0 : i32
    %dma_start3A_375 = tpu.memref_slice %arg20[%dma_start3A_373, %dma_start3A_374] : memref<10240x128xf32, #tpu.memory_space<vmem_shared>> -> memref<10240x128xf32, #tpu.memory_space<vmem_shared>>
    tpu.enqueue_indirect_dma source(%arg19 : memref<64x128xf32, #tpu.memory_space<vmem>>) target(%dma_start3A_375 : memref<10240x128xf32, #tpu.memory_space<vmem_shared>>) offsets(%arg15 : memref<64xi32, #tpu.memory_space<vmem>>) semaphore(%arg24 : memref<!tpu.dma_semaphore, #tpu.memory_space<semaphore_mem>>) {add = true}
    %dma_wait3A_376 = arith.constant 0 : i32
    %dma_wait3A_377 = arith.constant 0 : i32
    %dma_wait3A_378 = tpu.memref_slice %arg20[%dma_wait3A_376, %dma_wait3A_377] : memref<10240x128xf32, #tpu.memory_space<vmem_shared>> -> memref<10240x128xf32, #tpu.memory_space<vmem_shared>>
    tpu.wait_indirect_dma semaphore(%arg21 : memref<!tpu.dma_semaphore, #tpu.memory_space<semaphore_mem>>) src(%arg16 : memref<64x128xf32, #tpu.memory_space<vmem>>) dst(%dma_wait3A_378 : memref<10240x128xf32, #tpu.memory_space<vmem_shared>>)
    %dma_wait3A_379 = arith.constant 0 : i32
    %dma_wait3A_380 = arith.constant 0 : i32
    %dma_wait3A_381 = tpu.memref_slice %arg20[%dma_wait3A_379, %dma_wait3A_380] : memref<10240x128xf32, #tpu.memory_space<vmem_shared>> -> memref<10240x128xf32, #tpu.memory_space<vmem_shared>>
    tpu.wait_indirect_dma semaphore(%arg22 : memref<!tpu.dma_semaphore, #tpu.memory_space<semaphore_mem>>) src(%arg17 : memref<64x128xf32, #tpu.memory_space<vmem>>) dst(%dma_wait3A_381 : memref<10240x128xf32, #tpu.memory_space<vmem_shared>>)
    %dma_wait3A_382 = arith.constant 0 : i32
    %dma_wait3A_383 = arith.constant 0 : i32
    %dma_wait3A_384 = tpu.memref_slice %arg20[%dma_wait3A_382, %dma_wait3A_383] : memref<10240x128xf32, #tpu.memory_space<vmem_shared>> -> memref<10240x128xf32, #tpu.memory_space<vmem_shared>>
    tpu.wait_indirect_dma semaphore(%arg23 : memref<!tpu.dma_semaphore, #tpu.memory_space<semaphore_mem>>) src(%arg18 : memref<64x128xf32, #tpu.memory_space<vmem>>) dst(%dma_wait3A_384 : memref<10240x128xf32, #tpu.memory_space<vmem_shared>>)
    %dma_wait3A_385 = arith.constant 0 : i32
    %dma_wait3A_386 = arith.constant 0 : i32
    %dma_wait3A_387 = tpu.memref_slice %arg20[%dma_wait3A_385, %dma_wait3A_386] : memref<10240x128xf32, #tpu.memory_space<vmem_shared>> -> memref<10240x128xf32, #tpu.memory_space<vmem_shared>>
    tpu.wait_indirect_dma semaphore(%arg24 : memref<!tpu.dma_semaphore, #tpu.memory_space<semaphore_mem>>) src(%arg19 : memref<64x128xf32, #tpu.memory_space<vmem>>) dst(%dma_wait3A_387 : memref<10240x128xf32, #tpu.memory_space<vmem_shared>>)
    %barrier3A_388 = arith.constant 0 : index
    tpu.barrier barrier_id(%barrier3A_388)
    %mul3A_389 = arith.constant 640 : i32
    %mul3A_390 = arith.muli %arg1, %mul3A_389 : i32
    %mul3A_391 = arith.constant 10240 : i32
    %mul3A_392 = arith.muli %arg0, %mul3A_391 : i32
    %mul3A_393 = arith.constant 640 : i32
    %mul3A_394 = arith.muli %arg1, %mul3A_393 : i32
    %add3A_395 = arith.addi %mul3A_392, %mul3A_394 : i32
    "tpu.region"() ({
      %run_scoped3A = tpu.sem_alloc : memref<!tpu.dma_semaphore, #tpu.memory_space<semaphore_mem>>
      %dma_start3A_396 = arith.constant 0 : i32
      %dma_start3A_397 = tpu.memref_slice %arg6[%add3A_395, %dma_start3A_396] : memref<20480x128xf32, #tpu.memory_space<hbm>> -> memref<640x128xf32, #tpu.memory_space<hbm>>
      %dma_start3A_398 = arith.constant 0 : i32
      %dma_start3A_399 = tpu.memref_slice %arg20[%mul3A_390, %dma_start3A_398] : memref<10240x128xf32, #tpu.memory_space<vmem_shared>> -> memref<640x128xf32, #tpu.memory_space<vmem_shared>>
      tpu.enqueue_dma source(%dma_start3A_399 : memref<640x128xf32, #tpu.memory_space<vmem_shared>>) target(%dma_start3A_397 : memref<640x128xf32, #tpu.memory_space<hbm>>) target_semaphore(%run_scoped3A : memref<!tpu.dma_semaphore, #tpu.memory_space<semaphore_mem>>)
      %dma_wait3A_400 = arith.constant 0 : i32
      %dma_wait3A_401 = tpu.memref_slice %arg6[%add3A_395, %dma_wait3A_400] : memref<20480x128xf32, #tpu.memory_space<hbm>> -> memref<640x128xf32, #tpu.memory_space<hbm>>
      %dma_wait3A_402 = arith.constant 0 : i32
      %dma_wait3A_403 = tpu.memref_slice %arg20[%mul3A_390, %dma_wait3A_402] : memref<10240x128xf32, #tpu.memory_space<vmem_shared>> -> memref<640x128xf32, #tpu.memory_space<vmem_shared>>
      tpu.wait_dma2 semaphore(%run_scoped3A : memref<!tpu.dma_semaphore, #tpu.memory_space<semaphore_mem>>) src(%dma_wait3A_403 : memref<640x128xf32, #tpu.memory_space<vmem_shared>>) dst(%dma_wait3A_401 : memref<640x128xf32, #tpu.memory_space<hbm>>)
      tpu.yield
    }) : () -> ()
    return
  }
}

#map = affine_map<(d0, d1) -> (0, 0)>
#map1 = affine_map<(d0, d1) -> (0)>
module attributes {stable_mosaic.version = 14 : i64} {
  func.func @sc_edge_agg_prime(%arg0: i32, %arg1: i32, %arg2: memref<10240x128xf32, #tpu.memory_space<hbm>>, %arg3: memref<2560x128xi32, #tpu.memory_space<hbm>>, %arg4: memref<72x128xf32, #tpu.memory_space<hbm>>, %arg5: memref<10240xi32, #tpu.memory_space<hbm>>, %arg6: memref<1024xi32, #tpu.memory_space<hbm>>, %arg7: memref<2048x128xf32, #tpu.memory_space<hbm>>, %arg8: memref<40x128xi32, #tpu.memory_space<vmem>>, %arg9: memref<64xi32, #tpu.memory_space<vmem>>, %arg10: memref<64xi32, #tpu.memory_space<vmem>>, %arg11: memref<64xi32, #tpu.memory_space<vmem>>, %arg12: memref<64xi32, #tpu.memory_space<vmem>>, %arg13: memref<64xi32, #tpu.memory_space<vmem>>, %arg14: memref<64xi32, #tpu.memory_space<vmem>>, %arg15: memref<64x128xf32, #tpu.memory_space<vmem>>, %arg16: memref<64x128xf32, #tpu.memory_space<vmem>>, %arg17: memref<10240xi32, #tpu.memory_space<vmem_shared>>, %arg18: memref<10240x128xf32, #tpu.memory_space<vmem_shared>>, %arg19: memref<1152x128xf32, #tpu.memory_space<vmem_shared>>, %arg20: memref<!tpu.dma_semaphore, #tpu.memory_space<semaphore_mem>>, %arg21: memref<!tpu.dma_semaphore, #tpu.memory_space<semaphore_mem>>, %arg22: memref<!tpu.dma_semaphore, #tpu.memory_space<semaphore_mem>>, %arg23: memref<!tpu.dma_semaphore, #tpu.memory_space<semaphore_mem>>) attributes {dimension_semantics = [#tpu.dimension_semantics<core_parallel>, #tpu.dimension_semantics<subcore_parallel>], iteration_bounds = array<i64: 2, 16>, scalar_prefetch = 0 : i64, scratch_operands = 16 : i64, tpu.core_type = #tpu.core_type<sc_vector_subcore>, window_params = [{transform_indices = #map}, {transform_indices = #map}, {transform_indices = #map}, {transform_indices = #map1}, {transform_indices = #map1}, {transform_indices = #map}]} {
    %mul3A = arith.constant 16 : i32
    %mul3A_0 = arith.muli %arg0, %mul3A : i32
    %add3A = arith.addi %mul3A_0, %arg1 : i32
    %mul3A_1 = arith.constant 640 : i32
    %mul3A_2 = arith.muli %arg1, %mul3A_1 : i32
    "tpu.region"() ({
      %run_scoped3A = tpu.sem_alloc : memref<!tpu.dma_semaphore, #tpu.memory_space<semaphore_mem>>
      %dma_start3A_442 = arith.constant 0 : i32
      %dma_start3A_443 = tpu.memref_slice %arg18[%mul3A_2, %dma_start3A_442] : memref<10240x128xf32, #tpu.memory_space<vmem_shared>> -> memref<640x128xf32, #tpu.memory_space<vmem_shared>>
      %dma_start3A_444 = arith.constant 0 : i32
      %dma_start3A_445 = tpu.memref_slice %arg2[%mul3A_2, %dma_start3A_444] : memref<10240x128xf32, #tpu.memory_space<hbm>> -> memref<640x128xf32, #tpu.memory_space<hbm>>
      tpu.enqueue_dma source(%dma_start3A_445 : memref<640x128xf32, #tpu.memory_space<hbm>>) target(%dma_start3A_443 : memref<640x128xf32, #tpu.memory_space<vmem_shared>>) target_semaphore(%run_scoped3A : memref<!tpu.dma_semaphore, #tpu.memory_space<semaphore_mem>>)
      %dma_wait3A_446 = arith.constant 0 : i32
      %dma_wait3A_447 = tpu.memref_slice %arg18[%mul3A_2, %dma_wait3A_446] : memref<10240x128xf32, #tpu.memory_space<vmem_shared>> -> memref<640x128xf32, #tpu.memory_space<vmem_shared>>
      %dma_wait3A_448 = arith.constant 0 : i32
      %dma_wait3A_449 = tpu.memref_slice %arg2[%mul3A_2, %dma_wait3A_448] : memref<10240x128xf32, #tpu.memory_space<hbm>> -> memref<640x128xf32, #tpu.memory_space<hbm>>
      tpu.wait_dma2 semaphore(%run_scoped3A : memref<!tpu.dma_semaphore, #tpu.memory_space<semaphore_mem>>) src(%dma_wait3A_449 : memref<640x128xf32, #tpu.memory_space<hbm>>) dst(%dma_wait3A_447 : memref<640x128xf32, #tpu.memory_space<vmem_shared>>)
      tpu.yield
    }) : () -> ()
    %mul3A_3 = arith.constant 72 : i32
    %mul3A_4 = arith.muli %arg1, %mul3A_3 : i32
    "tpu.region"() ({
      %run_scoped3A = tpu.sem_alloc : memref<!tpu.dma_semaphore, #tpu.memory_space<semaphore_mem>>
      %dma_start3A_442 = arith.constant 0 : i32
      %dma_start3A_443 = tpu.memref_slice %arg19[%mul3A_4, %dma_start3A_442] : memref<1152x128xf32, #tpu.memory_space<vmem_shared>> -> memref<72x128xf32, #tpu.memory_space<vmem_shared>>
      tpu.enqueue_dma source(%arg4 : memref<72x128xf32, #tpu.memory_space<hbm>>) target(%dma_start3A_443 : memref<72x128xf32, #tpu.memory_space<vmem_shared>>) target_semaphore(%run_scoped3A : memref<!tpu.dma_semaphore, #tpu.memory_space<semaphore_mem>>)
      %dma_wait3A_444 = arith.constant 0 : i32
      %dma_wait3A_445 = tpu.memref_slice %arg19[%mul3A_4, %dma_wait3A_444] : memref<1152x128xf32, #tpu.memory_space<vmem_shared>> -> memref<72x128xf32, #tpu.memory_space<vmem_shared>>
      tpu.wait_dma2 semaphore(%run_scoped3A : memref<!tpu.dma_semaphore, #tpu.memory_space<semaphore_mem>>) src(%arg4 : memref<72x128xf32, #tpu.memory_space<hbm>>) dst(%dma_wait3A_445 : memref<72x128xf32, #tpu.memory_space<vmem_shared>>)
      tpu.yield
    }) : () -> ()
    "tpu.region"() ({
      %run_scoped3A = tpu.sem_alloc : memref<!tpu.dma_semaphore, #tpu.memory_space<semaphore_mem>>
      %dma_start3A_442 = tpu.memref_slice %arg17[%mul3A_2] : memref<10240xi32, #tpu.memory_space<vmem_shared>> -> memref<640xi32, #tpu.memory_space<vmem_shared>>
      %dma_start3A_443 = tpu.memref_slice %arg5[%mul3A_2] : memref<10240xi32, #tpu.memory_space<hbm>> -> memref<640xi32, #tpu.memory_space<hbm>>
      tpu.enqueue_dma source(%dma_start3A_443 : memref<640xi32, #tpu.memory_space<hbm>>) target(%dma_start3A_442 : memref<640xi32, #tpu.memory_space<vmem_shared>>) target_semaphore(%run_scoped3A : memref<!tpu.dma_semaphore, #tpu.memory_space<semaphore_mem>>)
      %dma_wait3A_444 = tpu.memref_slice %arg17[%mul3A_2] : memref<10240xi32, #tpu.memory_space<vmem_shared>> -> memref<640xi32, #tpu.memory_space<vmem_shared>>
      %dma_wait3A_445 = tpu.memref_slice %arg5[%mul3A_2] : memref<10240xi32, #tpu.memory_space<hbm>> -> memref<640xi32, #tpu.memory_space<hbm>>
      tpu.wait_dma2 semaphore(%run_scoped3A : memref<!tpu.dma_semaphore, #tpu.memory_space<semaphore_mem>>) src(%dma_wait3A_445 : memref<640xi32, #tpu.memory_space<hbm>>) dst(%dma_wait3A_444 : memref<640xi32, #tpu.memory_space<vmem_shared>>)
      tpu.yield
    }) : () -> ()
    %barrier3A = arith.constant 0 : index
    tpu.barrier barrier_id(%barrier3A)
    %mul3A_5 = arith.constant 80 : i32
    %mul3A_6 = arith.muli %add3A, %mul3A_5 : i32
    %add3A_7 = arith.constant 0 : i32
    %add3A_8 = arith.addi %mul3A_6, %add3A_7 : i32
    "tpu.region"() ({
      %run_scoped3A = tpu.sem_alloc : memref<!tpu.dma_semaphore, #tpu.memory_space<semaphore_mem>>
      %dma_start3A_442 = arith.constant 0 : i32
      %dma_start3A_443 = tpu.memref_slice %arg3[%add3A_8, %dma_start3A_442] : memref<2560x128xi32, #tpu.memory_space<hbm>> -> memref<40x128xi32, #tpu.memory_space<hbm>>
      %dma_start3A_444 = arith.constant 0 : i32
      %dma_start3A_445 = tpu.memref_slice %arg3[%add3A_8, %dma_start3A_444] : memref<2560x128xi32, #tpu.memory_space<hbm>> -> memref<40x128xi32, #tpu.memory_space<hbm>>
      tpu.enqueue_dma source(%dma_start3A_445 : memref<40x128xi32, #tpu.memory_space<hbm>>) target(%arg8 : memref<40x128xi32, #tpu.memory_space<vmem>>) target_semaphore(%run_scoped3A : memref<!tpu.dma_semaphore, #tpu.memory_space<semaphore_mem>>)
      %dma_wait3A_446 = arith.constant 0 : i32
      %dma_wait3A_447 = tpu.memref_slice %arg3[%add3A_8, %dma_wait3A_446] : memref<2560x128xi32, #tpu.memory_space<hbm>> -> memref<40x128xi32, #tpu.memory_space<hbm>>
      %dma_wait3A_448 = arith.constant 0 : i32
      %dma_wait3A_449 = tpu.memref_slice %arg3[%add3A_8, %dma_wait3A_448] : memref<2560x128xi32, #tpu.memory_space<hbm>> -> memref<40x128xi32, #tpu.memory_space<hbm>>
      tpu.wait_dma2 semaphore(%run_scoped3A : memref<!tpu.dma_semaphore, #tpu.memory_space<semaphore_mem>>) src(%dma_wait3A_449 : memref<40x128xi32, #tpu.memory_space<hbm>>) dst(%arg8 : memref<40x128xi32, #tpu.memory_space<vmem>>)
      tpu.yield
    }) : () -> ()
    %get3A = arith.constant 0 : i32
    %get3A_9 = arith.constant 0 : i32
    %get3A_10 = tpu.memref_slice %arg8[%get3A, %get3A_9] : memref<40x128xi32, #tpu.memory_space<vmem>> -> memref<1x128xi32, #tpu.memory_space<vmem>>
    %get3A_11 = tpu.memref_squeeze %get3A_10 : memref<1x128xi32, #tpu.memory_space<vmem>> -> memref<128xi32, #tpu.memory_space<vmem>>
    %get3A_12 = arith.constant 0 : index
    %get3A_13 = tpu.vector_load %get3A_11[%get3A_12] {strides = array<i32>} : memref<128xi32, #tpu.memory_space<vmem>>, vector<16xi32>,
    %get3A_14 = vector.shape_cast %get3A_13 : vector<16xi32> to vector<16xi32>
    %and3A = arith.constant 65535 : i32
    %and3A_15 = vector.broadcast %and3A : i32 to vector<16xi32>
    %and3A_16 = arith.andi %get3A_14, %and3A_15 : vector<16xi32>
    %swap3A = arith.constant 0 : index
    %swap3A_17 = tpu.vector_load %arg9[%swap3A] {strides = array<i32>} : memref<64xi32, #tpu.memory_space<vmem>>, vector<16xi32>,
    %swap3A_18 = vector.shape_cast %swap3A_17 : vector<16xi32> to vector<16xi32>
    %swap3A_19 = vector.shape_cast %and3A_16 : vector<16xi32> to vector<16xi32>
    tpu.vector_store %arg9[%swap3A], %swap3A_19 {strides = array<i32>} : memref<64xi32, #tpu.memory_space<vmem>>, vector<16xi32>,
    %shift_right_logical3A = arith.constant 16 : i32
    %shift_right_logical3A_20 = vector.broadcast %shift_right_logical3A : i32 to vector<16xi32>
    %shift_right_logical3A_21 = arith.shrui %get3A_14, %shift_right_logical3A_20 : vector<16xi32>
    %swap3A_22 = arith.constant 0 : index
    %swap3A_23 = tpu.vector_load %arg10[%swap3A_22] {strides = array<i32>} : memref<64xi32, #tpu.memory_space<vmem>>, vector<16xi32>,
    %swap3A_24 = vector.shape_cast %swap3A_23 : vector<16xi32> to vector<16xi32>
    %swap3A_25 = vector.shape_cast %shift_right_logical3A_21 : vector<16xi32> to vector<16xi32>
    tpu.vector_store %arg10[%swap3A_22], %swap3A_25 {strides = array<i32>} : memref<64xi32, #tpu.memory_space<vmem>>, vector<16xi32>,
    %get3A_26 = arith.constant 0 : i32
    %get3A_27 = arith.constant 0 : i32
    %get3A_28 = tpu.memref_slice %arg8[%get3A_26, %get3A_27] : memref<40x128xi32, #tpu.memory_space<vmem>> -> memref<1x128xi32, #tpu.memory_space<vmem>>
    %get3A_29 = tpu.memref_squeeze %get3A_28 : memref<1x128xi32, #tpu.memory_space<vmem>> -> memref<128xi32, #tpu.memory_space<vmem>>
    %get3A_30 = arith.constant 16 : index
    %get3A_31 = tpu.vector_load %get3A_29[%get3A_30] {strides = array<i32>} : memref<128xi32, #tpu.memory_space<vmem>>, vector<16xi32>,
    %get3A_32 = vector.shape_cast %get3A_31 : vector<16xi32> to vector<16xi32>
    %and3A_33 = arith.constant 65535 : i32
    %and3A_34 = vector.broadcast %and3A_33 : i32 to vector<16xi32>
    %and3A_35 = arith.andi %get3A_32, %and3A_34 : vector<16xi32>
    %swap3A_36 = arith.constant 16 : index
    %swap3A_37 = tpu.vector_load %arg9[%swap3A_36] {strides = array<i32>} : memref<64xi32, #tpu.memory_space<vmem>>, vector<16xi32>,
    %swap3A_38 = vector.shape_cast %swap3A_37 : vector<16xi32> to vector<16xi32>
    %swap3A_39 = vector.shape_cast %and3A_35 : vector<16xi32> to vector<16xi32>
    tpu.vector_store %arg9[%swap3A_36], %swap3A_39 {strides = array<i32>} : memref<64xi32, #tpu.memory_space<vmem>>, vector<16xi32>,
    %shift_right_logical3A_40 = arith.constant 16 : i32
    %shift_right_logical3A_41 = vector.broadcast %shift_right_logical3A_40 : i32 to vector<16xi32>
    %shift_right_logical3A_42 = arith.shrui %get3A_32, %shift_right_logical3A_41 : vector<16xi32>
    %swap3A_43 = arith.constant 16 : index
    %swap3A_44 = tpu.vector_load %arg10[%swap3A_43] {strides = array<i32>} : memref<64xi32, #tpu.memory_space<vmem>>, vector<16xi32>,
    %swap3A_45 = vector.shape_cast %swap3A_44 : vector<16xi32> to vector<16xi32>
    %swap3A_46 = vector.shape_cast %shift_right_logical3A_42 : vector<16xi32> to vector<16xi32>
    tpu.vector_store %arg10[%swap3A_43], %swap3A_46 {strides = array<i32>} : memref<64xi32, #tpu.memory_space<vmem>>, vector<16xi32>,
    %get3A_47 = arith.constant 0 : i32
    %get3A_48 = arith.constant 0 : i32
    %get3A_49 = tpu.memref_slice %arg8[%get3A_47, %get3A_48] : memref<40x128xi32, #tpu.memory_space<vmem>> -> memref<1x128xi32, #tpu.memory_space<vmem>>
    %get3A_50 = tpu.memref_squeeze %get3A_49 : memref<1x128xi32, #tpu.memory_space<vmem>> -> memref<128xi32, #tpu.memory_space<vmem>>
    %get3A_51 = arith.constant 32 : index
    %get3A_52 = tpu.vector_load %get3A_50[%get3A_51] {strides = array<i32>} : memref<128xi32, #tpu.memory_space<vmem>>, vector<16xi32>,
    %get3A_53 = vector.shape_cast %get3A_52 : vector<16xi32> to vector<16xi32>
    %and3A_54 = arith.constant 65535 : i32
    %and3A_55 = vector.broadcast %and3A_54 : i32 to vector<16xi32>
    %and3A_56 = arith.andi %get3A_53, %and3A_55 : vector<16xi32>
    %swap3A_57 = arith.constant 32 : index
    %swap3A_58 = tpu.vector_load %arg9[%swap3A_57] {strides = array<i32>} : memref<64xi32, #tpu.memory_space<vmem>>, vector<16xi32>,
    %swap3A_59 = vector.shape_cast %swap3A_58 : vector<16xi32> to vector<16xi32>
    %swap3A_60 = vector.shape_cast %and3A_56 : vector<16xi32> to vector<16xi32>
    tpu.vector_store %arg9[%swap3A_57], %swap3A_60 {strides = array<i32>} : memref<64xi32, #tpu.memory_space<vmem>>, vector<16xi32>,
    %shift_right_logical3A_61 = arith.constant 16 : i32
    %shift_right_logical3A_62 = vector.broadcast %shift_right_logical3A_61 : i32 to vector<16xi32>
    %shift_right_logical3A_63 = arith.shrui %get3A_53, %shift_right_logical3A_62 : vector<16xi32>
    %swap3A_64 = arith.constant 32 : index
    %swap3A_65 = tpu.vector_load %arg10[%swap3A_64] {strides = array<i32>} : memref<64xi32, #tpu.memory_space<vmem>>, vector<16xi32>,
    %swap3A_66 = vector.shape_cast %swap3A_65 : vector<16xi32> to vector<16xi32>
    %swap3A_67 = vector.shape_cast %shift_right_logical3A_63 : vector<16xi32> to vector<16xi32>
    tpu.vector_store %arg10[%swap3A_64], %swap3A_67 {strides = array<i32>} : memref<64xi32, #tpu.memory_space<vmem>>, vector<16xi32>,
    %get3A_68 = arith.constant 0 : i32
    %get3A_69 = arith.constant 0 : i32
    %get3A_70 = tpu.memref_slice %arg8[%get3A_68, %get3A_69] : memref<40x128xi32, #tpu.memory_space<vmem>> -> memref<1x128xi32, #tpu.memory_space<vmem>>
    %get3A_71 = tpu.memref_squeeze %get3A_70 : memref<1x128xi32, #tpu.memory_space<vmem>> -> memref<128xi32, #tpu.memory_space<vmem>>
    %get3A_72 = arith.constant 48 : index
    %get3A_73 = tpu.vector_load %get3A_71[%get3A_72] {strides = array<i32>} : memref<128xi32, #tpu.memory_space<vmem>>, vector<16xi32>,
    %get3A_74 = vector.shape_cast %get3A_73 : vector<16xi32> to vector<16xi32>
    %and3A_75 = arith.constant 65535 : i32
    %and3A_76 = vector.broadcast %and3A_75 : i32 to vector<16xi32>
    %and3A_77 = arith.andi %get3A_74, %and3A_76 : vector<16xi32>
    %swap3A_78 = arith.constant 48 : index
    %swap3A_79 = tpu.vector_load %arg9[%swap3A_78] {strides = array<i32>} : memref<64xi32, #tpu.memory_space<vmem>>, vector<16xi32>,
    %swap3A_80 = vector.shape_cast %swap3A_79 : vector<16xi32> to vector<16xi32>
    %swap3A_81 = vector.shape_cast %and3A_77 : vector<16xi32> to vector<16xi32>
    tpu.vector_store %arg9[%swap3A_78], %swap3A_81 {strides = array<i32>} : memref<64xi32, #tpu.memory_space<vmem>>, vector<16xi32>,
    %shift_right_logical3A_82 = arith.constant 16 : i32
    %shift_right_logical3A_83 = vector.broadcast %shift_right_logical3A_82 : i32 to vector<16xi32>
    %shift_right_logical3A_84 = arith.shrui %get3A_74, %shift_right_logical3A_83 : vector<16xi32>
    %swap3A_85 = arith.constant 48 : index
    %swap3A_86 = tpu.vector_load %arg10[%swap3A_85] {strides = array<i32>} : memref<64xi32, #tpu.memory_space<vmem>>, vector<16xi32>,
    %swap3A_87 = vector.shape_cast %swap3A_86 : vector<16xi32> to vector<16xi32>
    %swap3A_88 = vector.shape_cast %shift_right_logical3A_84 : vector<16xi32> to vector<16xi32>
    tpu.vector_store %arg10[%swap3A_85], %swap3A_88 {strides = array<i32>} : memref<64xi32, #tpu.memory_space<vmem>>, vector<16xi32>,
    %dma_start3A = arith.constant 0 : i32
    %dma_start3A_89 = tpu.memref_slice %arg17[%dma_start3A] : memref<10240xi32, #tpu.memory_space<vmem_shared>> -> memref<10240xi32, #tpu.memory_space<vmem_shared>>
    tpu.enqueue_indirect_dma source(%dma_start3A_89 : memref<10240xi32, #tpu.memory_space<vmem_shared>>) target(%arg11 : memref<64xi32, #tpu.memory_space<vmem>>) offsets(%arg10 : memref<64xi32, #tpu.memory_space<vmem>>) semaphore(%arg22 : memref<!tpu.dma_semaphore, #tpu.memory_space<semaphore_mem>>)
    %dma_start3A_90 = arith.constant 0 : i32
    %dma_start3A_91 = arith.constant 0 : i32
    %dma_start3A_92 = tpu.memref_slice %arg18[%dma_start3A_90, %dma_start3A_91] : memref<10240x128xf32, #tpu.memory_space<vmem_shared>> -> memref<10240x128xf32, #tpu.memory_space<vmem_shared>>
    tpu.enqueue_indirect_dma source(%dma_start3A_92 : memref<10240x128xf32, #tpu.memory_space<vmem_shared>>) target(%arg15 : memref<64x128xf32, #tpu.memory_space<vmem>>) offsets(%arg9 : memref<64xi32, #tpu.memory_space<vmem>>) semaphore(%arg20 : memref<!tpu.dma_semaphore, #tpu.memory_space<semaphore_mem>>)
    %get3A_93 = arith.constant 0 : i32
    %get3A_94 = arith.constant 0 : i32
    %get3A_95 = tpu.memref_slice %arg8[%get3A_93, %get3A_94] : memref<40x128xi32, #tpu.memory_space<vmem>> -> memref<1x128xi32, #tpu.memory_space<vmem>>
    %get3A_96 = tpu.memref_squeeze %get3A_95 : memref<1x128xi32, #tpu.memory_space<vmem>> -> memref<128xi32, #tpu.memory_space<vmem>>
    %get3A_97 = arith.constant 64 : index
    %get3A_98 = tpu.vector_load %get3A_96[%get3A_97] {strides = array<i32>} : memref<128xi32, #tpu.memory_space<vmem>>, vector<16xi32>,
    %get3A_99 = vector.shape_cast %get3A_98 : vector<16xi32> to vector<16xi32>
    %and3A_100 = arith.constant 65535 : i32
    %and3A_101 = vector.broadcast %and3A_100 : i32 to vector<16xi32>
    %and3A_102 = arith.andi %get3A_99, %and3A_101 : vector<16xi32>
    %swap3A_103 = arith.constant 0 : index
    %swap3A_104 = tpu.vector_load %arg12[%swap3A_103] {strides = array<i32>} : memref<64xi32, #tpu.memory_space<vmem>>, vector<16xi32>,
    %swap3A_105 = vector.shape_cast %swap3A_104 : vector<16xi32> to vector<16xi32>
    %swap3A_106 = vector.shape_cast %and3A_102 : vector<16xi32> to vector<16xi32>
    tpu.vector_store %arg12[%swap3A_103], %swap3A_106 {strides = array<i32>} : memref<64xi32, #tpu.memory_space<vmem>>, vector<16xi32>,
    %shift_right_logical3A_107 = arith.constant 16 : i32
    %shift_right_logical3A_108 = vector.broadcast %shift_right_logical3A_107 : i32 to vector<16xi32>
    %shift_right_logical3A_109 = arith.shrui %get3A_99, %shift_right_logical3A_108 : vector<16xi32>
    %swap3A_110 = arith.constant 0 : index
    %swap3A_111 = tpu.vector_load %arg13[%swap3A_110] {strides = array<i32>} : memref<64xi32, #tpu.memory_space<vmem>>, vector<16xi32>,
    %swap3A_112 = vector.shape_cast %swap3A_111 : vector<16xi32> to vector<16xi32>
    %swap3A_113 = vector.shape_cast %shift_right_logical3A_109 : vector<16xi32> to vector<16xi32>
    tpu.vector_store %arg13[%swap3A_110], %swap3A_113 {strides = array<i32>} : memref<64xi32, #tpu.memory_space<vmem>>, vector<16xi32>,
    %get3A_114 = arith.constant 0 : i32
    %get3A_115 = arith.constant 0 : i32
    %get3A_116 = tpu.memref_slice %arg8[%get3A_114, %get3A_115] : memref<40x128xi32, #tpu.memory_space<vmem>> -> memref<1x128xi32, #tpu.memory_space<vmem>>
    %get3A_117 = tpu.memref_squeeze %get3A_116 : memref<1x128xi32, #tpu.memory_space<vmem>> -> memref<128xi32, #tpu.memory_space<vmem>>
    %get3A_118 = arith.constant 80 : index
    %get3A_119 = tpu.vector_load %get3A_117[%get3A_118] {strides = array<i32>} : memref<128xi32, #tpu.memory_space<vmem>>, vector<16xi32>,
    %get3A_120 = vector.shape_cast %get3A_119 : vector<16xi32> to vector<16xi32>
    %and3A_121 = arith.constant 65535 : i32
    %and3A_122 = vector.broadcast %and3A_121 : i32 to vector<16xi32>
    %and3A_123 = arith.andi %get3A_120, %and3A_122 : vector<16xi32>
    %swap3A_124 = arith.constant 16 : index
    %swap3A_125 = tpu.vector_load %arg12[%swap3A_124] {strides = array<i32>} : memref<64xi32, #tpu.memory_space<vmem>>, vector<16xi32>,
    %swap3A_126 = vector.shape_cast %swap3A_125 : vector<16xi32> to vector<16xi32>
    %swap3A_127 = vector.shape_cast %and3A_123 : vector<16xi32> to vector<16xi32>
    tpu.vector_store %arg12[%swap3A_124], %swap3A_127 {strides = array<i32>} : memref<64xi32, #tpu.memory_space<vmem>>, vector<16xi32>,
    %shift_right_logical3A_128 = arith.constant 16 : i32
    %shift_right_logical3A_129 = vector.broadcast %shift_right_logical3A_128 : i32 to vector<16xi32>
    %shift_right_logical3A_130 = arith.shrui %get3A_120, %shift_right_logical3A_129 : vector<16xi32>
    %swap3A_131 = arith.constant 16 : index
    %swap3A_132 = tpu.vector_load %arg13[%swap3A_131] {strides = array<i32>} : memref<64xi32, #tpu.memory_space<vmem>>, vector<16xi32>,
    %swap3A_133 = vector.shape_cast %swap3A_132 : vector<16xi32> to vector<16xi32>
    %swap3A_134 = vector.shape_cast %shift_right_logical3A_130 : vector<16xi32> to vector<16xi32>
    tpu.vector_store %arg13[%swap3A_131], %swap3A_134 {strides = array<i32>} : memref<64xi32, #tpu.memory_space<vmem>>, vector<16xi32>,
    %get3A_135 = arith.constant 0 : i32
    %get3A_136 = arith.constant 0 : i32
    %get3A_137 = tpu.memref_slice %arg8[%get3A_135, %get3A_136] : memref<40x128xi32, #tpu.memory_space<vmem>> -> memref<1x128xi32, #tpu.memory_space<vmem>>
    %get3A_138 = tpu.memref_squeeze %get3A_137 : memref<1x128xi32, #tpu.memory_space<vmem>> -> memref<128xi32, #tpu.memory_space<vmem>>
    %get3A_139 = arith.constant 96 : index
    %get3A_140 = tpu.vector_load %get3A_138[%get3A_139] {strides = array<i32>} : memref<128xi32, #tpu.memory_space<vmem>>, vector<16xi32>,
    %get3A_141 = vector.shape_cast %get3A_140 : vector<16xi32> to vector<16xi32>
    %and3A_142 = arith.constant 65535 : i32
    %and3A_143 = vector.broadcast %and3A_142 : i32 to vector<16xi32>
    %and3A_144 = arith.andi %get3A_141, %and3A_143 : vector<16xi32>
    %swap3A_145 = arith.constant 32 : index
    %swap3A_146 = tpu.vector_load %arg12[%swap3A_145] {strides = array<i32>} : memref<64xi32, #tpu.memory_space<vmem>>, vector<16xi32>,
    %swap3A_147 = vector.shape_cast %swap3A_146 : vector<16xi32> to vector<16xi32>
    %swap3A_148 = vector.shape_cast %and3A_144 : vector<16xi32> to vector<16xi32>
    tpu.vector_store %arg12[%swap3A_145], %swap3A_148 {strides = array<i32>} : memref<64xi32, #tpu.memory_space<vmem>>, vector<16xi32>,
    %shift_right_logical3A_149 = arith.constant 16 : i32
    %shift_right_logical3A_150 = vector.broadcast %shift_right_logical3A_149 : i32 to vector<16xi32>
    %shift_right_logical3A_151 = arith.shrui %get3A_141, %shift_right_logical3A_150 : vector<16xi32>
    %swap3A_152 = arith.constant 32 : index
    %swap3A_153 = tpu.vector_load %arg13[%swap3A_152] {strides = array<i32>} : memref<64xi32, #tpu.memory_space<vmem>>, vector<16xi32>,
    %swap3A_154 = vector.shape_cast %swap3A_153 : vector<16xi32> to vector<16xi32>
    %swap3A_155 = vector.shape_cast %shift_right_logical3A_151 : vector<16xi32> to vector<16xi32>
    tpu.vector_store %arg13[%swap3A_152], %swap3A_155 {strides = array<i32>} : memref<64xi32, #tpu.memory_space<vmem>>, vector<16xi32>,
    %get3A_156 = arith.constant 0 : i32
    %get3A_157 = arith.constant 0 : i32
    %get3A_158 = tpu.memref_slice %arg8[%get3A_156, %get3A_157] : memref<40x128xi32, #tpu.memory_space<vmem>> -> memref<1x128xi32, #tpu.memory_space<vmem>>
    %get3A_159 = tpu.memref_squeeze %get3A_158 : memref<1x128xi32, #tpu.memory_space<vmem>> -> memref<128xi32, #tpu.memory_space<vmem>>
    %get3A_160 = arith.constant 112 : index
    %get3A_161 = tpu.vector_load %get3A_159[%get3A_160] {strides = array<i32>} : memref<128xi32, #tpu.memory_space<vmem>>, vector<16xi32>,
    %get3A_162 = vector.shape_cast %get3A_161 : vector<16xi32> to vector<16xi32>
    %and3A_163 = arith.constant 65535 : i32
    %and3A_164 = vector.broadcast %and3A_163 : i32 to vector<16xi32>
    %and3A_165 = arith.andi %get3A_162, %and3A_164 : vector<16xi32>
    %swap3A_166 = arith.constant 48 : index
    %swap3A_167 = tpu.vector_load %arg12[%swap3A_166] {strides = array<i32>} : memref<64xi32, #tpu.memory_space<vmem>>, vector<16xi32>,
    %swap3A_168 = vector.shape_cast %swap3A_167 : vector<16xi32> to vector<16xi32>
    %swap3A_169 = vector.shape_cast %and3A_165 : vector<16xi32> to vector<16xi32>
    tpu.vector_store %arg12[%swap3A_166], %swap3A_169 {strides = array<i32>} : memref<64xi32, #tpu.memory_space<vmem>>, vector<16xi32>,
    %shift_right_logical3A_170 = arith.constant 16 : i32
    %shift_right_logical3A_171 = vector.broadcast %shift_right_logical3A_170 : i32 to vector<16xi32>
    %shift_right_logical3A_172 = arith.shrui %get3A_162, %shift_right_logical3A_171 : vector<16xi32>
    %swap3A_173 = arith.constant 48 : index
    %swap3A_174 = tpu.vector_load %arg13[%swap3A_173] {strides = array<i32>} : memref<64xi32, #tpu.memory_space<vmem>>, vector<16xi32>,
    %swap3A_175 = vector.shape_cast %swap3A_174 : vector<16xi32> to vector<16xi32>
    %swap3A_176 = vector.shape_cast %shift_right_logical3A_172 : vector<16xi32> to vector<16xi32>
    tpu.vector_store %arg13[%swap3A_173], %swap3A_176 {strides = array<i32>} : memref<64xi32, #tpu.memory_space<vmem>>, vector<16xi32>,
    %dma_start3A_177 = arith.constant 0 : i32
    %dma_start3A_178 = tpu.memref_slice %arg17[%dma_start3A_177] : memref<10240xi32, #tpu.memory_space<vmem_shared>> -> memref<10240xi32, #tpu.memory_space<vmem_shared>>
    tpu.enqueue_indirect_dma source(%dma_start3A_178 : memref<10240xi32, #tpu.memory_space<vmem_shared>>) target(%arg14 : memref<64xi32, #tpu.memory_space<vmem>>) offsets(%arg13 : memref<64xi32, #tpu.memory_space<vmem>>) semaphore(%arg23 : memref<!tpu.dma_semaphore, #tpu.memory_space<semaphore_mem>>)
    %dma_start3A_179 = arith.constant 0 : i32
    %dma_start3A_180 = arith.constant 0 : i32
    %dma_start3A_181 = tpu.memref_slice %arg18[%dma_start3A_179, %dma_start3A_180] : memref<10240x128xf32, #tpu.memory_space<vmem_shared>> -> memref<10240x128xf32, #tpu.memory_space<vmem_shared>>
    tpu.enqueue_indirect_dma source(%dma_start3A_181 : memref<10240x128xf32, #tpu.memory_space<vmem_shared>>) target(%arg16 : memref<64x128xf32, #tpu.memory_space<vmem>>) offsets(%arg12 : memref<64xi32, #tpu.memory_space<vmem>>) semaphore(%arg21 : memref<!tpu.dma_semaphore, #tpu.memory_space<semaphore_mem>>)
    %dma_wait3A = arith.constant 0 : i32
    %dma_wait3A_182 = arith.constant 0 : i32
    %dma_wait3A_183 = tpu.memref_slice %arg18[%dma_wait3A, %dma_wait3A_182] : memref<10240x128xf32, #tpu.memory_space<vmem_shared>> -> memref<10240x128xf32, #tpu.memory_space<vmem_shared>>
    tpu.wait_indirect_dma semaphore(%arg20 : memref<!tpu.dma_semaphore, #tpu.memory_space<semaphore_mem>>) src(%dma_wait3A_183 : memref<10240x128xf32, #tpu.memory_space<vmem_shared>>) dst(%arg15 : memref<64x128xf32, #tpu.memory_space<vmem>>)
    %dma_wait3A_184 = arith.constant 0 : i32
    %dma_wait3A_185 = tpu.memref_slice %arg17[%dma_wait3A_184] : memref<10240xi32, #tpu.memory_space<vmem_shared>> -> memref<10240xi32, #tpu.memory_space<vmem_shared>>
    tpu.wait_indirect_dma semaphore(%arg22 : memref<!tpu.dma_semaphore, #tpu.memory_space<semaphore_mem>>) src(%dma_wait3A_185 : memref<10240xi32, #tpu.memory_space<vmem_shared>>) dst(%arg11 : memref<64xi32, #tpu.memory_space<vmem>>)
    %dma_start3A_186 = arith.constant 0 : i32
    %dma_start3A_187 = arith.constant 0 : i32
    %dma_start3A_188 = tpu.memref_slice %arg19[%dma_start3A_186, %dma_start3A_187] : memref<1152x128xf32, #tpu.memory_space<vmem_shared>> -> memref<1152x128xf32, #tpu.memory_space<vmem_shared>>
    tpu.enqueue_indirect_dma source(%arg15 : memref<64x128xf32, #tpu.memory_space<vmem>>) target(%dma_start3A_188 : memref<1152x128xf32, #tpu.memory_space<vmem_shared>>) offsets(%arg11 : memref<64xi32, #tpu.memory_space<vmem>>) semaphore(%arg20 : memref<!tpu.dma_semaphore, #tpu.memory_space<semaphore_mem>>) {add = true}
    %dma_wait3A_189 = arith.constant 0 : i32
    %dma_wait3A_190 = arith.constant 0 : i32
    %dma_wait3A_191 = tpu.memref_slice %arg18[%dma_wait3A_189, %dma_wait3A_190] : memref<10240x128xf32, #tpu.memory_space<vmem_shared>> -> memref<10240x128xf32, #tpu.memory_space<vmem_shared>>
    tpu.wait_indirect_dma semaphore(%arg21 : memref<!tpu.dma_semaphore, #tpu.memory_space<semaphore_mem>>) src(%dma_wait3A_191 : memref<10240x128xf32, #tpu.memory_space<vmem_shared>>) dst(%arg16 : memref<64x128xf32, #tpu.memory_space<vmem>>)
    %dma_wait3A_192 = arith.constant 0 : i32
    %dma_wait3A_193 = tpu.memref_slice %arg17[%dma_wait3A_192] : memref<10240xi32, #tpu.memory_space<vmem_shared>> -> memref<10240xi32, #tpu.memory_space<vmem_shared>>
    tpu.wait_indirect_dma semaphore(%arg23 : memref<!tpu.dma_semaphore, #tpu.memory_space<semaphore_mem>>) src(%dma_wait3A_193 : memref<10240xi32, #tpu.memory_space<vmem_shared>>) dst(%arg14 : memref<64xi32, #tpu.memory_space<vmem>>)
    %dma_start3A_194 = arith.constant 0 : i32
    %dma_start3A_195 = arith.constant 0 : i32
    %dma_start3A_196 = tpu.memref_slice %arg19[%dma_start3A_194, %dma_start3A_195] : memref<1152x128xf32, #tpu.memory_space<vmem_shared>> -> memref<1152x128xf32, #tpu.memory_space<vmem_shared>>
    tpu.enqueue_indirect_dma source(%arg16 : memref<64x128xf32, #tpu.memory_space<vmem>>) target(%dma_start3A_196 : memref<1152x128xf32, #tpu.memory_space<vmem_shared>>) offsets(%arg14 : memref<64xi32, #tpu.memory_space<vmem>>) semaphore(%arg21 : memref<!tpu.dma_semaphore, #tpu.memory_space<semaphore_mem>>) {add = true}
    %scan3A = arith.constant 0 : i32
    %scan3A_197 = arith.constant 1 : i32
    %scan3A_198 = arith.constant 39 : i32
    %scan3A_199 = arith.addi %scan3A_197, %scan3A_198 : i32
    %scan3A_200 = arith.constant 1 : i32
    scf.for %scan3A_442 = %scan3A_197 to %scan3A_199 step %scan3A_200  : i32 {
      %dma_wait3A_443 = arith.constant 0 : i32
      %dma_wait3A_444 = arith.constant 0 : i32
      %dma_wait3A_445 = tpu.memref_slice %arg19[%dma_wait3A_443, %dma_wait3A_444] : memref<1152x128xf32, #tpu.memory_space<vmem_shared>> -> memref<1152x128xf32, #tpu.memory_space<vmem_shared>>
      tpu.wait_indirect_dma semaphore(%arg20 : memref<!tpu.dma_semaphore, #tpu.memory_space<semaphore_mem>>) src(%arg15 : memref<64x128xf32, #tpu.memory_space<vmem>>) dst(%dma_wait3A_445 : memref<1152x128xf32, #tpu.memory_space<vmem_shared>>)
      %get3A_446 = arith.constant 0 : i32
      %get3A_447 = tpu.memref_slice %arg8[%scan3A_442, %get3A_446] : memref<40x128xi32, #tpu.memory_space<vmem>> -> memref<1x128xi32, #tpu.memory_space<vmem>>
      %get3A_448 = tpu.memref_squeeze %get3A_447 : memref<1x128xi32, #tpu.memory_space<vmem>> -> memref<128xi32, #tpu.memory_space<vmem>>
      %get3A_449 = arith.constant 0 : index
      %get3A_450 = tpu.vector_load %get3A_448[%get3A_449] {strides = array<i32>} : memref<128xi32, #tpu.memory_space<vmem>>, vector<16xi32>,
      %get3A_451 = vector.shape_cast %get3A_450 : vector<16xi32> to vector<16xi32>
      %and3A_452 = arith.constant 65535 : i32
      %and3A_453 = vector.broadcast %and3A_452 : i32 to vector<16xi32>
      %and3A_454 = arith.andi %get3A_451, %and3A_453 : vector<16xi32>
      %swap3A_455 = arith.constant 0 : index
      %swap3A_456 = tpu.vector_load %arg9[%swap3A_455] {strides = array<i32>} : memref<64xi32, #tpu.memory_space<vmem>>, vector<16xi32>,
      %swap3A_457 = vector.shape_cast %swap3A_456 : vector<16xi32> to vector<16xi32>
      %swap3A_458 = vector.shape_cast %and3A_454 : vector<16xi32> to vector<16xi32>
      tpu.vector_store %arg9[%swap3A_455], %swap3A_458 {strides = array<i32>} : memref<64xi32, #tpu.memory_space<vmem>>, vector<16xi32>,
      %shift_right_logical3A_459 = arith.constant 16 : i32
      %shift_right_logical3A_460 = vector.broadcast %shift_right_logical3A_459 : i32 to vector<16xi32>
      %shift_right_logical3A_461 = arith.shrui %get3A_451, %shift_right_logical3A_460 : vector<16xi32>
      %swap3A_462 = arith.constant 0 : index
      %swap3A_463 = tpu.vector_load %arg10[%swap3A_462] {strides = array<i32>} : memref<64xi32, #tpu.memory_space<vmem>>, vector<16xi32>,
      %swap3A_464 = vector.shape_cast %swap3A_463 : vector<16xi32> to vector<16xi32>
      %swap3A_465 = vector.shape_cast %shift_right_logical3A_461 : vector<16xi32> to vector<16xi32>
      tpu.vector_store %arg10[%swap3A_462], %swap3A_465 {strides = array<i32>} : memref<64xi32, #tpu.memory_space<vmem>>, vector<16xi32>,
      %get3A_466 = arith.constant 0 : i32
      %get3A_467 = tpu.memref_slice %arg8[%scan3A_442, %get3A_466] : memref<40x128xi32, #tpu.memory_space<vmem>> -> memref<1x128xi32, #tpu.memory_space<vmem>>
      %get3A_468 = tpu.memref_squeeze %get3A_467 : memref<1x128xi32, #tpu.memory_space<vmem>> -> memref<128xi32, #tpu.memory_space<vmem>>
      %get3A_469 = arith.constant 16 : index
      %get3A_470 = tpu.vector_load %get3A_468[%get3A_469] {strides = array<i32>} : memref<128xi32, #tpu.memory_space<vmem>>, vector<16xi32>,
      %get3A_471 = vector.shape_cast %get3A_470 : vector<16xi32> to vector<16xi32>
      %and3A_472 = arith.constant 65535 : i32
      %and3A_473 = vector.broadcast %and3A_472 : i32 to vector<16xi32>
      %and3A_474 = arith.andi %get3A_471, %and3A_473 : vector<16xi32>
      %swap3A_475 = arith.constant 16 : index
      %swap3A_476 = tpu.vector_load %arg9[%swap3A_475] {strides = array<i32>} : memref<64xi32, #tpu.memory_space<vmem>>, vector<16xi32>,
      %swap3A_477 = vector.shape_cast %swap3A_476 : vector<16xi32> to vector<16xi32>
      %swap3A_478 = vector.shape_cast %and3A_474 : vector<16xi32> to vector<16xi32>
      tpu.vector_store %arg9[%swap3A_475], %swap3A_478 {strides = array<i32>} : memref<64xi32, #tpu.memory_space<vmem>>, vector<16xi32>,
      %shift_right_logical3A_479 = arith.constant 16 : i32
      %shift_right_logical3A_480 = vector.broadcast %shift_right_logical3A_479 : i32 to vector<16xi32>
      %shift_right_logical3A_481 = arith.shrui %get3A_471, %shift_right_logical3A_480 : vector<16xi32>
      %swap3A_482 = arith.constant 16 : index
      %swap3A_483 = tpu.vector_load %arg10[%swap3A_482] {strides = array<i32>} : memref<64xi32, #tpu.memory_space<vmem>>, vector<16xi32>,
      %swap3A_484 = vector.shape_cast %swap3A_483 : vector<16xi32> to vector<16xi32>
      %swap3A_485 = vector.shape_cast %shift_right_logical3A_481 : vector<16xi32> to vector<16xi32>
      tpu.vector_store %arg10[%swap3A_482], %swap3A_485 {strides = array<i32>} : memref<64xi32, #tpu.memory_space<vmem>>, vector<16xi32>,
      %get3A_486 = arith.constant 0 : i32
      %get3A_487 = tpu.memref_slice %arg8[%scan3A_442, %get3A_486] : memref<40x128xi32, #tpu.memory_space<vmem>> -> memref<1x128xi32, #tpu.memory_space<vmem>>
      %get3A_488 = tpu.memref_squeeze %get3A_487 : memref<1x128xi32, #tpu.memory_space<vmem>> -> memref<128xi32, #tpu.memory_space<vmem>>
      %get3A_489 = arith.constant 32 : index
      %get3A_490 = tpu.vector_load %get3A_488[%get3A_489] {strides = array<i32>} : memref<128xi32, #tpu.memory_space<vmem>>, vector<16xi32>,
      %get3A_491 = vector.shape_cast %get3A_490 : vector<16xi32> to vector<16xi32>
      %and3A_492 = arith.constant 65535 : i32
      %and3A_493 = vector.broadcast %and3A_492 : i32 to vector<16xi32>
      %and3A_494 = arith.andi %get3A_491, %and3A_493 : vector<16xi32>
      %swap3A_495 = arith.constant 32 : index
      %swap3A_496 = tpu.vector_load %arg9[%swap3A_495] {strides = array<i32>} : memref<64xi32, #tpu.memory_space<vmem>>, vector<16xi32>,
      %swap3A_497 = vector.shape_cast %swap3A_496 : vector<16xi32> to vector<16xi32>
      %swap3A_498 = vector.shape_cast %and3A_494 : vector<16xi32> to vector<16xi32>
      tpu.vector_store %arg9[%swap3A_495], %swap3A_498 {strides = array<i32>} : memref<64xi32, #tpu.memory_space<vmem>>, vector<16xi32>,
      %shift_right_logical3A_499 = arith.constant 16 : i32
      %shift_right_logical3A_500 = vector.broadcast %shift_right_logical3A_499 : i32 to vector<16xi32>
      %shift_right_logical3A_501 = arith.shrui %get3A_491, %shift_right_logical3A_500 : vector<16xi32>
      %swap3A_502 = arith.constant 32 : index
      %swap3A_503 = tpu.vector_load %arg10[%swap3A_502] {strides = array<i32>} : memref<64xi32, #tpu.memory_space<vmem>>, vector<16xi32>,
      %swap3A_504 = vector.shape_cast %swap3A_503 : vector<16xi32> to vector<16xi32>
      %swap3A_505 = vector.shape_cast %shift_right_logical3A_501 : vector<16xi32> to vector<16xi32>
      tpu.vector_store %arg10[%swap3A_502], %swap3A_505 {strides = array<i32>} : memref<64xi32, #tpu.memory_space<vmem>>, vector<16xi32>,
      %get3A_506 = arith.constant 0 : i32
      %get3A_507 = tpu.memref_slice %arg8[%scan3A_442, %get3A_506] : memref<40x128xi32, #tpu.memory_space<vmem>> -> memref<1x128xi32, #tpu.memory_space<vmem>>
      %get3A_508 = tpu.memref_squeeze %get3A_507 : memref<1x128xi32, #tpu.memory_space<vmem>> -> memref<128xi32, #tpu.memory_space<vmem>>
      %get3A_509 = arith.constant 48 : index
      %get3A_510 = tpu.vector_load %get3A_508[%get3A_509] {strides = array<i32>} : memref<128xi32, #tpu.memory_space<vmem>>, vector<16xi32>,
      %get3A_511 = vector.shape_cast %get3A_510 : vector<16xi32> to vector<16xi32>
      %and3A_512 = arith.constant 65535 : i32
      %and3A_513 = vector.broadcast %and3A_512 : i32 to vector<16xi32>
      %and3A_514 = arith.andi %get3A_511, %and3A_513 : vector<16xi32>
      %swap3A_515 = arith.constant 48 : index
      %swap3A_516 = tpu.vector_load %arg9[%swap3A_515] {strides = array<i32>} : memref<64xi32, #tpu.memory_space<vmem>>, vector<16xi32>,
      %swap3A_517 = vector.shape_cast %swap3A_516 : vector<16xi32> to vector<16xi32>
      %swap3A_518 = vector.shape_cast %and3A_514 : vector<16xi32> to vector<16xi32>
      tpu.vector_store %arg9[%swap3A_515], %swap3A_518 {strides = array<i32>} : memref<64xi32, #tpu.memory_space<vmem>>, vector<16xi32>,
      %shift_right_logical3A_519 = arith.constant 16 : i32
      %shift_right_logical3A_520 = vector.broadcast %shift_right_logical3A_519 : i32 to vector<16xi32>
      %shift_right_logical3A_521 = arith.shrui %get3A_511, %shift_right_logical3A_520 : vector<16xi32>
      %swap3A_522 = arith.constant 48 : index
      %swap3A_523 = tpu.vector_load %arg10[%swap3A_522] {strides = array<i32>} : memref<64xi32, #tpu.memory_space<vmem>>, vector<16xi32>,
      %swap3A_524 = vector.shape_cast %swap3A_523 : vector<16xi32> to vector<16xi32>
      %swap3A_525 = vector.shape_cast %shift_right_logical3A_521 : vector<16xi32> to vector<16xi32>
      tpu.vector_store %arg10[%swap3A_522], %swap3A_525 {strides = array<i32>} : memref<64xi32, #tpu.memory_space<vmem>>, vector<16xi32>,
      %dma_start3A_526 = arith.constant 0 : i32
      %dma_start3A_527 = tpu.memref_slice %arg17[%dma_start3A_526] : memref<10240xi32, #tpu.memory_space<vmem_shared>> -> memref<10240xi32, #tpu.memory_space<vmem_shared>>
      tpu.enqueue_indirect_dma source(%dma_start3A_527 : memref<10240xi32, #tpu.memory_space<vmem_shared>>) target(%arg11 : memref<64xi32, #tpu.memory_space<vmem>>) offsets(%arg10 : memref<64xi32, #tpu.memory_space<vmem>>) semaphore(%arg22 : memref<!tpu.dma_semaphore, #tpu.memory_space<semaphore_mem>>)
      %dma_start3A_528 = arith.constant 0 : i32
      %dma_start3A_529 = arith.constant 0 : i32
      %dma_start3A_530 = tpu.memref_slice %arg18[%dma_start3A_528, %dma_start3A_529] : memref<10240x128xf32, #tpu.memory_space<vmem_shared>> -> memref<10240x128xf32, #tpu.memory_space<vmem_shared>>
      tpu.enqueue_indirect_dma source(%dma_start3A_530 : memref<10240x128xf32, #tpu.memory_space<vmem_shared>>) target(%arg15 : memref<64x128xf32, #tpu.memory_space<vmem>>) offsets(%arg9 : memref<64xi32, #tpu.memory_space<vmem>>) semaphore(%arg20 : memref<!tpu.dma_semaphore, #tpu.memory_space<semaphore_mem>>)
      %dma_wait3A_531 = arith.constant 0 : i32
      %dma_wait3A_532 = arith.constant 0 : i32
      %dma_wait3A_533 = tpu.memref_slice %arg19[%dma_wait3A_531, %dma_wait3A_532] : memref<1152x128xf32, #tpu.memory_space<vmem_shared>> -> memref<1152x128xf32, #tpu.memory_space<vmem_shared>>
      tpu.wait_indirect_dma semaphore(%arg21 : memref<!tpu.dma_semaphore, #tpu.memory_space<semaphore_mem>>) src(%arg16 : memref<64x128xf32, #tpu.memory_space<vmem>>) dst(%dma_wait3A_533 : memref<1152x128xf32, #tpu.memory_space<vmem_shared>>)
      %get3A_534 = arith.constant 0 : i32
      %get3A_535 = tpu.memref_slice %arg8[%scan3A_442, %get3A_534] : memref<40x128xi32, #tpu.memory_space<vmem>> -> memref<1x128xi32, #tpu.memory_space<vmem>>
      %get3A_536 = tpu.memref_squeeze %get3A_535 : memref<1x128xi32, #tpu.memory_space<vmem>> -> memref<128xi32, #tpu.memory_space<vmem>>
      %get3A_537 = arith.constant 64 : index
      %get3A_538 = tpu.vector_load %get3A_536[%get3A_537] {strides = array<i32>} : memref<128xi32, #tpu.memory_space<vmem>>, vector<16xi32>,
      %get3A_539 = vector.shape_cast %get3A_538 : vector<16xi32> to vector<16xi32>
      %and3A_540 = arith.constant 65535 : i32
      %and3A_541 = vector.broadcast %and3A_540 : i32 to vector<16xi32>
      %and3A_542 = arith.andi %get3A_539, %and3A_541 : vector<16xi32>
      %swap3A_543 = arith.constant 0 : index
      %swap3A_544 = tpu.vector_load %arg12[%swap3A_543] {strides = array<i32>} : memref<64xi32, #tpu.memory_space<vmem>>, vector<16xi32>,
      %swap3A_545 = vector.shape_cast %swap3A_544 : vector<16xi32> to vector<16xi32>
      %swap3A_546 = vector.shape_cast %and3A_542 : vector<16xi32> to vector<16xi32>
      tpu.vector_store %arg12[%swap3A_543], %swap3A_546 {strides = array<i32>} : memref<64xi32, #tpu.memory_space<vmem>>, vector<16xi32>,
      %shift_right_logical3A_547 = arith.constant 16 : i32
      %shift_right_logical3A_548 = vector.broadcast %shift_right_logical3A_547 : i32 to vector<16xi32>
      %shift_right_logical3A_549 = arith.shrui %get3A_539, %shift_right_logical3A_548 : vector<16xi32>
      %swap3A_550 = arith.constant 0 : index
      %swap3A_551 = tpu.vector_load %arg13[%swap3A_550] {strides = array<i32>} : memref<64xi32, #tpu.memory_space<vmem>>, vector<16xi32>,
      %swap3A_552 = vector.shape_cast %swap3A_551 : vector<16xi32> to vector<16xi32>
      %swap3A_553 = vector.shape_cast %shift_right_logical3A_549 : vector<16xi32> to vector<16xi32>
      tpu.vector_store %arg13[%swap3A_550], %swap3A_553 {strides = array<i32>} : memref<64xi32, #tpu.memory_space<vmem>>, vector<16xi32>,
      %get3A_554 = arith.constant 0 : i32
      %get3A_555 = tpu.memref_slice %arg8[%scan3A_442, %get3A_554] : memref<40x128xi32, #tpu.memory_space<vmem>> -> memref<1x128xi32, #tpu.memory_space<vmem>>
      %get3A_556 = tpu.memref_squeeze %get3A_555 : memref<1x128xi32, #tpu.memory_space<vmem>> -> memref<128xi32, #tpu.memory_space<vmem>>
      %get3A_557 = arith.constant 80 : index
      %get3A_558 = tpu.vector_load %get3A_556[%get3A_557] {strides = array<i32>} : memref<128xi32, #tpu.memory_space<vmem>>, vector<16xi32>,
      %get3A_559 = vector.shape_cast %get3A_558 : vector<16xi32> to vector<16xi32>
      %and3A_560 = arith.constant 65535 : i32
      %and3A_561 = vector.broadcast %and3A_560 : i32 to vector<16xi32>
      %and3A_562 = arith.andi %get3A_559, %and3A_561 : vector<16xi32>
      %swap3A_563 = arith.constant 16 : index
      %swap3A_564 = tpu.vector_load %arg12[%swap3A_563] {strides = array<i32>} : memref<64xi32, #tpu.memory_space<vmem>>, vector<16xi32>,
      %swap3A_565 = vector.shape_cast %swap3A_564 : vector<16xi32> to vector<16xi32>
      %swap3A_566 = vector.shape_cast %and3A_562 : vector<16xi32> to vector<16xi32>
      tpu.vector_store %arg12[%swap3A_563], %swap3A_566 {strides = array<i32>} : memref<64xi32, #tpu.memory_space<vmem>>, vector<16xi32>,
      %shift_right_logical3A_567 = arith.constant 16 : i32
      %shift_right_logical3A_568 = vector.broadcast %shift_right_logical3A_567 : i32 to vector<16xi32>
      %shift_right_logical3A_569 = arith.shrui %get3A_559, %shift_right_logical3A_568 : vector<16xi32>
      %swap3A_570 = arith.constant 16 : index
      %swap3A_571 = tpu.vector_load %arg13[%swap3A_570] {strides = array<i32>} : memref<64xi32, #tpu.memory_space<vmem>>, vector<16xi32>,
      %swap3A_572 = vector.shape_cast %swap3A_571 : vector<16xi32> to vector<16xi32>
      %swap3A_573 = vector.shape_cast %shift_right_logical3A_569 : vector<16xi32> to vector<16xi32>
      tpu.vector_store %arg13[%swap3A_570], %swap3A_573 {strides = array<i32>} : memref<64xi32, #tpu.memory_space<vmem>>, vector<16xi32>,
      %get3A_574 = arith.constant 0 : i32
      %get3A_575 = tpu.memref_slice %arg8[%scan3A_442, %get3A_574] : memref<40x128xi32, #tpu.memory_space<vmem>> -> memref<1x128xi32, #tpu.memory_space<vmem>>
      %get3A_576 = tpu.memref_squeeze %get3A_575 : memref<1x128xi32, #tpu.memory_space<vmem>> -> memref<128xi32, #tpu.memory_space<vmem>>
      %get3A_577 = arith.constant 96 : index
      %get3A_578 = tpu.vector_load %get3A_576[%get3A_577] {strides = array<i32>} : memref<128xi32, #tpu.memory_space<vmem>>, vector<16xi32>,
      %get3A_579 = vector.shape_cast %get3A_578 : vector<16xi32> to vector<16xi32>
      %and3A_580 = arith.constant 65535 : i32
      %and3A_581 = vector.broadcast %and3A_580 : i32 to vector<16xi32>
      %and3A_582 = arith.andi %get3A_579, %and3A_581 : vector<16xi32>
      %swap3A_583 = arith.constant 32 : index
      %swap3A_584 = tpu.vector_load %arg12[%swap3A_583] {strides = array<i32>} : memref<64xi32, #tpu.memory_space<vmem>>, vector<16xi32>,
      %swap3A_585 = vector.shape_cast %swap3A_584 : vector<16xi32> to vector<16xi32>
      %swap3A_586 = vector.shape_cast %and3A_582 : vector<16xi32> to vector<16xi32>
      tpu.vector_store %arg12[%swap3A_583], %swap3A_586 {strides = array<i32>} : memref<64xi32, #tpu.memory_space<vmem>>, vector<16xi32>,
      %shift_right_logical3A_587 = arith.constant 16 : i32
      %shift_right_logical3A_588 = vector.broadcast %shift_right_logical3A_587 : i32 to vector<16xi32>
      %shift_right_logical3A_589 = arith.shrui %get3A_579, %shift_right_logical3A_588 : vector<16xi32>
      %swap3A_590 = arith.constant 32 : index
      %swap3A_591 = tpu.vector_load %arg13[%swap3A_590] {strides = array<i32>} : memref<64xi32, #tpu.memory_space<vmem>>, vector<16xi32>,
      %swap3A_592 = vector.shape_cast %swap3A_591 : vector<16xi32> to vector<16xi32>
      %swap3A_593 = vector.shape_cast %shift_right_logical3A_589 : vector<16xi32> to vector<16xi32>
      tpu.vector_store %arg13[%swap3A_590], %swap3A_593 {strides = array<i32>} : memref<64xi32, #tpu.memory_space<vmem>>, vector<16xi32>,
      %get3A_594 = arith.constant 0 : i32
      %get3A_595 = tpu.memref_slice %arg8[%scan3A_442, %get3A_594] : memref<40x128xi32, #tpu.memory_space<vmem>> -> memref<1x128xi32, #tpu.memory_space<vmem>>
      %get3A_596 = tpu.memref_squeeze %get3A_595 : memref<1x128xi32, #tpu.memory_space<vmem>> -> memref<128xi32, #tpu.memory_space<vmem>>
      %get3A_597 = arith.constant 112 : index
      %get3A_598 = tpu.vector_load %get3A_596[%get3A_597] {strides = array<i32>} : memref<128xi32, #tpu.memory_space<vmem>>, vector<16xi32>,
      %get3A_599 = vector.shape_cast %get3A_598 : vector<16xi32> to vector<16xi32>
      %and3A_600 = arith.constant 65535 : i32
      %and3A_601 = vector.broadcast %and3A_600 : i32 to vector<16xi32>
      %and3A_602 = arith.andi %get3A_599, %and3A_601 : vector<16xi32>
      %swap3A_603 = arith.constant 48 : index
      %swap3A_604 = tpu.vector_load %arg12[%swap3A_603] {strides = array<i32>} : memref<64xi32, #tpu.memory_space<vmem>>, vector<16xi32>,
      %swap3A_605 = vector.shape_cast %swap3A_604 : vector<16xi32> to vector<16xi32>
      %swap3A_606 = vector.shape_cast %and3A_602 : vector<16xi32> to vector<16xi32>
      tpu.vector_store %arg12[%swap3A_603], %swap3A_606 {strides = array<i32>} : memref<64xi32, #tpu.memory_space<vmem>>, vector<16xi32>,
      %shift_right_logical3A_607 = arith.constant 16 : i32
      %shift_right_logical3A_608 = vector.broadcast %shift_right_logical3A_607 : i32 to vector<16xi32>
      %shift_right_logical3A_609 = arith.shrui %get3A_599, %shift_right_logical3A_608 : vector<16xi32>
      %swap3A_610 = arith.constant 48 : index
      %swap3A_611 = tpu.vector_load %arg13[%swap3A_610] {strides = array<i32>} : memref<64xi32, #tpu.memory_space<vmem>>, vector<16xi32>,
      %swap3A_612 = vector.shape_cast %swap3A_611 : vector<16xi32> to vector<16xi32>
      %swap3A_613 = vector.shape_cast %shift_right_logical3A_609 : vector<16xi32> to vector<16xi32>
      tpu.vector_store %arg13[%swap3A_610], %swap3A_613 {strides = array<i32>} : memref<64xi32, #tpu.memory_space<vmem>>, vector<16xi32>,
      %dma_start3A_614 = arith.constant 0 : i32
      %dma_start3A_615 = tpu.memref_slice %arg17[%dma_start3A_614] : memref<10240xi32, #tpu.memory_space<vmem_shared>> -> memref<10240xi32, #tpu.memory_space<vmem_shared>>
      tpu.enqueue_indirect_dma source(%dma_start3A_615 : memref<10240xi32, #tpu.memory_space<vmem_shared>>) target(%arg14 : memref<64xi32, #tpu.memory_space<vmem>>) offsets(%arg13 : memref<64xi32, #tpu.memory_space<vmem>>) semaphore(%arg23 : memref<!tpu.dma_semaphore, #tpu.memory_space<semaphore_mem>>)
      %dma_start3A_616 = arith.constant 0 : i32
      %dma_start3A_617 = arith.constant 0 : i32
      %dma_start3A_618 = tpu.memref_slice %arg18[%dma_start3A_616, %dma_start3A_617] : memref<10240x128xf32, #tpu.memory_space<vmem_shared>> -> memref<10240x128xf32, #tpu.memory_space<vmem_shared>>
      tpu.enqueue_indirect_dma source(%dma_start3A_618 : memref<10240x128xf32, #tpu.memory_space<vmem_shared>>) target(%arg16 : memref<64x128xf32, #tpu.memory_space<vmem>>) offsets(%arg12 : memref<64xi32, #tpu.memory_space<vmem>>) semaphore(%arg21 : memref<!tpu.dma_semaphore, #tpu.memory_space<semaphore_mem>>)
      %dma_wait3A_619 = arith.constant 0 : i32
      %dma_wait3A_620 = arith.constant 0 : i32
      %dma_wait3A_621 = tpu.memref_slice %arg18[%dma_wait3A_619, %dma_wait3A_620] : memref<10240x128xf32, #tpu.memory_space<vmem_shared>> -> memref<10240x128xf32, #tpu.memory_space<vmem_shared>>
      tpu.wait_indirect_dma semaphore(%arg20 : memref<!tpu.dma_semaphore, #tpu.memory_space<semaphore_mem>>) src(%dma_wait3A_621 : memref<10240x128xf32, #tpu.memory_space<vmem_shared>>) dst(%arg15 : memref<64x128xf32, #tpu.memory_space<vmem>>)
      %dma_wait3A_622 = arith.constant 0 : i32
      %dma_wait3A_623 = tpu.memref_slice %arg17[%dma_wait3A_622] : memref<10240xi32, #tpu.memory_space<vmem_shared>> -> memref<10240xi32, #tpu.memory_space<vmem_shared>>
      tpu.wait_indirect_dma semaphore(%arg22 : memref<!tpu.dma_semaphore, #tpu.memory_space<semaphore_mem>>) src(%dma_wait3A_623 : memref<10240xi32, #tpu.memory_space<vmem_shared>>) dst(%arg11 : memref<64xi32, #tpu.memory_space<vmem>>)
      %dma_start3A_624 = arith.constant 0 : i32
      %dma_start3A_625 = arith.constant 0 : i32
      %dma_start3A_626 = tpu.memref_slice %arg19[%dma_start3A_624, %dma_start3A_625] : memref<1152x128xf32, #tpu.memory_space<vmem_shared>> -> memref<1152x128xf32, #tpu.memory_space<vmem_shared>>
      tpu.enqueue_indirect_dma source(%arg15 : memref<64x128xf32, #tpu.memory_space<vmem>>) target(%dma_start3A_626 : memref<1152x128xf32, #tpu.memory_space<vmem_shared>>) offsets(%arg11 : memref<64xi32, #tpu.memory_space<vmem>>) semaphore(%arg20 : memref<!tpu.dma_semaphore, #tpu.memory_space<semaphore_mem>>) {add = true}
      %dma_wait3A_627 = arith.constant 0 : i32
      %dma_wait3A_628 = arith.constant 0 : i32
      %dma_wait3A_629 = tpu.memref_slice %arg18[%dma_wait3A_627, %dma_wait3A_628] : memref<10240x128xf32, #tpu.memory_space<vmem_shared>> -> memref<10240x128xf32, #tpu.memory_space<vmem_shared>>
      tpu.wait_indirect_dma semaphore(%arg21 : memref<!tpu.dma_semaphore, #tpu.memory_space<semaphore_mem>>) src(%dma_wait3A_629 : memref<10240x128xf32, #tpu.memory_space<vmem_shared>>) dst(%arg16 : memref<64x128xf32, #tpu.memory_space<vmem>>)
      %dma_wait3A_630 = arith.constant 0 : i32
      %dma_wait3A_631 = tpu.memref_slice %arg17[%dma_wait3A_630] : memref<10240xi32, #tpu.memory_space<vmem_shared>> -> memref<10240xi32, #tpu.memory_space<vmem_shared>>
      tpu.wait_indirect_dma semaphore(%arg23 : memref<!tpu.dma_semaphore, #tpu.memory_space<semaphore_mem>>) src(%dma_wait3A_631 : memref<10240xi32, #tpu.memory_space<vmem_shared>>) dst(%arg14 : memref<64xi32, #tpu.memory_space<vmem>>)
      %dma_start3A_632 = arith.constant 0 : i32
      %dma_start3A_633 = arith.constant 0 : i32
      %dma_start3A_634 = tpu.memref_slice %arg19[%dma_start3A_632, %dma_start3A_633] : memref<1152x128xf32, #tpu.memory_space<vmem_shared>> -> memref<1152x128xf32, #tpu.memory_space<vmem_shared>>
      tpu.enqueue_indirect_dma source(%arg16 : memref<64x128xf32, #tpu.memory_space<vmem>>) target(%dma_start3A_634 : memref<1152x128xf32, #tpu.memory_space<vmem_shared>>) offsets(%arg14 : memref<64xi32, #tpu.memory_space<vmem>>) semaphore(%arg21 : memref<!tpu.dma_semaphore, #tpu.memory_space<semaphore_mem>>) {add = true}
    }
    %scan3A_201 = arith.constant 39 : i32
    %dma_wait3A_202 = arith.constant 0 : i32
    %dma_wait3A_203 = arith.constant 0 : i32
    %dma_wait3A_204 = tpu.memref_slice %arg19[%dma_wait3A_202, %dma_wait3A_203] : memref<1152x128xf32, #tpu.memory_space<vmem_shared>> -> memref<1152x128xf32, #tpu.memory_space<vmem_shared>>
    tpu.wait_indirect_dma semaphore(%arg20 : memref<!tpu.dma_semaphore, #tpu.memory_space<semaphore_mem>>) src(%arg15 : memref<64x128xf32, #tpu.memory_space<vmem>>) dst(%dma_wait3A_204 : memref<1152x128xf32, #tpu.memory_space<vmem_shared>>)
    %dma_wait3A_205 = arith.constant 0 : i32
    %dma_wait3A_206 = arith.constant 0 : i32
    %dma_wait3A_207 = tpu.memref_slice %arg19[%dma_wait3A_205, %dma_wait3A_206] : memref<1152x128xf32, #tpu.memory_space<vmem_shared>> -> memref<1152x128xf32, #tpu.memory_space<vmem_shared>>
    tpu.wait_indirect_dma semaphore(%arg21 : memref<!tpu.dma_semaphore, #tpu.memory_space<semaphore_mem>>) src(%arg16 : memref<64x128xf32, #tpu.memory_space<vmem>>) dst(%dma_wait3A_207 : memref<1152x128xf32, #tpu.memory_space<vmem_shared>>)
    %mul3A_208 = arith.constant 80 : i32
    %mul3A_209 = arith.muli %add3A, %mul3A_208 : i32
    %add3A_210 = arith.constant 40 : i32
    %add3A_211 = arith.addi %mul3A_209, %add3A_210 : i32
    "tpu.region"() ({
      %run_scoped3A = tpu.sem_alloc : memref<!tpu.dma_semaphore, #tpu.memory_space<semaphore_mem>>
      %dma_start3A_442 = arith.constant 0 : i32
      %dma_start3A_443 = tpu.memref_slice %arg3[%add3A_211, %dma_start3A_442] : memref<2560x128xi32, #tpu.memory_space<hbm>> -> memref<40x128xi32, #tpu.memory_space<hbm>>
      %dma_start3A_444 = arith.constant 0 : i32
      %dma_start3A_445 = tpu.memref_slice %arg3[%add3A_211, %dma_start3A_444] : memref<2560x128xi32, #tpu.memory_space<hbm>> -> memref<40x128xi32, #tpu.memory_space<hbm>>
      tpu.enqueue_dma source(%dma_start3A_445 : memref<40x128xi32, #tpu.memory_space<hbm>>) target(%arg8 : memref<40x128xi32, #tpu.memory_space<vmem>>) target_semaphore(%run_scoped3A : memref<!tpu.dma_semaphore, #tpu.memory_space<semaphore_mem>>)
      %dma_wait3A_446 = arith.constant 0 : i32
      %dma_wait3A_447 = tpu.memref_slice %arg3[%add3A_211, %dma_wait3A_446] : memref<2560x128xi32, #tpu.memory_space<hbm>> -> memref<40x128xi32, #tpu.memory_space<hbm>>
      %dma_wait3A_448 = arith.constant 0 : i32
      %dma_wait3A_449 = tpu.memref_slice %arg3[%add3A_211, %dma_wait3A_448] : memref<2560x128xi32, #tpu.memory_space<hbm>> -> memref<40x128xi32, #tpu.memory_space<hbm>>
      tpu.wait_dma2 semaphore(%run_scoped3A : memref<!tpu.dma_semaphore, #tpu.memory_space<semaphore_mem>>) src(%dma_wait3A_449 : memref<40x128xi32, #tpu.memory_space<hbm>>) dst(%arg8 : memref<40x128xi32, #tpu.memory_space<vmem>>)
      tpu.yield
    }) : () -> ()
    %get3A_212 = arith.constant 0 : i32
    %get3A_213 = arith.constant 0 : i32
    %get3A_214 = tpu.memref_slice %arg8[%get3A_212, %get3A_213] : memref<40x128xi32, #tpu.memory_space<vmem>> -> memref<1x128xi32, #tpu.memory_space<vmem>>
    %get3A_215 = tpu.memref_squeeze %get3A_214 : memref<1x128xi32, #tpu.memory_space<vmem>> -> memref<128xi32, #tpu.memory_space<vmem>>
    %get3A_216 = arith.constant 0 : index
    %get3A_217 = tpu.vector_load %get3A_215[%get3A_216] {strides = array<i32>} : memref<128xi32, #tpu.memory_space<vmem>>, vector<16xi32>,
    %get3A_218 = vector.shape_cast %get3A_217 : vector<16xi32> to vector<16xi32>
    %and3A_219 = arith.constant 65535 : i32
    %and3A_220 = vector.broadcast %and3A_219 : i32 to vector<16xi32>
    %and3A_221 = arith.andi %get3A_218, %and3A_220 : vector<16xi32>
    %swap3A_222 = arith.constant 0 : index
    %swap3A_223 = tpu.vector_load %arg9[%swap3A_222] {strides = array<i32>} : memref<64xi32, #tpu.memory_space<vmem>>, vector<16xi32>,
    %swap3A_224 = vector.shape_cast %swap3A_223 : vector<16xi32> to vector<16xi32>
    %swap3A_225 = vector.shape_cast %and3A_221 : vector<16xi32> to vector<16xi32>
    tpu.vector_store %arg9[%swap3A_222], %swap3A_225 {strides = array<i32>} : memref<64xi32, #tpu.memory_space<vmem>>, vector<16xi32>,
    %shift_right_logical3A_226 = arith.constant 16 : i32
    %shift_right_logical3A_227 = vector.broadcast %shift_right_logical3A_226 : i32 to vector<16xi32>
    %shift_right_logical3A_228 = arith.shrui %get3A_218, %shift_right_logical3A_227 : vector<16xi32>
    %swap3A_229 = arith.constant 0 : index
    %swap3A_230 = tpu.vector_load %arg10[%swap3A_229] {strides = array<i32>} : memref<64xi32, #tpu.memory_space<vmem>>, vector<16xi32>,
    %swap3A_231 = vector.shape_cast %swap3A_230 : vector<16xi32> to vector<16xi32>
    %swap3A_232 = vector.shape_cast %shift_right_logical3A_228 : vector<16xi32> to vector<16xi32>
    tpu.vector_store %arg10[%swap3A_229], %swap3A_232 {strides = array<i32>} : memref<64xi32, #tpu.memory_space<vmem>>, vector<16xi32>,
    %get3A_233 = arith.constant 0 : i32
    %get3A_234 = arith.constant 0 : i32
    %get3A_235 = tpu.memref_slice %arg8[%get3A_233, %get3A_234] : memref<40x128xi32, #tpu.memory_space<vmem>> -> memref<1x128xi32, #tpu.memory_space<vmem>>
    %get3A_236 = tpu.memref_squeeze %get3A_235 : memref<1x128xi32, #tpu.memory_space<vmem>> -> memref<128xi32, #tpu.memory_space<vmem>>
    %get3A_237 = arith.constant 16 : index
    %get3A_238 = tpu.vector_load %get3A_236[%get3A_237] {strides = array<i32>} : memref<128xi32, #tpu.memory_space<vmem>>, vector<16xi32>,
    %get3A_239 = vector.shape_cast %get3A_238 : vector<16xi32> to vector<16xi32>
    %and3A_240 = arith.constant 65535 : i32
    %and3A_241 = vector.broadcast %and3A_240 : i32 to vector<16xi32>
    %and3A_242 = arith.andi %get3A_239, %and3A_241 : vector<16xi32>
    %swap3A_243 = arith.constant 16 : index
    %swap3A_244 = tpu.vector_load %arg9[%swap3A_243] {strides = array<i32>} : memref<64xi32, #tpu.memory_space<vmem>>, vector<16xi32>,
    %swap3A_245 = vector.shape_cast %swap3A_244 : vector<16xi32> to vector<16xi32>
    %swap3A_246 = vector.shape_cast %and3A_242 : vector<16xi32> to vector<16xi32>
    tpu.vector_store %arg9[%swap3A_243], %swap3A_246 {strides = array<i32>} : memref<64xi32, #tpu.memory_space<vmem>>, vector<16xi32>,
    %shift_right_logical3A_247 = arith.constant 16 : i32
    %shift_right_logical3A_248 = vector.broadcast %shift_right_logical3A_247 : i32 to vector<16xi32>
    %shift_right_logical3A_249 = arith.shrui %get3A_239, %shift_right_logical3A_248 : vector<16xi32>
    %swap3A_250 = arith.constant 16 : index
    %swap3A_251 = tpu.vector_load %arg10[%swap3A_250] {strides = array<i32>} : memref<64xi32, #tpu.memory_space<vmem>>, vector<16xi32>,
    %swap3A_252 = vector.shape_cast %swap3A_251 : vector<16xi32> to vector<16xi32>
    %swap3A_253 = vector.shape_cast %shift_right_logical3A_249 : vector<16xi32> to vector<16xi32>
    tpu.vector_store %arg10[%swap3A_250], %swap3A_253 {strides = array<i32>} : memref<64xi32, #tpu.memory_space<vmem>>, vector<16xi32>,
    %get3A_254 = arith.constant 0 : i32
    %get3A_255 = arith.constant 0 : i32
    %get3A_256 = tpu.memref_slice %arg8[%get3A_254, %get3A_255] : memref<40x128xi32, #tpu.memory_space<vmem>> -> memref<1x128xi32, #tpu.memory_space<vmem>>
    %get3A_257 = tpu.memref_squeeze %get3A_256 : memref<1x128xi32, #tpu.memory_space<vmem>> -> memref<128xi32, #tpu.memory_space<vmem>>
    %get3A_258 = arith.constant 32 : index
    %get3A_259 = tpu.vector_load %get3A_257[%get3A_258] {strides = array<i32>} : memref<128xi32, #tpu.memory_space<vmem>>, vector<16xi32>,
    %get3A_260 = vector.shape_cast %get3A_259 : vector<16xi32> to vector<16xi32>
    %and3A_261 = arith.constant 65535 : i32
    %and3A_262 = vector.broadcast %and3A_261 : i32 to vector<16xi32>
    %and3A_263 = arith.andi %get3A_260, %and3A_262 : vector<16xi32>
    %swap3A_264 = arith.constant 32 : index
    %swap3A_265 = tpu.vector_load %arg9[%swap3A_264] {strides = array<i32>} : memref<64xi32, #tpu.memory_space<vmem>>, vector<16xi32>,
    %swap3A_266 = vector.shape_cast %swap3A_265 : vector<16xi32> to vector<16xi32>
    %swap3A_267 = vector.shape_cast %and3A_263 : vector<16xi32> to vector<16xi32>
    tpu.vector_store %arg9[%swap3A_264], %swap3A_267 {strides = array<i32>} : memref<64xi32, #tpu.memory_space<vmem>>, vector<16xi32>,
    %shift_right_logical3A_268 = arith.constant 16 : i32
    %shift_right_logical3A_269 = vector.broadcast %shift_right_logical3A_268 : i32 to vector<16xi32>
    %shift_right_logical3A_270 = arith.shrui %get3A_260, %shift_right_logical3A_269 : vector<16xi32>
    %swap3A_271 = arith.constant 32 : index
    %swap3A_272 = tpu.vector_load %arg10[%swap3A_271] {strides = array<i32>} : memref<64xi32, #tpu.memory_space<vmem>>, vector<16xi32>,
    %swap3A_273 = vector.shape_cast %swap3A_272 : vector<16xi32> to vector<16xi32>
    %swap3A_274 = vector.shape_cast %shift_right_logical3A_270 : vector<16xi32> to vector<16xi32>
    tpu.vector_store %arg10[%swap3A_271], %swap3A_274 {strides = array<i32>} : memref<64xi32, #tpu.memory_space<vmem>>, vector<16xi32>,
    %get3A_275 = arith.constant 0 : i32
    %get3A_276 = arith.constant 0 : i32
    %get3A_277 = tpu.memref_slice %arg8[%get3A_275, %get3A_276] : memref<40x128xi32, #tpu.memory_space<vmem>> -> memref<1x128xi32, #tpu.memory_space<vmem>>
    %get3A_278 = tpu.memref_squeeze %get3A_277 : memref<1x128xi32, #tpu.memory_space<vmem>> -> memref<128xi32, #tpu.memory_space<vmem>>
    %get3A_279 = arith.constant 48 : index
    %get3A_280 = tpu.vector_load %get3A_278[%get3A_279] {strides = array<i32>} : memref<128xi32, #tpu.memory_space<vmem>>, vector<16xi32>,
    %get3A_281 = vector.shape_cast %get3A_280 : vector<16xi32> to vector<16xi32>
    %and3A_282 = arith.constant 65535 : i32
    %and3A_283 = vector.broadcast %and3A_282 : i32 to vector<16xi32>
    %and3A_284 = arith.andi %get3A_281, %and3A_283 : vector<16xi32>
    %swap3A_285 = arith.constant 48 : index
    %swap3A_286 = tpu.vector_load %arg9[%swap3A_285] {strides = array<i32>} : memref<64xi32, #tpu.memory_space<vmem>>, vector<16xi32>,
    %swap3A_287 = vector.shape_cast %swap3A_286 : vector<16xi32> to vector<16xi32>
    %swap3A_288 = vector.shape_cast %and3A_284 : vector<16xi32> to vector<16xi32>
    tpu.vector_store %arg9[%swap3A_285], %swap3A_288 {strides = array<i32>} : memref<64xi32, #tpu.memory_space<vmem>>, vector<16xi32>,
    %shift_right_logical3A_289 = arith.constant 16 : i32
    %shift_right_logical3A_290 = vector.broadcast %shift_right_logical3A_289 : i32 to vector<16xi32>
    %shift_right_logical3A_291 = arith.shrui %get3A_281, %shift_right_logical3A_290 : vector<16xi32>
    %swap3A_292 = arith.constant 48 : index
    %swap3A_293 = tpu.vector_load %arg10[%swap3A_292] {strides = array<i32>} : memref<64xi32, #tpu.memory_space<vmem>>, vector<16xi32>,
    %swap3A_294 = vector.shape_cast %swap3A_293 : vector<16xi32> to vector<16xi32>
    %swap3A_295 = vector.shape_cast %shift_right_logical3A_291 : vector<16xi32> to vector<16xi32>
    tpu.vector_store %arg10[%swap3A_292], %swap3A_295 {strides = array<i32>} : memref<64xi32, #tpu.memory_space<vmem>>, vector<16xi32>,
    %dma_start3A_296 = arith.constant 0 : i32
    %dma_start3A_297 = tpu.memref_slice %arg17[%dma_start3A_296] : memref<10240xi32, #tpu.memory_space<vmem_shared>> -> memref<10240xi32, #tpu.memory_space<vmem_shared>>
    tpu.enqueue_indirect_dma source(%dma_start3A_297 : memref<10240xi32, #tpu.memory_space<vmem_shared>>) target(%arg11 : memref<64xi32, #tpu.memory_space<vmem>>) offsets(%arg10 : memref<64xi32, #tpu.memory_space<vmem>>) semaphore(%arg22 : memref<!tpu.dma_semaphore, #tpu.memory_space<semaphore_mem>>)
    %dma_start3A_298 = arith.constant 0 : i32
    %dma_start3A_299 = arith.constant 0 : i32
    %dma_start3A_300 = tpu.memref_slice %arg18[%dma_start3A_298, %dma_start3A_299] : memref<10240x128xf32, #tpu.memory_space<vmem_shared>> -> memref<10240x128xf32, #tpu.memory_space<vmem_shared>>
    tpu.enqueue_indirect_dma source(%dma_start3A_300 : memref<10240x128xf32, #tpu.memory_space<vmem_shared>>) target(%arg15 : memref<64x128xf32, #tpu.memory_space<vmem>>) offsets(%arg9 : memref<64xi32, #tpu.memory_space<vmem>>) semaphore(%arg20 : memref<!tpu.dma_semaphore, #tpu.memory_space<semaphore_mem>>)
    %get3A_301 = arith.constant 0 : i32
    %get3A_302 = arith.constant 0 : i32
    %get3A_303 = tpu.memref_slice %arg8[%get3A_301, %get3A_302] : memref<40x128xi32, #tpu.memory_space<vmem>> -> memref<1x128xi32, #tpu.memory_space<vmem>>
    %get3A_304 = tpu.memref_squeeze %get3A_303 : memref<1x128xi32, #tpu.memory_space<vmem>> -> memref<128xi32, #tpu.memory_space<vmem>>
    %get3A_305 = arith.constant 64 : index
    %get3A_306 = tpu.vector_load %get3A_304[%get3A_305] {strides = array<i32>} : memref<128xi32, #tpu.memory_space<vmem>>, vector<16xi32>,
    %get3A_307 = vector.shape_cast %get3A_306 : vector<16xi32> to vector<16xi32>
    %and3A_308 = arith.constant 65535 : i32
    %and3A_309 = vector.broadcast %and3A_308 : i32 to vector<16xi32>
    %and3A_310 = arith.andi %get3A_307, %and3A_309 : vector<16xi32>
    %swap3A_311 = arith.constant 0 : index
    %swap3A_312 = tpu.vector_load %arg12[%swap3A_311] {strides = array<i32>} : memref<64xi32, #tpu.memory_space<vmem>>, vector<16xi32>,
    %swap3A_313 = vector.shape_cast %swap3A_312 : vector<16xi32> to vector<16xi32>
    %swap3A_314 = vector.shape_cast %and3A_310 : vector<16xi32> to vector<16xi32>
    tpu.vector_store %arg12[%swap3A_311], %swap3A_314 {strides = array<i32>} : memref<64xi32, #tpu.memory_space<vmem>>, vector<16xi32>,
    %shift_right_logical3A_315 = arith.constant 16 : i32
    %shift_right_logical3A_316 = vector.broadcast %shift_right_logical3A_315 : i32 to vector<16xi32>
    %shift_right_logical3A_317 = arith.shrui %get3A_307, %shift_right_logical3A_316 : vector<16xi32>
    %swap3A_318 = arith.constant 0 : index
    %swap3A_319 = tpu.vector_load %arg13[%swap3A_318] {strides = array<i32>} : memref<64xi32, #tpu.memory_space<vmem>>, vector<16xi32>,
    %swap3A_320 = vector.shape_cast %swap3A_319 : vector<16xi32> to vector<16xi32>
    %swap3A_321 = vector.shape_cast %shift_right_logical3A_317 : vector<16xi32> to vector<16xi32>
    tpu.vector_store %arg13[%swap3A_318], %swap3A_321 {strides = array<i32>} : memref<64xi32, #tpu.memory_space<vmem>>, vector<16xi32>,
    %get3A_322 = arith.constant 0 : i32
    %get3A_323 = arith.constant 0 : i32
    %get3A_324 = tpu.memref_slice %arg8[%get3A_322, %get3A_323] : memref<40x128xi32, #tpu.memory_space<vmem>> -> memref<1x128xi32, #tpu.memory_space<vmem>>
    %get3A_325 = tpu.memref_squeeze %get3A_324 : memref<1x128xi32, #tpu.memory_space<vmem>> -> memref<128xi32, #tpu.memory_space<vmem>>
    %get3A_326 = arith.constant 80 : index
    %get3A_327 = tpu.vector_load %get3A_325[%get3A_326] {strides = array<i32>} : memref<128xi32, #tpu.memory_space<vmem>>, vector<16xi32>,
    %get3A_328 = vector.shape_cast %get3A_327 : vector<16xi32> to vector<16xi32>
    %and3A_329 = arith.constant 65535 : i32
    %and3A_330 = vector.broadcast %and3A_329 : i32 to vector<16xi32>
    %and3A_331 = arith.andi %get3A_328, %and3A_330 : vector<16xi32>
    %swap3A_332 = arith.constant 16 : index
    %swap3A_333 = tpu.vector_load %arg12[%swap3A_332] {strides = array<i32>} : memref<64xi32, #tpu.memory_space<vmem>>, vector<16xi32>,
    %swap3A_334 = vector.shape_cast %swap3A_333 : vector<16xi32> to vector<16xi32>
    %swap3A_335 = vector.shape_cast %and3A_331 : vector<16xi32> to vector<16xi32>
    tpu.vector_store %arg12[%swap3A_332], %swap3A_335 {strides = array<i32>} : memref<64xi32, #tpu.memory_space<vmem>>, vector<16xi32>,
    %shift_right_logical3A_336 = arith.constant 16 : i32
    %shift_right_logical3A_337 = vector.broadcast %shift_right_logical3A_336 : i32 to vector<16xi32>
    %shift_right_logical3A_338 = arith.shrui %get3A_328, %shift_right_logical3A_337 : vector<16xi32>
    %swap3A_339 = arith.constant 16 : index
    %swap3A_340 = tpu.vector_load %arg13[%swap3A_339] {strides = array<i32>} : memref<64xi32, #tpu.memory_space<vmem>>, vector<16xi32>,
    %swap3A_341 = vector.shape_cast %swap3A_340 : vector<16xi32> to vector<16xi32>
    %swap3A_342 = vector.shape_cast %shift_right_logical3A_338 : vector<16xi32> to vector<16xi32>
    tpu.vector_store %arg13[%swap3A_339], %swap3A_342 {strides = array<i32>} : memref<64xi32, #tpu.memory_space<vmem>>, vector<16xi32>,
    %get3A_343 = arith.constant 0 : i32
    %get3A_344 = arith.constant 0 : i32
    %get3A_345 = tpu.memref_slice %arg8[%get3A_343, %get3A_344] : memref<40x128xi32, #tpu.memory_space<vmem>> -> memref<1x128xi32, #tpu.memory_space<vmem>>
    %get3A_346 = tpu.memref_squeeze %get3A_345 : memref<1x128xi32, #tpu.memory_space<vmem>> -> memref<128xi32, #tpu.memory_space<vmem>>
    %get3A_347 = arith.constant 96 : index
    %get3A_348 = tpu.vector_load %get3A_346[%get3A_347] {strides = array<i32>} : memref<128xi32, #tpu.memory_space<vmem>>, vector<16xi32>,
    %get3A_349 = vector.shape_cast %get3A_348 : vector<16xi32> to vector<16xi32>
    %and3A_350 = arith.constant 65535 : i32
    %and3A_351 = vector.broadcast %and3A_350 : i32 to vector<16xi32>
    %and3A_352 = arith.andi %get3A_349, %and3A_351 : vector<16xi32>
    %swap3A_353 = arith.constant 32 : index
    %swap3A_354 = tpu.vector_load %arg12[%swap3A_353] {strides = array<i32>} : memref<64xi32, #tpu.memory_space<vmem>>, vector<16xi32>,
    %swap3A_355 = vector.shape_cast %swap3A_354 : vector<16xi32> to vector<16xi32>
    %swap3A_356 = vector.shape_cast %and3A_352 : vector<16xi32> to vector<16xi32>
    tpu.vector_store %arg12[%swap3A_353], %swap3A_356 {strides = array<i32>} : memref<64xi32, #tpu.memory_space<vmem>>, vector<16xi32>,
    %shift_right_logical3A_357 = arith.constant 16 : i32
    %shift_right_logical3A_358 = vector.broadcast %shift_right_logical3A_357 : i32 to vector<16xi32>
    %shift_right_logical3A_359 = arith.shrui %get3A_349, %shift_right_logical3A_358 : vector<16xi32>
    %swap3A_360 = arith.constant 32 : index
    %swap3A_361 = tpu.vector_load %arg13[%swap3A_360] {strides = array<i32>} : memref<64xi32, #tpu.memory_space<vmem>>, vector<16xi32>,
    %swap3A_362 = vector.shape_cast %swap3A_361 : vector<16xi32> to vector<16xi32>
    %swap3A_363 = vector.shape_cast %shift_right_logical3A_359 : vector<16xi32> to vector<16xi32>
    tpu.vector_store %arg13[%swap3A_360], %swap3A_363 {strides = array<i32>} : memref<64xi32, #tpu.memory_space<vmem>>, vector<16xi32>,
    %get3A_364 = arith.constant 0 : i32
    %get3A_365 = arith.constant 0 : i32
    %get3A_366 = tpu.memref_slice %arg8[%get3A_364, %get3A_365] : memref<40x128xi32, #tpu.memory_space<vmem>> -> memref<1x128xi32, #tpu.memory_space<vmem>>
    %get3A_367 = tpu.memref_squeeze %get3A_366 : memref<1x128xi32, #tpu.memory_space<vmem>> -> memref<128xi32, #tpu.memory_space<vmem>>
    %get3A_368 = arith.constant 112 : index
    %get3A_369 = tpu.vector_load %get3A_367[%get3A_368] {strides = array<i32>} : memref<128xi32, #tpu.memory_space<vmem>>, vector<16xi32>,
    %get3A_370 = vector.shape_cast %get3A_369 : vector<16xi32> to vector<16xi32>
    %and3A_371 = arith.constant 65535 : i32
    %and3A_372 = vector.broadcast %and3A_371 : i32 to vector<16xi32>
    %and3A_373 = arith.andi %get3A_370, %and3A_372 : vector<16xi32>
    %swap3A_374 = arith.constant 48 : index
    %swap3A_375 = tpu.vector_load %arg12[%swap3A_374] {strides = array<i32>} : memref<64xi32, #tpu.memory_space<vmem>>, vector<16xi32>,
    %swap3A_376 = vector.shape_cast %swap3A_375 : vector<16xi32> to vector<16xi32>
    %swap3A_377 = vector.shape_cast %and3A_373 : vector<16xi32> to vector<16xi32>
    tpu.vector_store %arg12[%swap3A_374], %swap3A_377 {strides = array<i32>} : memref<64xi32, #tpu.memory_space<vmem>>, vector<16xi32>,
    %shift_right_logical3A_378 = arith.constant 16 : i32
    %shift_right_logical3A_379 = vector.broadcast %shift_right_logical3A_378 : i32 to vector<16xi32>
    %shift_right_logical3A_380 = arith.shrui %get3A_370, %shift_right_logical3A_379 : vector<16xi32>
    %swap3A_381 = arith.constant 48 : index
    %swap3A_382 = tpu.vector_load %arg13[%swap3A_381] {strides = array<i32>} : memref<64xi32, #tpu.memory_space<vmem>>, vector<16xi32>,
    %swap3A_383 = vector.shape_cast %swap3A_382 : vector<16xi32> to vector<16xi32>
    %swap3A_384 = vector.shape_cast %shift_right_logical3A_380 : vector<16xi32> to vector<16xi32>
    tpu.vector_store %arg13[%swap3A_381], %swap3A_384 {strides = array<i32>} : memref<64xi32, #tpu.memory_space<vmem>>, vector<16xi32>,
    %dma_start3A_385 = arith.constant 0 : i32
    %dma_start3A_386 = tpu.memref_slice %arg17[%dma_start3A_385] : memref<10240xi32, #tpu.memory_space<vmem_shared>> -> memref<10240xi32, #tpu.memory_space<vmem_shared>>
    tpu.enqueue_indirect_dma source(%dma_start3A_386 : memref<10240xi32, #tpu.memory_space<vmem_shared>>) target(%arg14 : memref<64xi32, #tpu.memory_space<vmem>>) offsets(%arg13 : memref<64xi32, #tpu.memory_space<vmem>>) semaphore(%arg23 : memref<!tpu.dma_semaphore, #tpu.memory_space<semaphore_mem>>)
    %dma_start3A_387 = arith.constant 0 : i32
    %dma_start3A_388 = arith.constant 0 : i32
    %dma_start3A_389 = tpu.memref_slice %arg18[%dma_start3A_387, %dma_start3A_388] : memref<10240x128xf32, #tpu.memory_space<vmem_shared>> -> memref<10240x128xf32, #tpu.memory_space<vmem_shared>>
    tpu.enqueue_indirect_dma source(%dma_start3A_389 : memref<10240x128xf32, #tpu.memory_space<vmem_shared>>) target(%arg16 : memref<64x128xf32, #tpu.memory_space<vmem>>) offsets(%arg12 : memref<64xi32, #tpu.memory_space<vmem>>) semaphore(%arg21 : memref<!tpu.dma_semaphore, #tpu.memory_space<semaphore_mem>>)
    %dma_wait3A_390 = arith.constant 0 : i32
    %dma_wait3A_391 = arith.constant 0 : i32
    %dma_wait3A_392 = tpu.memref_slice %arg18[%dma_wait3A_390, %dma_wait3A_391] : memref<10240x128xf32, #tpu.memory_space<vmem_shared>> -> memref<10240x128xf32, #tpu.memory_space<vmem_shared>>
    tpu.wait_indirect_dma semaphore(%arg20 : memref<!tpu.dma_semaphore, #tpu.memory_space<semaphore_mem>>) src(%dma_wait3A_392 : memref<10240x128xf32, #tpu.memory_space<vmem_shared>>) dst(%arg15 : memref<64x128xf32, #tpu.memory_space<vmem>>)
    %dma_wait3A_393 = arith.constant 0 : i32
    %dma_wait3A_394 = tpu.memref_slice %arg17[%dma_wait3A_393] : memref<10240xi32, #tpu.memory_space<vmem_shared>> -> memref<10240xi32, #tpu.memory_space<vmem_shared>>
    tpu.wait_indirect_dma semaphore(%arg22 : memref<!tpu.dma_semaphore, #tpu.memory_space<semaphore_mem>>) src(%dma_wait3A_394 : memref<10240xi32, #tpu.memory_space<vmem_shared>>) dst(%arg11 : memref<64xi32, #tpu.memory_space<vmem>>)
    %dma_start3A_395 = arith.constant 0 : i32
    %dma_start3A_396 = arith.constant 0 : i32
    %dma_start3A_397 = tpu.memref_slice %arg19[%dma_start3A_395, %dma_start3A_396] : memref<1152x128xf32, #tpu.memory_space<vmem_shared>> -> memref<1152x128xf32, #tpu.memory_space<vmem_shared>>
    tpu.enqueue_indirect_dma source(%arg15 : memref<64x128xf32, #tpu.memory_space<vmem>>) target(%dma_start3A_397 : memref<1152x128xf32, #tpu.memory_space<vmem_shared>>) offsets(%arg11 : memref<64xi32, #tpu.memory_space<vmem>>) semaphore(%arg20 : memref<!tpu.dma_semaphore, #tpu.memory_space<semaphore_mem>>) {add = true}
    %dma_wait3A_398 = arith.constant 0 : i32
    %dma_wait3A_399 = arith.constant 0 : i32
    %dma_wait3A_400 = tpu.memref_slice %arg18[%dma_wait3A_398, %dma_wait3A_399] : memref<10240x128xf32, #tpu.memory_space<vmem_shared>> -> memref<10240x128xf32, #tpu.memory_space<vmem_shared>>
    tpu.wait_indirect_dma semaphore(%arg21 : memref<!tpu.dma_semaphore, #tpu.memory_space<semaphore_mem>>) src(%dma_wait3A_400 : memref<10240x128xf32, #tpu.memory_space<vmem_shared>>) dst(%arg16 : memref<64x128xf32, #tpu.memory_space<vmem>>)
    %dma_wait3A_401 = arith.constant 0 : i32
    %dma_wait3A_402 = tpu.memref_slice %arg17[%dma_wait3A_401] : memref<10240xi32, #tpu.memory_space<vmem_shared>> -> memref<10240xi32, #tpu.memory_space<vmem_shared>>
    tpu.wait_indirect_dma semaphore(%arg23 : memref<!tpu.dma_semaphore, #tpu.memory_space<semaphore_mem>>) src(%dma_wait3A_402 : memref<10240xi32, #tpu.memory_space<vmem_shared>>) dst(%arg14 : memref<64xi32, #tpu.memory_space<vmem>>)
    %dma_start3A_403 = arith.constant 0 : i32
    %dma_start3A_404 = arith.constant 0 : i32
    %dma_start3A_405 = tpu.memref_slice %arg19[%dma_start3A_403, %dma_start3A_404] : memref<1152x128xf32, #tpu.memory_space<vmem_shared>> -> memref<1152x128xf32, #tpu.memory_space<vmem_shared>>
    tpu.enqueue_indirect_dma source(%arg16 : memref<64x128xf32, #tpu.memory_space<vmem>>) target(%dma_start3A_405 : memref<1152x128xf32, #tpu.memory_space<vmem_shared>>) offsets(%arg14 : memref<64xi32, #tpu.memory_space<vmem>>) semaphore(%arg21 : memref<!tpu.dma_semaphore, #tpu.memory_space<semaphore_mem>>) {add = true}
    %scan3A_406 = arith.constant 0 : i32
    %scan3A_407 = arith.constant 1 : i32
    %scan3A_408 = arith.constant 39 : i32
    %scan3A_409 = arith.addi %scan3A_407, %scan3A_408 : i32
    %scan3A_410 = arith.constant 1 : i32
    scf.for %scan3A_442 = %scan3A_407 to %scan3A_409 step %scan3A_410  : i32 {
      %dma_wait3A_443 = arith.constant 0 : i32
      %dma_wait3A_444 = arith.constant 0 : i32
      %dma_wait3A_445 = tpu.memref_slice %arg19[%dma_wait3A_443, %dma_wait3A_444] : memref<1152x128xf32, #tpu.memory_space<vmem_shared>> -> memref<1152x128xf32, #tpu.memory_space<vmem_shared>>
      tpu.wait_indirect_dma semaphore(%arg20 : memref<!tpu.dma_semaphore, #tpu.memory_space<semaphore_mem>>) src(%arg15 : memref<64x128xf32, #tpu.memory_space<vmem>>) dst(%dma_wait3A_445 : memref<1152x128xf32, #tpu.memory_space<vmem_shared>>)
      %get3A_446 = arith.constant 0 : i32
      %get3A_447 = tpu.memref_slice %arg8[%scan3A_442, %get3A_446] : memref<40x128xi32, #tpu.memory_space<vmem>> -> memref<1x128xi32, #tpu.memory_space<vmem>>
      %get3A_448 = tpu.memref_squeeze %get3A_447 : memref<1x128xi32, #tpu.memory_space<vmem>> -> memref<128xi32, #tpu.memory_space<vmem>>
      %get3A_449 = arith.constant 0 : index
      %get3A_450 = tpu.vector_load %get3A_448[%get3A_449] {strides = array<i32>} : memref<128xi32, #tpu.memory_space<vmem>>, vector<16xi32>,
      %get3A_451 = vector.shape_cast %get3A_450 : vector<16xi32> to vector<16xi32>
      %and3A_452 = arith.constant 65535 : i32
      %and3A_453 = vector.broadcast %and3A_452 : i32 to vector<16xi32>
      %and3A_454 = arith.andi %get3A_451, %and3A_453 : vector<16xi32>
      %swap3A_455 = arith.constant 0 : index
      %swap3A_456 = tpu.vector_load %arg9[%swap3A_455] {strides = array<i32>} : memref<64xi32, #tpu.memory_space<vmem>>, vector<16xi32>,
      %swap3A_457 = vector.shape_cast %swap3A_456 : vector<16xi32> to vector<16xi32>
      %swap3A_458 = vector.shape_cast %and3A_454 : vector<16xi32> to vector<16xi32>
      tpu.vector_store %arg9[%swap3A_455], %swap3A_458 {strides = array<i32>} : memref<64xi32, #tpu.memory_space<vmem>>, vector<16xi32>,
      %shift_right_logical3A_459 = arith.constant 16 : i32
      %shift_right_logical3A_460 = vector.broadcast %shift_right_logical3A_459 : i32 to vector<16xi32>
      %shift_right_logical3A_461 = arith.shrui %get3A_451, %shift_right_logical3A_460 : vector<16xi32>
      %swap3A_462 = arith.constant 0 : index
      %swap3A_463 = tpu.vector_load %arg10[%swap3A_462] {strides = array<i32>} : memref<64xi32, #tpu.memory_space<vmem>>, vector<16xi32>,
      %swap3A_464 = vector.shape_cast %swap3A_463 : vector<16xi32> to vector<16xi32>
      %swap3A_465 = vector.shape_cast %shift_right_logical3A_461 : vector<16xi32> to vector<16xi32>
      tpu.vector_store %arg10[%swap3A_462], %swap3A_465 {strides = array<i32>} : memref<64xi32, #tpu.memory_space<vmem>>, vector<16xi32>,
      %get3A_466 = arith.constant 0 : i32
      %get3A_467 = tpu.memref_slice %arg8[%scan3A_442, %get3A_466] : memref<40x128xi32, #tpu.memory_space<vmem>> -> memref<1x128xi32, #tpu.memory_space<vmem>>
      %get3A_468 = tpu.memref_squeeze %get3A_467 : memref<1x128xi32, #tpu.memory_space<vmem>> -> memref<128xi32, #tpu.memory_space<vmem>>
      %get3A_469 = arith.constant 16 : index
      %get3A_470 = tpu.vector_load %get3A_468[%get3A_469] {strides = array<i32>} : memref<128xi32, #tpu.memory_space<vmem>>, vector<16xi32>,
      %get3A_471 = vector.shape_cast %get3A_470 : vector<16xi32> to vector<16xi32>
      %and3A_472 = arith.constant 65535 : i32
      %and3A_473 = vector.broadcast %and3A_472 : i32 to vector<16xi32>
      %and3A_474 = arith.andi %get3A_471, %and3A_473 : vector<16xi32>
      %swap3A_475 = arith.constant 16 : index
      %swap3A_476 = tpu.vector_load %arg9[%swap3A_475] {strides = array<i32>} : memref<64xi32, #tpu.memory_space<vmem>>, vector<16xi32>,
      %swap3A_477 = vector.shape_cast %swap3A_476 : vector<16xi32> to vector<16xi32>
      %swap3A_478 = vector.shape_cast %and3A_474 : vector<16xi32> to vector<16xi32>
      tpu.vector_store %arg9[%swap3A_475], %swap3A_478 {strides = array<i32>} : memref<64xi32, #tpu.memory_space<vmem>>, vector<16xi32>,
      %shift_right_logical3A_479 = arith.constant 16 : i32
      %shift_right_logical3A_480 = vector.broadcast %shift_right_logical3A_479 : i32 to vector<16xi32>
      %shift_right_logical3A_481 = arith.shrui %get3A_471, %shift_right_logical3A_480 : vector<16xi32>
      %swap3A_482 = arith.constant 16 : index
      %swap3A_483 = tpu.vector_load %arg10[%swap3A_482] {strides = array<i32>} : memref<64xi32, #tpu.memory_space<vmem>>, vector<16xi32>,
      %swap3A_484 = vector.shape_cast %swap3A_483 : vector<16xi32> to vector<16xi32>
      %swap3A_485 = vector.shape_cast %shift_right_logical3A_481 : vector<16xi32> to vector<16xi32>
      tpu.vector_store %arg10[%swap3A_482], %swap3A_485 {strides = array<i32>} : memref<64xi32, #tpu.memory_space<vmem>>, vector<16xi32>,
      %get3A_486 = arith.constant 0 : i32
      %get3A_487 = tpu.memref_slice %arg8[%scan3A_442, %get3A_486] : memref<40x128xi32, #tpu.memory_space<vmem>> -> memref<1x128xi32, #tpu.memory_space<vmem>>
      %get3A_488 = tpu.memref_squeeze %get3A_487 : memref<1x128xi32, #tpu.memory_space<vmem>> -> memref<128xi32, #tpu.memory_space<vmem>>
      %get3A_489 = arith.constant 32 : index
      %get3A_490 = tpu.vector_load %get3A_488[%get3A_489] {strides = array<i32>} : memref<128xi32, #tpu.memory_space<vmem>>, vector<16xi32>,
      %get3A_491 = vector.shape_cast %get3A_490 : vector<16xi32> to vector<16xi32>
      %and3A_492 = arith.constant 65535 : i32
      %and3A_493 = vector.broadcast %and3A_492 : i32 to vector<16xi32>
      %and3A_494 = arith.andi %get3A_491, %and3A_493 : vector<16xi32>
      %swap3A_495 = arith.constant 32 : index
      %swap3A_496 = tpu.vector_load %arg9[%swap3A_495] {strides = array<i32>} : memref<64xi32, #tpu.memory_space<vmem>>, vector<16xi32>,
      %swap3A_497 = vector.shape_cast %swap3A_496 : vector<16xi32> to vector<16xi32>
      %swap3A_498 = vector.shape_cast %and3A_494 : vector<16xi32> to vector<16xi32>
      tpu.vector_store %arg9[%swap3A_495], %swap3A_498 {strides = array<i32>} : memref<64xi32, #tpu.memory_space<vmem>>, vector<16xi32>,
      %shift_right_logical3A_499 = arith.constant 16 : i32
      %shift_right_logical3A_500 = vector.broadcast %shift_right_logical3A_499 : i32 to vector<16xi32>
      %shift_right_logical3A_501 = arith.shrui %get3A_491, %shift_right_logical3A_500 : vector<16xi32>
      %swap3A_502 = arith.constant 32 : index
      %swap3A_503 = tpu.vector_load %arg10[%swap3A_502] {strides = array<i32>} : memref<64xi32, #tpu.memory_space<vmem>>, vector<16xi32>,
      %swap3A_504 = vector.shape_cast %swap3A_503 : vector<16xi32> to vector<16xi32>
      %swap3A_505 = vector.shape_cast %shift_right_logical3A_501 : vector<16xi32> to vector<16xi32>
      tpu.vector_store %arg10[%swap3A_502], %swap3A_505 {strides = array<i32>} : memref<64xi32, #tpu.memory_space<vmem>>, vector<16xi32>,
      %get3A_506 = arith.constant 0 : i32
      %get3A_507 = tpu.memref_slice %arg8[%scan3A_442, %get3A_506] : memref<40x128xi32, #tpu.memory_space<vmem>> -> memref<1x128xi32, #tpu.memory_space<vmem>>
      %get3A_508 = tpu.memref_squeeze %get3A_507 : memref<1x128xi32, #tpu.memory_space<vmem>> -> memref<128xi32, #tpu.memory_space<vmem>>
      %get3A_509 = arith.constant 48 : index
      %get3A_510 = tpu.vector_load %get3A_508[%get3A_509] {strides = array<i32>} : memref<128xi32, #tpu.memory_space<vmem>>, vector<16xi32>,
      %get3A_511 = vector.shape_cast %get3A_510 : vector<16xi32> to vector<16xi32>
      %and3A_512 = arith.constant 65535 : i32
      %and3A_513 = vector.broadcast %and3A_512 : i32 to vector<16xi32>
      %and3A_514 = arith.andi %get3A_511, %and3A_513 : vector<16xi32>
      %swap3A_515 = arith.constant 48 : index
      %swap3A_516 = tpu.vector_load %arg9[%swap3A_515] {strides = array<i32>} : memref<64xi32, #tpu.memory_space<vmem>>, vector<16xi32>,
      %swap3A_517 = vector.shape_cast %swap3A_516 : vector<16xi32> to vector<16xi32>
      %swap3A_518 = vector.shape_cast %and3A_514 : vector<16xi32> to vector<16xi32>
      tpu.vector_store %arg9[%swap3A_515], %swap3A_518 {strides = array<i32>} : memref<64xi32, #tpu.memory_space<vmem>>, vector<16xi32>,
      %shift_right_logical3A_519 = arith.constant 16 : i32
      %shift_right_logical3A_520 = vector.broadcast %shift_right_logical3A_519 : i32 to vector<16xi32>
      %shift_right_logical3A_521 = arith.shrui %get3A_511, %shift_right_logical3A_520 : vector<16xi32>
      %swap3A_522 = arith.constant 48 : index
      %swap3A_523 = tpu.vector_load %arg10[%swap3A_522] {strides = array<i32>} : memref<64xi32, #tpu.memory_space<vmem>>, vector<16xi32>,
      %swap3A_524 = vector.shape_cast %swap3A_523 : vector<16xi32> to vector<16xi32>
      %swap3A_525 = vector.shape_cast %shift_right_logical3A_521 : vector<16xi32> to vector<16xi32>
      tpu.vector_store %arg10[%swap3A_522], %swap3A_525 {strides = array<i32>} : memref<64xi32, #tpu.memory_space<vmem>>, vector<16xi32>,
      %dma_start3A_526 = arith.constant 0 : i32
      %dma_start3A_527 = tpu.memref_slice %arg17[%dma_start3A_526] : memref<10240xi32, #tpu.memory_space<vmem_shared>> -> memref<10240xi32, #tpu.memory_space<vmem_shared>>
      tpu.enqueue_indirect_dma source(%dma_start3A_527 : memref<10240xi32, #tpu.memory_space<vmem_shared>>) target(%arg11 : memref<64xi32, #tpu.memory_space<vmem>>) offsets(%arg10 : memref<64xi32, #tpu.memory_space<vmem>>) semaphore(%arg22 : memref<!tpu.dma_semaphore, #tpu.memory_space<semaphore_mem>>)
      %dma_start3A_528 = arith.constant 0 : i32
      %dma_start3A_529 = arith.constant 0 : i32
      %dma_start3A_530 = tpu.memref_slice %arg18[%dma_start3A_528, %dma_start3A_529] : memref<10240x128xf32, #tpu.memory_space<vmem_shared>> -> memref<10240x128xf32, #tpu.memory_space<vmem_shared>>
      tpu.enqueue_indirect_dma source(%dma_start3A_530 : memref<10240x128xf32, #tpu.memory_space<vmem_shared>>) target(%arg15 : memref<64x128xf32, #tpu.memory_space<vmem>>) offsets(%arg9 : memref<64xi32, #tpu.memory_space<vmem>>) semaphore(%arg20 : memref<!tpu.dma_semaphore, #tpu.memory_space<semaphore_mem>>)
      %dma_wait3A_531 = arith.constant 0 : i32
      %dma_wait3A_532 = arith.constant 0 : i32
      %dma_wait3A_533 = tpu.memref_slice %arg19[%dma_wait3A_531, %dma_wait3A_532] : memref<1152x128xf32, #tpu.memory_space<vmem_shared>> -> memref<1152x128xf32, #tpu.memory_space<vmem_shared>>
      tpu.wait_indirect_dma semaphore(%arg21 : memref<!tpu.dma_semaphore, #tpu.memory_space<semaphore_mem>>) src(%arg16 : memref<64x128xf32, #tpu.memory_space<vmem>>) dst(%dma_wait3A_533 : memref<1152x128xf32, #tpu.memory_space<vmem_shared>>)
      %get3A_534 = arith.constant 0 : i32
      %get3A_535 = tpu.memref_slice %arg8[%scan3A_442, %get3A_534] : memref<40x128xi32, #tpu.memory_space<vmem>> -> memref<1x128xi32, #tpu.memory_space<vmem>>
      %get3A_536 = tpu.memref_squeeze %get3A_535 : memref<1x128xi32, #tpu.memory_space<vmem>> -> memref<128xi32, #tpu.memory_space<vmem>>
      %get3A_537 = arith.constant 64 : index
      %get3A_538 = tpu.vector_load %get3A_536[%get3A_537] {strides = array<i32>} : memref<128xi32, #tpu.memory_space<vmem>>, vector<16xi32>,
      %get3A_539 = vector.shape_cast %get3A_538 : vector<16xi32> to vector<16xi32>
      %and3A_540 = arith.constant 65535 : i32
      %and3A_541 = vector.broadcast %and3A_540 : i32 to vector<16xi32>
      %and3A_542 = arith.andi %get3A_539, %and3A_541 : vector<16xi32>
      %swap3A_543 = arith.constant 0 : index
      %swap3A_544 = tpu.vector_load %arg12[%swap3A_543] {strides = array<i32>} : memref<64xi32, #tpu.memory_space<vmem>>, vector<16xi32>,
      %swap3A_545 = vector.shape_cast %swap3A_544 : vector<16xi32> to vector<16xi32>
      %swap3A_546 = vector.shape_cast %and3A_542 : vector<16xi32> to vector<16xi32>
      tpu.vector_store %arg12[%swap3A_543], %swap3A_546 {strides = array<i32>} : memref<64xi32, #tpu.memory_space<vmem>>, vector<16xi32>,
      %shift_right_logical3A_547 = arith.constant 16 : i32
      %shift_right_logical3A_548 = vector.broadcast %shift_right_logical3A_547 : i32 to vector<16xi32>
      %shift_right_logical3A_549 = arith.shrui %get3A_539, %shift_right_logical3A_548 : vector<16xi32>
      %swap3A_550 = arith.constant 0 : index
      %swap3A_551 = tpu.vector_load %arg13[%swap3A_550] {strides = array<i32>} : memref<64xi32, #tpu.memory_space<vmem>>, vector<16xi32>,
      %swap3A_552 = vector.shape_cast %swap3A_551 : vector<16xi32> to vector<16xi32>
      %swap3A_553 = vector.shape_cast %shift_right_logical3A_549 : vector<16xi32> to vector<16xi32>
      tpu.vector_store %arg13[%swap3A_550], %swap3A_553 {strides = array<i32>} : memref<64xi32, #tpu.memory_space<vmem>>, vector<16xi32>,
      %get3A_554 = arith.constant 0 : i32
      %get3A_555 = tpu.memref_slice %arg8[%scan3A_442, %get3A_554] : memref<40x128xi32, #tpu.memory_space<vmem>> -> memref<1x128xi32, #tpu.memory_space<vmem>>
      %get3A_556 = tpu.memref_squeeze %get3A_555 : memref<1x128xi32, #tpu.memory_space<vmem>> -> memref<128xi32, #tpu.memory_space<vmem>>
      %get3A_557 = arith.constant 80 : index
      %get3A_558 = tpu.vector_load %get3A_556[%get3A_557] {strides = array<i32>} : memref<128xi32, #tpu.memory_space<vmem>>, vector<16xi32>,
      %get3A_559 = vector.shape_cast %get3A_558 : vector<16xi32> to vector<16xi32>
      %and3A_560 = arith.constant 65535 : i32
      %and3A_561 = vector.broadcast %and3A_560 : i32 to vector<16xi32>
      %and3A_562 = arith.andi %get3A_559, %and3A_561 : vector<16xi32>
      %swap3A_563 = arith.constant 16 : index
      %swap3A_564 = tpu.vector_load %arg12[%swap3A_563] {strides = array<i32>} : memref<64xi32, #tpu.memory_space<vmem>>, vector<16xi32>,
      %swap3A_565 = vector.shape_cast %swap3A_564 : vector<16xi32> to vector<16xi32>
      %swap3A_566 = vector.shape_cast %and3A_562 : vector<16xi32> to vector<16xi32>
      tpu.vector_store %arg12[%swap3A_563], %swap3A_566 {strides = array<i32>} : memref<64xi32, #tpu.memory_space<vmem>>, vector<16xi32>,
      %shift_right_logical3A_567 = arith.constant 16 : i32
      %shift_right_logical3A_568 = vector.broadcast %shift_right_logical3A_567 : i32 to vector<16xi32>
      %shift_right_logical3A_569 = arith.shrui %get3A_559, %shift_right_logical3A_568 : vector<16xi32>
      %swap3A_570 = arith.constant 16 : index
      %swap3A_571 = tpu.vector_load %arg13[%swap3A_570] {strides = array<i32>} : memref<64xi32, #tpu.memory_space<vmem>>, vector<16xi32>,
      %swap3A_572 = vector.shape_cast %swap3A_571 : vector<16xi32> to vector<16xi32>
      %swap3A_573 = vector.shape_cast %shift_right_logical3A_569 : vector<16xi32> to vector<16xi32>
      tpu.vector_store %arg13[%swap3A_570], %swap3A_573 {strides = array<i32>} : memref<64xi32, #tpu.memory_space<vmem>>, vector<16xi32>,
      %get3A_574 = arith.constant 0 : i32
      %get3A_575 = tpu.memref_slice %arg8[%scan3A_442, %get3A_574] : memref<40x128xi32, #tpu.memory_space<vmem>> -> memref<1x128xi32, #tpu.memory_space<vmem>>
      %get3A_576 = tpu.memref_squeeze %get3A_575 : memref<1x128xi32, #tpu.memory_space<vmem>> -> memref<128xi32, #tpu.memory_space<vmem>>
      %get3A_577 = arith.constant 96 : index
      %get3A_578 = tpu.vector_load %get3A_576[%get3A_577] {strides = array<i32>} : memref<128xi32, #tpu.memory_space<vmem>>, vector<16xi32>,
      %get3A_579 = vector.shape_cast %get3A_578 : vector<16xi32> to vector<16xi32>
      %and3A_580 = arith.constant 65535 : i32
      %and3A_581 = vector.broadcast %and3A_580 : i32 to vector<16xi32>
      %and3A_582 = arith.andi %get3A_579, %and3A_581 : vector<16xi32>
      %swap3A_583 = arith.constant 32 : index
      %swap3A_584 = tpu.vector_load %arg12[%swap3A_583] {strides = array<i32>} : memref<64xi32, #tpu.memory_space<vmem>>, vector<16xi32>,
      %swap3A_585 = vector.shape_cast %swap3A_584 : vector<16xi32> to vector<16xi32>
      %swap3A_586 = vector.shape_cast %and3A_582 : vector<16xi32> to vector<16xi32>
      tpu.vector_store %arg12[%swap3A_583], %swap3A_586 {strides = array<i32>} : memref<64xi32, #tpu.memory_space<vmem>>, vector<16xi32>,
      %shift_right_logical3A_587 = arith.constant 16 : i32
      %shift_right_logical3A_588 = vector.broadcast %shift_right_logical3A_587 : i32 to vector<16xi32>
      %shift_right_logical3A_589 = arith.shrui %get3A_579, %shift_right_logical3A_588 : vector<16xi32>
      %swap3A_590 = arith.constant 32 : index
      %swap3A_591 = tpu.vector_load %arg13[%swap3A_590] {strides = array<i32>} : memref<64xi32, #tpu.memory_space<vmem>>, vector<16xi32>,
      %swap3A_592 = vector.shape_cast %swap3A_591 : vector<16xi32> to vector<16xi32>
      %swap3A_593 = vector.shape_cast %shift_right_logical3A_589 : vector<16xi32> to vector<16xi32>
      tpu.vector_store %arg13[%swap3A_590], %swap3A_593 {strides = array<i32>} : memref<64xi32, #tpu.memory_space<vmem>>, vector<16xi32>,
      %get3A_594 = arith.constant 0 : i32
      %get3A_595 = tpu.memref_slice %arg8[%scan3A_442, %get3A_594] : memref<40x128xi32, #tpu.memory_space<vmem>> -> memref<1x128xi32, #tpu.memory_space<vmem>>
      %get3A_596 = tpu.memref_squeeze %get3A_595 : memref<1x128xi32, #tpu.memory_space<vmem>> -> memref<128xi32, #tpu.memory_space<vmem>>
      %get3A_597 = arith.constant 112 : index
      %get3A_598 = tpu.vector_load %get3A_596[%get3A_597] {strides = array<i32>} : memref<128xi32, #tpu.memory_space<vmem>>, vector<16xi32>,
      %get3A_599 = vector.shape_cast %get3A_598 : vector<16xi32> to vector<16xi32>
      %and3A_600 = arith.constant 65535 : i32
      %and3A_601 = vector.broadcast %and3A_600 : i32 to vector<16xi32>
      %and3A_602 = arith.andi %get3A_599, %and3A_601 : vector<16xi32>
      %swap3A_603 = arith.constant 48 : index
      %swap3A_604 = tpu.vector_load %arg12[%swap3A_603] {strides = array<i32>} : memref<64xi32, #tpu.memory_space<vmem>>, vector<16xi32>,
      %swap3A_605 = vector.shape_cast %swap3A_604 : vector<16xi32> to vector<16xi32>
      %swap3A_606 = vector.shape_cast %and3A_602 : vector<16xi32> to vector<16xi32>
      tpu.vector_store %arg12[%swap3A_603], %swap3A_606 {strides = array<i32>} : memref<64xi32, #tpu.memory_space<vmem>>, vector<16xi32>,
      %shift_right_logical3A_607 = arith.constant 16 : i32
      %shift_right_logical3A_608 = vector.broadcast %shift_right_logical3A_607 : i32 to vector<16xi32>
      %shift_right_logical3A_609 = arith.shrui %get3A_599, %shift_right_logical3A_608 : vector<16xi32>
      %swap3A_610 = arith.constant 48 : index
      %swap3A_611 = tpu.vector_load %arg13[%swap3A_610] {strides = array<i32>} : memref<64xi32, #tpu.memory_space<vmem>>, vector<16xi32>,
      %swap3A_612 = vector.shape_cast %swap3A_611 : vector<16xi32> to vector<16xi32>
      %swap3A_613 = vector.shape_cast %shift_right_logical3A_609 : vector<16xi32> to vector<16xi32>
      tpu.vector_store %arg13[%swap3A_610], %swap3A_613 {strides = array<i32>} : memref<64xi32, #tpu.memory_space<vmem>>, vector<16xi32>,
      %dma_start3A_614 = arith.constant 0 : i32
      %dma_start3A_615 = tpu.memref_slice %arg17[%dma_start3A_614] : memref<10240xi32, #tpu.memory_space<vmem_shared>> -> memref<10240xi32, #tpu.memory_space<vmem_shared>>
      tpu.enqueue_indirect_dma source(%dma_start3A_615 : memref<10240xi32, #tpu.memory_space<vmem_shared>>) target(%arg14 : memref<64xi32, #tpu.memory_space<vmem>>) offsets(%arg13 : memref<64xi32, #tpu.memory_space<vmem>>) semaphore(%arg23 : memref<!tpu.dma_semaphore, #tpu.memory_space<semaphore_mem>>)
      %dma_start3A_616 = arith.constant 0 : i32
      %dma_start3A_617 = arith.constant 0 : i32
      %dma_start3A_618 = tpu.memref_slice %arg18[%dma_start3A_616, %dma_start3A_617] : memref<10240x128xf32, #tpu.memory_space<vmem_shared>> -> memref<10240x128xf32, #tpu.memory_space<vmem_shared>>
      tpu.enqueue_indirect_dma source(%dma_start3A_618 : memref<10240x128xf32, #tpu.memory_space<vmem_shared>>) target(%arg16 : memref<64x128xf32, #tpu.memory_space<vmem>>) offsets(%arg12 : memref<64xi32, #tpu.memory_space<vmem>>) semaphore(%arg21 : memref<!tpu.dma_semaphore, #tpu.memory_space<semaphore_mem>>)
      %dma_wait3A_619 = arith.constant 0 : i32
      %dma_wait3A_620 = arith.constant 0 : i32
      %dma_wait3A_621 = tpu.memref_slice %arg18[%dma_wait3A_619, %dma_wait3A_620] : memref<10240x128xf32, #tpu.memory_space<vmem_shared>> -> memref<10240x128xf32, #tpu.memory_space<vmem_shared>>
      tpu.wait_indirect_dma semaphore(%arg20 : memref<!tpu.dma_semaphore, #tpu.memory_space<semaphore_mem>>) src(%dma_wait3A_621 : memref<10240x128xf32, #tpu.memory_space<vmem_shared>>) dst(%arg15 : memref<64x128xf32, #tpu.memory_space<vmem>>)
      %dma_wait3A_622 = arith.constant 0 : i32
      %dma_wait3A_623 = tpu.memref_slice %arg17[%dma_wait3A_622] : memref<10240xi32, #tpu.memory_space<vmem_shared>> -> memref<10240xi32, #tpu.memory_space<vmem_shared>>
      tpu.wait_indirect_dma semaphore(%arg22 : memref<!tpu.dma_semaphore, #tpu.memory_space<semaphore_mem>>) src(%dma_wait3A_623 : memref<10240xi32, #tpu.memory_space<vmem_shared>>) dst(%arg11 : memref<64xi32, #tpu.memory_space<vmem>>)
      %dma_start3A_624 = arith.constant 0 : i32
      %dma_start3A_625 = arith.constant 0 : i32
      %dma_start3A_626 = tpu.memref_slice %arg19[%dma_start3A_624, %dma_start3A_625] : memref<1152x128xf32, #tpu.memory_space<vmem_shared>> -> memref<1152x128xf32, #tpu.memory_space<vmem_shared>>
      tpu.enqueue_indirect_dma source(%arg15 : memref<64x128xf32, #tpu.memory_space<vmem>>) target(%dma_start3A_626 : memref<1152x128xf32, #tpu.memory_space<vmem_shared>>) offsets(%arg11 : memref<64xi32, #tpu.memory_space<vmem>>) semaphore(%arg20 : memref<!tpu.dma_semaphore, #tpu.memory_space<semaphore_mem>>) {add = true}
      %dma_wait3A_627 = arith.constant 0 : i32
      %dma_wait3A_628 = arith.constant 0 : i32
      %dma_wait3A_629 = tpu.memref_slice %arg18[%dma_wait3A_627, %dma_wait3A_628] : memref<10240x128xf32, #tpu.memory_space<vmem_shared>> -> memref<10240x128xf32, #tpu.memory_space<vmem_shared>>
      tpu.wait_indirect_dma semaphore(%arg21 : memref<!tpu.dma_semaphore, #tpu.memory_space<semaphore_mem>>) src(%dma_wait3A_629 : memref<10240x128xf32, #tpu.memory_space<vmem_shared>>) dst(%arg16 : memref<64x128xf32, #tpu.memory_space<vmem>>)
      %dma_wait3A_630 = arith.constant 0 : i32
      %dma_wait3A_631 = tpu.memref_slice %arg17[%dma_wait3A_630] : memref<10240xi32, #tpu.memory_space<vmem_shared>> -> memref<10240xi32, #tpu.memory_space<vmem_shared>>
      tpu.wait_indirect_dma semaphore(%arg23 : memref<!tpu.dma_semaphore, #tpu.memory_space<semaphore_mem>>) src(%dma_wait3A_631 : memref<10240xi32, #tpu.memory_space<vmem_shared>>) dst(%arg14 : memref<64xi32, #tpu.memory_space<vmem>>)
      %dma_start3A_632 = arith.constant 0 : i32
      %dma_start3A_633 = arith.constant 0 : i32
      %dma_start3A_634 = tpu.memref_slice %arg19[%dma_start3A_632, %dma_start3A_633] : memref<1152x128xf32, #tpu.memory_space<vmem_shared>> -> memref<1152x128xf32, #tpu.memory_space<vmem_shared>>
      tpu.enqueue_indirect_dma source(%arg16 : memref<64x128xf32, #tpu.memory_space<vmem>>) target(%dma_start3A_634 : memref<1152x128xf32, #tpu.memory_space<vmem_shared>>) offsets(%arg14 : memref<64xi32, #tpu.memory_space<vmem>>) semaphore(%arg21 : memref<!tpu.dma_semaphore, #tpu.memory_space<semaphore_mem>>) {add = true}
    }
    %scan3A_411 = arith.constant 39 : i32
    %dma_wait3A_412 = arith.constant 0 : i32
    %dma_wait3A_413 = arith.constant 0 : i32
    %dma_wait3A_414 = tpu.memref_slice %arg19[%dma_wait3A_412, %dma_wait3A_413] : memref<1152x128xf32, #tpu.memory_space<vmem_shared>> -> memref<1152x128xf32, #tpu.memory_space<vmem_shared>>
    tpu.wait_indirect_dma semaphore(%arg20 : memref<!tpu.dma_semaphore, #tpu.memory_space<semaphore_mem>>) src(%arg15 : memref<64x128xf32, #tpu.memory_space<vmem>>) dst(%dma_wait3A_414 : memref<1152x128xf32, #tpu.memory_space<vmem_shared>>)
    %dma_wait3A_415 = arith.constant 0 : i32
    %dma_wait3A_416 = arith.constant 0 : i32
    %dma_wait3A_417 = tpu.memref_slice %arg19[%dma_wait3A_415, %dma_wait3A_416] : memref<1152x128xf32, #tpu.memory_space<vmem_shared>> -> memref<1152x128xf32, #tpu.memory_space<vmem_shared>>
    tpu.wait_indirect_dma semaphore(%arg21 : memref<!tpu.dma_semaphore, #tpu.memory_space<semaphore_mem>>) src(%arg16 : memref<64x128xf32, #tpu.memory_space<vmem>>) dst(%dma_wait3A_417 : memref<1152x128xf32, #tpu.memory_space<vmem_shared>>)
    %barrier3A_418 = arith.constant 0 : index
    tpu.barrier barrier_id(%barrier3A_418)
    %mul3A_419 = arith.constant 64 : i32
    %mul3A_420 = arith.muli %arg1, %mul3A_419 : i32
    "tpu.region"() ({
      %run_scoped3A = tpu.sem_alloc : memref<!tpu.dma_semaphore, #tpu.memory_space<semaphore_mem>>
      %dma_start3A_442 = arith.constant 0 : i32
      %dma_start3A_443 = tpu.memref_slice %arg9[%dma_start3A_442] : memref<64xi32, #tpu.memory_space<vmem>> -> memref<64xi32, #tpu.memory_space<vmem>>
      %dma_start3A_444 = tpu.memref_slice %arg6[%mul3A_420] : memref<1024xi32, #tpu.memory_space<hbm>> -> memref<64xi32, #tpu.memory_space<hbm>>
      %dma_start3A_445 = arith.constant 0 : i32
      %dma_start3A_446 = tpu.memref_slice %arg9[%dma_start3A_445] : memref<64xi32, #tpu.memory_space<vmem>> -> memref<64xi32, #tpu.memory_space<vmem>>
      %dma_start3A_447 = tpu.memref_slice %arg6[%mul3A_420] : memref<1024xi32, #tpu.memory_space<hbm>> -> memref<64xi32, #tpu.memory_space<hbm>>
      tpu.enqueue_dma source(%dma_start3A_447 : memref<64xi32, #tpu.memory_space<hbm>>) target(%dma_start3A_446 : memref<64xi32, #tpu.memory_space<vmem>>) target_semaphore(%run_scoped3A : memref<!tpu.dma_semaphore, #tpu.memory_space<semaphore_mem>>)
      %dma_wait3A_448 = arith.constant 0 : i32
      %dma_wait3A_449 = tpu.memref_slice %arg9[%dma_wait3A_448] : memref<64xi32, #tpu.memory_space<vmem>> -> memref<64xi32, #tpu.memory_space<vmem>>
      %dma_wait3A_450 = tpu.memref_slice %arg6[%mul3A_420] : memref<1024xi32, #tpu.memory_space<hbm>> -> memref<64xi32, #tpu.memory_space<hbm>>
      %dma_wait3A_451 = arith.constant 0 : i32
      %dma_wait3A_452 = tpu.memref_slice %arg9[%dma_wait3A_451] : memref<64xi32, #tpu.memory_space<vmem>> -> memref<64xi32, #tpu.memory_space<vmem>>
      %dma_wait3A_453 = tpu.memref_slice %arg6[%mul3A_420] : memref<1024xi32, #tpu.memory_space<hbm>> -> memref<64xi32, #tpu.memory_space<hbm>>
      tpu.wait_dma2 semaphore(%run_scoped3A : memref<!tpu.dma_semaphore, #tpu.memory_space<semaphore_mem>>) src(%dma_wait3A_453 : memref<64xi32, #tpu.memory_space<hbm>>) dst(%dma_wait3A_452 : memref<64xi32, #tpu.memory_space<vmem>>)
      tpu.yield
    }) : () -> ()
    %dma_start3A_421 = arith.constant 0 : i32
    %dma_start3A_422 = arith.constant 0 : i32
    %dma_start3A_423 = tpu.memref_slice %arg15[%dma_start3A_421, %dma_start3A_422] : memref<64x128xf32, #tpu.memory_space<vmem>> -> memref<64x128xf32, #tpu.memory_space<vmem>>
    %dma_start3A_424 = arith.constant 0 : i32
    %dma_start3A_425 = tpu.memref_slice %arg9[%dma_start3A_424] : memref<64xi32, #tpu.memory_space<vmem>> -> memref<64xi32, #tpu.memory_space<vmem>>
    %dma_start3A_426 = arith.constant 0 : i32
    %dma_start3A_427 = arith.constant 0 : i32
    %dma_start3A_428 = tpu.memref_slice %arg19[%dma_start3A_426, %dma_start3A_427] : memref<1152x128xf32, #tpu.memory_space<vmem_shared>> -> memref<1152x128xf32, #tpu.memory_space<vmem_shared>>
    tpu.enqueue_indirect_dma source(%dma_start3A_428 : memref<1152x128xf32, #tpu.memory_space<vmem_shared>>) target(%dma_start3A_423 : memref<64x128xf32, #tpu.memory_space<vmem>>) offsets(%dma_start3A_425 : memref<64xi32, #tpu.memory_space<vmem>>) semaphore(%arg20 : memref<!tpu.dma_semaphore, #tpu.memory_space<semaphore_mem>>)
    %dma_wait3A_429 = arith.constant 0 : i32
    %dma_wait3A_430 = arith.constant 0 : i32
    %dma_wait3A_431 = tpu.memref_slice %arg15[%dma_wait3A_429, %dma_wait3A_430] : memref<64x128xf32, #tpu.memory_space<vmem>> -> memref<64x128xf32, #tpu.memory_space<vmem>>
    %dma_wait3A_432 = arith.constant 0 : i32
    %dma_wait3A_433 = tpu.memref_slice %arg9[%dma_wait3A_432] : memref<64xi32, #tpu.memory_space<vmem>> -> memref<64xi32, #tpu.memory_space<vmem>>
    %dma_wait3A_434 = arith.constant 0 : i32
    %dma_wait3A_435 = arith.constant 0 : i32
    %dma_wait3A_436 = tpu.memref_slice %arg19[%dma_wait3A_434, %dma_wait3A_435] : memref<1152x128xf32, #tpu.memory_space<vmem_shared>> -> memref<1152x128xf32, #tpu.memory_space<vmem_shared>>
    tpu.wait_indirect_dma semaphore(%arg20 : memref<!tpu.dma_semaphore, #tpu.memory_space<semaphore_mem>>) src(%dma_wait3A_436 : memref<1152x128xf32, #tpu.memory_space<vmem_shared>>) dst(%dma_wait3A_431 : memref<64x128xf32, #tpu.memory_space<vmem>>)
    %mul3A_437 = arith.constant 1024 : i32
    %mul3A_438 = arith.muli %arg0, %mul3A_437 : i32
    %mul3A_439 = arith.constant 64 : i32
    %mul3A_440 = arith.muli %arg1, %mul3A_439 : i32
    %add3A_441 = arith.addi %mul3A_438, %mul3A_440 : i32
    "tpu.region"() ({
      %run_scoped3A = tpu.sem_alloc : memref<!tpu.dma_semaphore, #tpu.memory_space<semaphore_mem>>
      %dma_start3A_442 = arith.constant 0 : i32
      %dma_start3A_443 = arith.constant 0 : i32
      %dma_start3A_444 = tpu.memref_slice %arg15[%dma_start3A_442, %dma_start3A_443] : memref<64x128xf32, #tpu.memory_space<vmem>> -> memref<64x128xf32, #tpu.memory_space<vmem>>
      %dma_start3A_445 = arith.constant 0 : i32
      %dma_start3A_446 = tpu.memref_slice %arg7[%add3A_441, %dma_start3A_445] : memref<2048x128xf32, #tpu.memory_space<hbm>> -> memref<64x128xf32, #tpu.memory_space<hbm>>
      %dma_start3A_447 = arith.constant 0 : i32
      %dma_start3A_448 = tpu.memref_slice %arg7[%add3A_441, %dma_start3A_447] : memref<2048x128xf32, #tpu.memory_space<hbm>> -> memref<64x128xf32, #tpu.memory_space<hbm>>
      %dma_start3A_449 = arith.constant 0 : i32
      %dma_start3A_450 = arith.constant 0 : i32
      %dma_start3A_451 = tpu.memref_slice %arg15[%dma_start3A_449, %dma_start3A_450] : memref<64x128xf32, #tpu.memory_space<vmem>> -> memref<64x128xf32, #tpu.memory_space<vmem>>
      tpu.enqueue_dma source(%dma_start3A_451 : memref<64x128xf32, #tpu.memory_space<vmem>>) target(%dma_start3A_448 : memref<64x128xf32, #tpu.memory_space<hbm>>) target_semaphore(%run_scoped3A : memref<!tpu.dma_semaphore, #tpu.memory_space<semaphore_mem>>)
      %dma_wait3A_452 = arith.constant 0 : i32
      %dma_wait3A_453 = arith.constant 0 : i32
      %dma_wait3A_454 = tpu.memref_slice %arg15[%dma_wait3A_452, %dma_wait3A_453] : memref<64x128xf32, #tpu.memory_space<vmem>> -> memref<64x128xf32, #tpu.memory_space<vmem>>
      %dma_wait3A_455 = arith.constant 0 : i32
      %dma_wait3A_456 = tpu.memref_slice %arg7[%add3A_441, %dma_wait3A_455] : memref<2048x128xf32, #tpu.memory_space<hbm>> -> memref<64x128xf32, #tpu.memory_space<hbm>>
      %dma_wait3A_457 = arith.constant 0 : i32
      %dma_wait3A_458 = tpu.memref_slice %arg7[%add3A_441, %dma_wait3A_457] : memref<2048x128xf32, #tpu.memory_space<hbm>> -> memref<64x128xf32, #tpu.memory_space<hbm>>
      %dma_wait3A_459 = arith.constant 0 : i32
      %dma_wait3A_460 = arith.constant 0 : i32
      %dma_wait3A_461 = tpu.memref_slice %arg15[%dma_wait3A_459, %dma_wait3A_460] : memref<64x128xf32, #tpu.memory_space<vmem>> -> memref<64x128xf32, #tpu.memory_space<vmem>>
      tpu.wait_dma2 semaphore(%run_scoped3A : memref<!tpu.dma_semaphore, #tpu.memory_space<semaphore_mem>>) src(%dma_wait3A_461 : memref<64x128xf32, #tpu.memory_space<vmem>>) dst(%dma_wait3A_458 : memref<64x128xf32, #tpu.memory_space<hbm>>)
      tpu.yield
    }) : () -> ()
    return
  }
}

module attributes {stable_mosaic.version = 14 : i64} {
  func.func @_mm_body(%arg0: i32, %arg1: memref<1280x128xf32, #tpu.memory_space<vmem>>, %arg2: memref<128x128xf32, #tpu.memory_space<vmem>>, %arg3: memref<1280x128xf32, #tpu.memory_space<vmem>>) attributes {dimension_semantics = [#tpu.dimension_semantics<arbitrary>], iteration_bounds = array<i64: 8>, scalar_prefetch = 0 : i64, scratch_operands = 0 : i64, tpu.core_type = #tpu.core_type<tc>, window_params = [{transform_indices = @transform_0, window_bounds = array<i64: 1280, 128>}, {pipeline_mode = #tpu.pipeline_mode<synchronous>, transform_indices = @transform_1, window_bounds = array<i64: 128, 128>}, {transform_indices = @transform_2, window_bounds = array<i64: 1280, 128>}]} {
    %get3A = arith.constant 0 : index
    %get3A_0 = arith.constant 0 : index
    %get3A_1 = vector.load %arg1[%get3A, %get3A_0] : memref<1280x128xf32, #tpu.memory_space<vmem>>, vector<1280x128xf32>
    %get3A_2 = arith.constant 0 : index
    %get3A_3 = arith.constant 0 : index
    %get3A_4 = vector.load %arg2[%get3A_2, %get3A_3] : memref<128x128xf32, #tpu.memory_space<vmem>>, vector<128x128xf32>
    %dot_general3A = arith.constant dense<0.000000e+00> : vector<1280x128xf32>
    %dot_general3A_5 = tpu.matmul %get3A_1, %get3A_4, %dot_general3A {dimension_numbers = #tpu.dot_dimension_numbers<[1], [0], [0], [1], [0, 0, 1, 1], [], []>, transpose_lhs_hint = false} : vector<1280x128xf32>, vector<128x128xf32>, vector<1280x128xf32> -> vector<1280x128xf32>
    %swap3A = arith.constant 0 : index
    %swap3A_6 = arith.constant 0 : index
    %swap3A_7 = vector.load %arg3[%swap3A, %swap3A_6] : memref<1280x128xf32, #tpu.memory_space<vmem>>, vector<1280x128xf32>
    tpu.vector_store %arg3[%swap3A, %swap3A_6], %dot_general3A_5 {strides = array<i32>} : memref<1280x128xf32, #tpu.memory_space<vmem>>, vector<1280x128xf32>,
    return
  }
  func.func @transform_0(%arg0: i32) -> (i32, i32) {
    %c0_i32 = arith.constant 0 : i32
    %c0_i32_0 = arith.constant 0 : i32
    return %arg0, %c0_i32 : i32, i32
  }
  func.func @transform_1(%arg0: i32) -> (i32, i32) {
    %c0_i32 = arith.constant 0 : i32
    %c0_i32_0 = arith.constant 0 : i32
    %c0_i32_1 = arith.constant 0 : i32
    return %c0_i32, %c0_i32_0 : i32, i32
  }
  func.func @transform_2(%arg0: i32) -> (i32, i32) {
    %c0_i32 = arith.constant 0 : i32
    %c0_i32_0 = arith.constant 0 : i32
    return %arg0, %c0_i32 : i32, i32
  }
}

module attributes {stable_mosaic.version = 14 : i64} {
  func.func @_mid_body(%arg0: i32, %arg1: memref<1280x128xf32, #tpu.memory_space<vmem>>, %arg2: memref<1280x128xf32, #tpu.memory_space<vmem>>, %arg3: memref<1x128xf32, #tpu.memory_space<vmem>>, %arg4: memref<1x128xf32, #tpu.memory_space<vmem>>, %arg5: memref<128x128xf32, #tpu.memory_space<vmem>>, %arg6: memref<1280x128xf32, #tpu.memory_space<vmem>>) attributes {dimension_semantics = [#tpu.dimension_semantics<arbitrary>], iteration_bounds = array<i64: 8>, scalar_prefetch = 0 : i64, scratch_operands = 0 : i64, tpu.core_type = #tpu.core_type<tc>, window_params = [{transform_indices = @transform_0, window_bounds = array<i64: 1280, 128>}, {transform_indices = @transform_1, window_bounds = array<i64: 1280, 128>}, {pipeline_mode = #tpu.pipeline_mode<synchronous>, transform_indices = @transform_2, window_bounds = array<i64: 1, 128>}, {pipeline_mode = #tpu.pipeline_mode<synchronous>, transform_indices = @transform_3, window_bounds = array<i64: 1, 128>}, {pipeline_mode = #tpu.pipeline_mode<synchronous>, transform_indices = @transform_4, window_bounds = array<i64: 128, 128>}, {transform_indices = @transform_5, window_bounds = array<i64: 1280, 128>}]} {
    %get3A = arith.constant 0 : index
    %get3A_0 = arith.constant 0 : index
    %get3A_1 = vector.load %arg1[%get3A, %get3A_0] : memref<1280x128xf32, #tpu.memory_space<vmem>>, vector<1280x128xf32>
    %get3A_2 = arith.constant 0 : index
    %get3A_3 = arith.constant 0 : index
    %get3A_4 = vector.load %arg2[%get3A_2, %get3A_3] : memref<1280x128xf32, #tpu.memory_space<vmem>>, vector<1280x128xf32>
    %add3A = arith.addf %get3A_1, %get3A_4 : vector<1280x128xf32>
    %get3A_5 = arith.constant 0 : index
    %get3A_6 = arith.constant 0 : index
    %get3A_7 = vector.load %arg3[%get3A_5, %get3A_6] : memref<1x128xf32, #tpu.memory_space<vmem>>, vector<1x128xf32>
    %get3A_8 = arith.constant 0 : index
    %get3A_9 = arith.constant 0 : index
    %get3A_10 = vector.load %arg4[%get3A_8, %get3A_9] : memref<1x128xf32, #tpu.memory_space<vmem>>, vector<1x128xf32>
    %reduce_sum3A = arith.constant dense<0.000000e+00> : vector<1280xf32>
    %reduce_sum3A_11 = vector.multi_reduction <add>, %add3A, %reduce_sum3A [1] : vector<1280x128xf32> to vector<1280xf32>
    %broadcast_in_dim3A = vector.shape_cast %reduce_sum3A_11 : vector<1280xf32> to vector<1280x1xf32>
    %div3A = arith.constant 1.280000e+02 : f32
    %div3A_12 = vector.broadcast %div3A : f32 to vector<1280x1xf32>
    %div3A_13 = arith.divf %broadcast_in_dim3A, %div3A_12 : vector<1280x1xf32>
    %sub3A = vector.broadcast %div3A_13 : vector<1280x1xf32> to vector<1280x128xf32>
    %sub3A_14 = arith.subf %add3A, %sub3A : vector<1280x128xf32>
    %integer_pow3A = arith.mulf %sub3A_14, %sub3A_14 : vector<1280x128xf32>
    %reduce_sum3A_15 = arith.constant dense<0.000000e+00> : vector<1280xf32>
    %reduce_sum3A_16 = vector.multi_reduction <add>, %integer_pow3A, %reduce_sum3A_15 [1] : vector<1280x128xf32> to vector<1280xf32>
    %broadcast_in_dim3A_17 = vector.shape_cast %reduce_sum3A_16 : vector<1280xf32> to vector<1280x1xf32>
    %div3A_18 = arith.constant 1.280000e+02 : f32
    %div3A_19 = vector.broadcast %div3A_18 : f32 to vector<1280x1xf32>
    %div3A_20 = arith.divf %broadcast_in_dim3A_17, %div3A_19 : vector<1280x1xf32>
    %sub3A_21 = vector.broadcast %div3A_13 : vector<1280x1xf32> to vector<1280x128xf32>
    %sub3A_22 = arith.subf %add3A, %sub3A_21 : vector<1280x128xf32>
    %add3A_23 = arith.constant 9.99999974E-6 : f32
    %add3A_24 = vector.broadcast %add3A_23 : f32 to vector<1280x1xf32>
    %add3A_25 = arith.addf %div3A_20, %add3A_24 : vector<1280x1xf32>
    %rsqrt3A = math.rsqrt %add3A_25 : vector<1280x1xf32>
    %mul3A = vector.broadcast %rsqrt3A : vector<1280x1xf32> to vector<1280x128xf32>
    %mul3A_26 = arith.mulf %sub3A_22, %mul3A : vector<1280x128xf32>
    %mul3A_27 = vector.broadcast %get3A_7 : vector<1x128xf32> to vector<1280x128xf32>
    %mul3A_28 = arith.mulf %mul3A_26, %mul3A_27 : vector<1280x128xf32>
    %add3A_29 = vector.broadcast %get3A_10 : vector<1x128xf32> to vector<1280x128xf32>
    %add3A_30 = arith.addf %mul3A_28, %add3A_29 : vector<1280x128xf32>
    %max3A = arith.constant 0.000000e+00 : f32
    %max3A_31 = vector.broadcast %max3A : f32 to vector<1280x128xf32>
    %max3A_32 = arith.maximumf %add3A_30, %max3A_31 : vector<1280x128xf32>
    %get3A_33 = arith.constant 0 : index
    %get3A_34 = arith.constant 0 : index
    %get3A_35 = vector.load %arg5[%get3A_33, %get3A_34] : memref<128x128xf32, #tpu.memory_space<vmem>>, vector<128x128xf32>
    %dot_general3A = arith.constant dense<0.000000e+00> : vector<1280x128xf32>
    %dot_general3A_36 = tpu.matmul %max3A_32, %get3A_35, %dot_general3A {dimension_numbers = #tpu.dot_dimension_numbers<[1], [0], [0], [1], [0, 0, 1, 1], [], []>, transpose_lhs_hint = false} : vector<1280x128xf32>, vector<128x128xf32>, vector<1280x128xf32> -> vector<1280x128xf32>
    %swap3A = arith.constant 0 : index
    %swap3A_37 = arith.constant 0 : index
    %swap3A_38 = vector.load %arg6[%swap3A, %swap3A_37] : memref<1280x128xf32, #tpu.memory_space<vmem>>, vector<1280x128xf32>
    tpu.vector_store %arg6[%swap3A, %swap3A_37], %dot_general3A_36 {strides = array<i32>} : memref<1280x128xf32, #tpu.memory_space<vmem>>, vector<1280x128xf32>,
    return
  }
  func.func @transform_0(%arg0: i32) -> (i32, i32) {
    %c0_i32 = arith.constant 0 : i32
    %c0_i32_0 = arith.constant 0 : i32
    return %arg0, %c0_i32 : i32, i32
  }
  func.func @transform_1(%arg0: i32) -> (i32, i32) {
    %c0_i32 = arith.constant 0 : i32
    %c0_i32_0 = arith.constant 0 : i32
    return %arg0, %c0_i32 : i32, i32
  }
  func.func @transform_2(%arg0: i32) -> (i32, i32) {
    %c0_i32 = arith.constant 0 : i32
    %c0_i32_0 = arith.constant 0 : i32
    %c0_i32_1 = arith.constant 0 : i32
    return %c0_i32, %c0_i32_0 : i32, i32
  }
  func.func @transform_3(%arg0: i32) -> (i32, i32) {
    %c0_i32 = arith.constant 0 : i32
    %c0_i32_0 = arith.constant 0 : i32
    %c0_i32_1 = arith.constant 0 : i32
    return %c0_i32, %c0_i32_0 : i32, i32
  }
  func.func @transform_4(%arg0: i32) -> (i32, i32) {
    %c0_i32 = arith.constant 0 : i32
    %c0_i32_0 = arith.constant 0 : i32
    %c0_i32_1 = arith.constant 0 : i32
    return %c0_i32, %c0_i32_0 : i32, i32
  }
  func.func @transform_5(%arg0: i32) -> (i32, i32) {
    %c0_i32 = arith.constant 0 : i32
    %c0_i32_0 = arith.constant 0 : i32
    return %arg0, %c0_i32 : i32, i32
  }
}

module attributes {stable_mosaic.version = 14 : i64} {
  func.func @_final_body(%arg0: memref<1024x128xf32, #tpu.memory_space<vmem>>, %arg1: memref<1024x128xf32, #tpu.memory_space<vmem>>, %arg2: memref<1x128xf32, #tpu.memory_space<vmem>>, %arg3: memref<1x128xf32, #tpu.memory_space<vmem>>, %arg4: memref<128x128xf32, #tpu.memory_space<vmem>>, %arg5: memref<1x128xf32, #tpu.memory_space<vmem>>, %arg6: memref<1024x128xf32, #tpu.memory_space<vmem>>) attributes {dimension_semantics = [], scalar_prefetch = 0 : i64, scratch_operands = 0 : i64, tpu.core_type = #tpu.core_type<tc>} {
    %get3A = arith.constant 0 : index
    %get3A_0 = arith.constant 0 : index
    %get3A_1 = vector.load %arg0[%get3A, %get3A_0] : memref<1024x128xf32, #tpu.memory_space<vmem>>, vector<1024x128xf32>
    %get3A_2 = arith.constant 0 : index
    %get3A_3 = arith.constant 0 : index
    %get3A_4 = vector.load %arg1[%get3A_2, %get3A_3] : memref<1024x128xf32, #tpu.memory_space<vmem>>, vector<1024x128xf32>
    %add3A = arith.addf %get3A_1, %get3A_4 : vector<1024x128xf32>
    %get3A_5 = arith.constant 0 : index
    %get3A_6 = arith.constant 0 : index
    %get3A_7 = vector.load %arg2[%get3A_5, %get3A_6] : memref<1x128xf32, #tpu.memory_space<vmem>>, vector<1x128xf32>
    %get3A_8 = arith.constant 0 : index
    %get3A_9 = arith.constant 0 : index
    %get3A_10 = vector.load %arg3[%get3A_8, %get3A_9] : memref<1x128xf32, #tpu.memory_space<vmem>>, vector<1x128xf32>
    %reduce_sum3A = arith.constant dense<0.000000e+00> : vector<1024xf32>
    %reduce_sum3A_11 = vector.multi_reduction <add>, %add3A, %reduce_sum3A [1] : vector<1024x128xf32> to vector<1024xf32>
    %broadcast_in_dim3A = vector.shape_cast %reduce_sum3A_11 : vector<1024xf32> to vector<1024x1xf32>
    %div3A = arith.constant 1.280000e+02 : f32
    %div3A_12 = vector.broadcast %div3A : f32 to vector<1024x1xf32>
    %div3A_13 = arith.divf %broadcast_in_dim3A, %div3A_12 : vector<1024x1xf32>
    %sub3A = vector.broadcast %div3A_13 : vector<1024x1xf32> to vector<1024x128xf32>
    %sub3A_14 = arith.subf %add3A, %sub3A : vector<1024x128xf32>
    %integer_pow3A = arith.mulf %sub3A_14, %sub3A_14 : vector<1024x128xf32>
    %reduce_sum3A_15 = arith.constant dense<0.000000e+00> : vector<1024xf32>
    %reduce_sum3A_16 = vector.multi_reduction <add>, %integer_pow3A, %reduce_sum3A_15 [1] : vector<1024x128xf32> to vector<1024xf32>
    %broadcast_in_dim3A_17 = vector.shape_cast %reduce_sum3A_16 : vector<1024xf32> to vector<1024x1xf32>
    %div3A_18 = arith.constant 1.280000e+02 : f32
    %div3A_19 = vector.broadcast %div3A_18 : f32 to vector<1024x1xf32>
    %div3A_20 = arith.divf %broadcast_in_dim3A_17, %div3A_19 : vector<1024x1xf32>
    %sub3A_21 = vector.broadcast %div3A_13 : vector<1024x1xf32> to vector<1024x128xf32>
    %sub3A_22 = arith.subf %add3A, %sub3A_21 : vector<1024x128xf32>
    %add3A_23 = arith.constant 9.99999974E-6 : f32
    %add3A_24 = vector.broadcast %add3A_23 : f32 to vector<1024x1xf32>
    %add3A_25 = arith.addf %div3A_20, %add3A_24 : vector<1024x1xf32>
    %rsqrt3A = math.rsqrt %add3A_25 : vector<1024x1xf32>
    %mul3A = vector.broadcast %rsqrt3A : vector<1024x1xf32> to vector<1024x128xf32>
    %mul3A_26 = arith.mulf %sub3A_22, %mul3A : vector<1024x128xf32>
    %mul3A_27 = vector.broadcast %get3A_7 : vector<1x128xf32> to vector<1024x128xf32>
    %mul3A_28 = arith.mulf %mul3A_26, %mul3A_27 : vector<1024x128xf32>
    %add3A_29 = vector.broadcast %get3A_10 : vector<1x128xf32> to vector<1024x128xf32>
    %add3A_30 = arith.addf %mul3A_28, %add3A_29 : vector<1024x128xf32>
    %max3A = arith.constant 0.000000e+00 : f32
    %max3A_31 = vector.broadcast %max3A : f32 to vector<1024x128xf32>
    %max3A_32 = arith.maximumf %add3A_30, %max3A_31 : vector<1024x128xf32>
    %get3A_33 = arith.constant 0 : index
    %get3A_34 = arith.constant 0 : index
    %get3A_35 = vector.load %arg4[%get3A_33, %get3A_34] : memref<128x128xf32, #tpu.memory_space<vmem>>, vector<128x128xf32>
    %dot_general3A = arith.constant dense<0.000000e+00> : vector<1024x128xf32>
    %dot_general3A_36 = tpu.matmul %max3A_32, %get3A_35, %dot_general3A {dimension_numbers = #tpu.dot_dimension_numbers<[1], [0], [0], [1], [0, 0, 1, 1], [], []>, transpose_lhs_hint = false} : vector<1024x128xf32>, vector<128x128xf32>, vector<1024x128xf32> -> vector<1024x128xf32>
    %get3A_37 = arith.constant 0 : index
    %get3A_38 = arith.constant 0 : index
    %get3A_39 = vector.load %arg5[%get3A_37, %get3A_38] : memref<1x128xf32, #tpu.memory_space<vmem>>, vector<1x128xf32>
    %add3A_40 = vector.broadcast %get3A_39 : vector<1x128xf32> to vector<1024x128xf32>
    %add3A_41 = arith.addf %dot_general3A_36, %add3A_40 : vector<1024x128xf32>
    %iota3A = tpu.iota {dimensions = array<i32: 1>} : vector<1024x128xi32>
    %lt3A = arith.constant 40 : i32
    %lt3A_42 = vector.broadcast %lt3A : i32 to vector<1024x128xi32>
    %lt3A_43 = arith.cmpi slt, %iota3A, %lt3A_42 : vector<1024x128xi32>
    %jit3A = arith.constant -1.000000e+30 : f32
    %broadcast_in_dim3A_44 = vector.broadcast %jit3A : f32 to vector<1024x128xf32>
    %select_n3A = arith.select %lt3A_43, %add3A_41, %broadcast_in_dim3A_44 : vector<1024x128xi1>, vector<1024x128xf32>
    %reduce_max3A = arith.constant dense<0xFF800000> : vector<1024xf32>
    %reduce_max3A_45 = vector.multi_reduction <maximumf>, %select_n3A, %reduce_max3A [1] : vector<1024x128xf32> to vector<1024xf32>
    %broadcast_in_dim3A_46 = vector.shape_cast %reduce_max3A_45 : vector<1024xf32> to vector<1024x1xf32>
    %sub3A_47 = vector.broadcast %broadcast_in_dim3A_46 : vector<1024x1xf32> to vector<1024x128xf32>
    %sub3A_48 = arith.subf %select_n3A, %sub3A_47 : vector<1024x128xf32>
    %exp3A = math.exp %sub3A_48 : vector<1024x128xf32>
    %reduce_sum3A_49 = arith.constant dense<0.000000e+00> : vector<1024xf32>
    %reduce_sum3A_50 = vector.multi_reduction <add>, %exp3A, %reduce_sum3A_49 [1] : vector<1024x128xf32> to vector<1024xf32>
    %broadcast_in_dim3A_51 = vector.shape_cast %reduce_sum3A_50 : vector<1024xf32> to vector<1024x1xf32>
    %log3A = math.log %broadcast_in_dim3A_51 : vector<1024x1xf32>
    %sub3A_52 = vector.broadcast %broadcast_in_dim3A_46 : vector<1024x1xf32> to vector<1024x128xf32>
    %sub3A_53 = arith.subf %select_n3A, %sub3A_52 : vector<1024x128xf32>
    %sub3A_54 = vector.broadcast %log3A : vector<1024x1xf32> to vector<1024x128xf32>
    %sub3A_55 = arith.subf %sub3A_53, %sub3A_54 : vector<1024x128xf32>
    %swap3A = arith.constant 0 : index
    %swap3A_56 = arith.constant 0 : index
    %swap3A_57 = vector.load %arg6[%swap3A, %swap3A_56] : memref<1024x128xf32, #tpu.memory_space<vmem>>, vector<1024x128xf32>
    tpu.vector_store %arg6[%swap3A, %swap3A_56], %sub3A_55 {strides = array<i32>} : memref<1024x128xf32, #tpu.memory_space<vmem>>, vector<1024x128xf32>,
    return
  }
}

</mosaic_0001>

<sc_bundles>
// kernel: sc_edge_agg.3.cloned.1.call-start
scs
__scs_entry_jumppad:
0x0: {  	(pc) =	sbr.rel $0x88, $3  }
0x1: {  	(tag) =	ssettag $0x0;
	lr =	simm.s32 $0x1  }
0x2: {  	[smem:$0x3F96] =	sst lr;
	_ =	strace $0xD0000000  }
0x3: {  	_ = 	snop  }
0x4: {  	_ = 	snop  }
0x5: {  	_ = 	snop  }
0x6: {  	_ = 	snop  }
0x7: {  	_ = 	snop  }
__scs_overlays_trampoline_lowered:
0x8: {  	[smem:$0x3FA5] =	sst s0  }
0x9: {  	[smem:$0x3FA6] =	sst s1  }
0xa: {  	[smem:$0x3FA7] =	sst s2  }
0xb: {  	[smem:$0x3FA8] =	sst s3  }
0xc: {  	[smem:$0x3FA9] =	sst s4  }
0xd: {  	[smem:$0x3FAA] =	sst s5  }
0xe: {  	[smem:$0x3FAB] =	sst s6  }
0xf: {  	[smem:$0x3FAC] =	sst s7  }
0x10: {  	[smem:$0x3FAD] =	sst s8  }
0x11: {  	[smem:$0x3FAE] =	sst s9;
	s0 =	simm.s32 @!p0 $0x0  }
0x12: {  	s1 =	sld [smem:$0x3F94];
	s0 =	simm.s32 @p0 $0x1  }
0x13: {  	[smem:$0x3FAF] =	sst s0;
	s0 =	simm.s32 @!p1 $0x0  }
0x14: {  	s2 =	sld [smem:$0x3F93];
	s0 =	simm.s32 @p1 $0x1  }
0x15: {  	[smem:$0x3FB0] =	sst s0;
	s0 =	simm.s32 @!p2 $0x0  }
0x16: {  	s3 =	sld [smem:$0x3FDB];
	s0 =	simm.s32 @p2 $0x1  }
0x17: {  	s4 =	simm.s32 $0x1BF5;
	[smem:$0x3FB2] =	sst s0  }
0x18: {  	s0 =	sld [smem:$0x3F95];
	_ =	swait.ge [sflag:s4], $0x0  }
0x19: {  	s7 =	sld [smem:$0x3F96]  }
0x1a: {  	s8 =	sadd.s32 $0xFFFFE003, lr  }
0x1b: {  	s9 =	sadd.s32 $0xFFFFFEF7, lr;
	s5 =	simm.s32 $0xFFFFFFFF;
	p2 =	slt.u32 s8, $0xFFFFF086  }
0x1c: {  	p1 =	slt.u32 s9, $0xF7A;
	s5 =	simm.s32 @!p2 $0x0  }
0x1d: {  	s5 =	simm.s32 @p1 $0x1;
	p0 =	seq.s32 s7, s2  }
0x1e: {  	s7 =	smul.u32 @!p0 $0xF7A, s2;
	p2 =	seq.s32 @!p0 s5, $0x0  }
0x1f: {  	s9 =	smul.u32 $0xF7A, s1;
	s8 =	simm.s32 @!p0 $0x1BF5;
	p2 =	por !p2, p0  }
0x20: {  	[sflag:s8] =	ssyncset.s32 @!p0 $0xFFFFF086;
	s6 =	sadd.s32 @!p0 s3, s7;
	s7 =	simm.s32 @!p0 $0x108  }
0x21: {  	s3 =	sadd.s32 s3, s9;
	s6 =	sadd.s32 @!p0 $0x88, s6;
	s7 =	simm.s32 @p2 $0x1082  }
0x22: {  	[simem:s7], [sflag:s8] =	dma.local @!p0 [hbm:s6], $0xF7A  }
0x23: {  	s9 =	sor.u32 $0xD0000000, s2;
	s6 =	simm.s32 $0x108;
	_ =	swait.ge @!p0 [sflag:s8], $0x0  }
0x24: {  	s3 =	sadd.s32 $0x88, s3;
	s6 =	simm.s32 @!p1 $0x1082;
	[sflag:s4] =	ssyncset.s32 $0xFFFFF086  }
0x25: {  	[simem:s6], [sflag:s4] =	dma.local [hbm:s3], $0xF7A  }
0x26: {  	[smem:$0x3F96] =	sst s1;
	(tag) =	ssettag s2;
	_ =	strace s9  }
0x27: {  	s1 =	sld [smem:$0x3FA6]  }
0x28: {  	s2 =	sld [smem:$0x3FA7]  }
0x29: {  	s4 =	sld [smem:$0x3FA9]  }
0x2a: {  	p0 =	seq.s32 s5, $0x0;
	s5 =	sld [smem:$0x3FAA]  }
0x2b: {  	s6 =	sld [smem:$0x3FAB]  }
0x2c: {  	s7 =	sld [smem:$0x3FAC]  }
0x2d: {  	s3 =	simm.s32 $0x108;
	s8 =	sld [smem:$0x3FAD]  }
0x2e: {  	s3 =	simm.s32 @!p0 $0x1082;
	s9 =	sld [smem:$0x3FAE]  }
0x2f: {  	lr =	sadd.s32 s0, s3;
	s0 =	sld [smem:$0x3FA5]  }
0x30: {  	s3 =	sld [smem:$0x3FA8]  }
0x31: {  	[smem:$0x3FB1] =	sst s10  }
0x32: {  	s10 =	sld [smem:$0x3FAF];
	_ =	sdelay $0x3  }
0x33: {  	p0 =	seq.s32 s10, $0x1;
	s10 =	sld [smem:$0x3FB1];
	_ =	sdelay $0x3  }
0x34: {  	[smem:$0x3FB1] =	sst s10  }
0x35: {  	s10 =	sld [smem:$0x3FB0];
	_ =	sdelay $0x3  }
0x36: {  	p1 =	seq.s32 s10, $0x1;
	s10 =	sld [smem:$0x3FB1];
	_ =	sdelay $0x3  }
0x37: {  	[smem:$0x3FB1] =	sst s10  }
0x38: {  	s10 =	sld [smem:$0x3FB2]  }
0x39: {  	_ = 	snop;
	(pc) =	sbr.ind lr, $3  }
0x3a: {  	_ = 	snop  }
0x3b: {  	_ = 	snop  }
0x3c: {  	p2 =	seq.s32 s10, $0x1;
	s10 =	sld [smem:$0x3FB1]  }
0x3d: {  	_ =	shalt  }
0x3e: {  	_ =	shalt  }
0x3f: {  	_ =	shalt  }
0x40: {  	_ =	shalt  }
0x41: {  	_ =	shalt  }
0x42: {  	_ =	shalt  }
0x43: {  	_ =	shalt  }
0x44: {  	_ =	shalt  }
0x45: {  	_ =	shalt  }
0x46: {  	_ =	shalt  }
0x47: {  	_ =	shalt  }
0x48: {  	_ =	shalt  }
0x49: {  	_ =	shalt  }
0x4a: {  	_ =	shalt  }
0x4b: {  	_ =	shalt  }
0x4c: {  	_ =	shalt  }
0x4d: {  	_ =	shalt  }
0x4e: {  	_ =	shalt  }
0x4f: {  	_ =	shalt  }
0x50: {  	_ =	shalt  }
0x51: {  	_ =	shalt  }
0x52: {  	_ =	shalt  }
0x53: {  	_ =	shalt  }
0x54: {  	_ =	shalt  }
0x55: {  	_ =	shalt  }
0x56: {  	_ =	shalt  }
0x57: {  	_ =	shalt  }
0x58: {  	_ =	shalt  }
0x59: {  	_ =	shalt  }
0x5a: {  	_ =	shalt  }
0x5b: {  	_ =	shalt  }
0x5c: {  	_ =	shalt  }
0x5d: {  	_ =	shalt  }
0x5e: {  	_ =	shalt  }
0x5f: {  	_ =	shalt  }
0x60: {  	_ =	shalt  }
0x61: {  	_ =	shalt  }
0x62: {  	_ =	shalt  }
0x63: {  	_ =	shalt  }
0x64: {  	_ =	shalt  }
0x65: {  	_ =	shalt  }
0x66: {  	_ =	shalt  }
0x67: {  	_ =	shalt  }
0x68: {  	_ =	shalt  }
0x69: {  	_ =	shalt  }
0x6a: {  	_ =	shalt  }
0x6b: {  	_ =	shalt  }
0x6c: {  	_ =	shalt  }
0x6d: {  	_ =	shalt  }
0x6e: {  	_ =	shalt  }
0x6f: {  	_ =	shalt  }
0x70: {  	_ =	shalt  }
0x71: {  	_ =	shalt  }
0x72: {  	_ =	shalt  }
0x73: {  	_ =	shalt  }
0x74: {  	_ =	shalt  }
0x75: {  	_ =	shalt  }
0x76: {  	_ =	shalt  }
0x77: {  	_ =	shalt  }
0x78: {  	_ =	shalt  }
0x79: {  	_ =	shalt  }
0x7a: {  	_ =	shalt  }
0x7b: {  	_ =	shalt  }
0x7c: {  	_ =	shalt  }
0x7d: {  	_ =	shalt  }
0x7e: {  	_ =	shalt  }
0x7f: {  	_ =	shalt  }
0x80: {  	_ =	shalt  }
0x81: {  	_ =	shalt  }
0x82: {  	_ =	shalt  }
0x83: {  	_ =	shalt  }
0x84: {  	_ =	shalt  }
0x85: {  	_ =	shalt  }
0x86: {  	_ =	shalt  }
0x87: {  	_ =	shalt  }
.Lfunc_end0:
.L_simem_size_0:
called_computation_lowered:
.L_overlay_start_0:
0x88: {  	s2 =	sld [smem:$0x3FD9]  }
0x89: {  	s3 =	sld [smem:$0x3FFE];
	_ =	sdelay $0x1  }
0x8a: {  	s1 =	srdreg.scid  }
0x8b: {  	s0 =	sand.u32 $0x1, s1  }
0x8c: {  	s16 =	sshll.u32 s0, $0xA;
	s2 =	sadd.s32 s3, s2  }
0x8d: {  	s2 =	sadd.s32 s2, s16  }
0x8e: {  	[smem:$0x3FBD] =	sst s2  }
0x8f: {  	_ = 	snop  }
0x90: {  	(tm) =	ssettm $0x1  }
0x91: {  	s17 =	sld [smem:$0x3FFB];
	_ =	sdelay $0x3  }
0x92: {  	_ =	strace s17  }
0x93: {  	s2 =	sld [smem:$0x3FFC];
	_ =	sdelay $0x3  }
0x94: {  	_ =	strace s2  }
0x95: {  	s2 =	sld [smem:$0x3FFD];
	_ =	sdelay $0x3  }
0x96: {  	_ =	strace s2  }
0x97: {  	_ =	strace $0x8FFFFFFF  }
0x98: {  	s18 =	sld [smem:$0x3FDB];
	_ =	sdelay $0x1  }
0x99: {  	s19 =	simm.s32 $_scs_section_size  }
0x9a: {  	s4 =	simm.s32 $_size__tile_overlayer_lowered;
	s5 =	simm.s32 $_tile_overlayer_lowered  }
0x9b: {  	s22 =	simm.s32 $0x1BFF;
	s21 =	sshll.u32 s5, $0x1;
	s2 =	sadd.s32 s19, s18  }
0x9c: {  	s6 =	simm.s32 $0x0;
	s20 =	sshll.u32 s4, $0x1;
	s4 =	sadd.s32 s21, s2  }
0x9d: {  	[timem:s6], [sflag:s22] =	dma.local [hbm:s4], s20  }
0x9e: {  	_ =	swait.ge [sflag:s22], s20  }
0x9f: {  	s3 =	ssub.s32 $0x0, s20;
	[sflag:s22] =	ssyncset.done $0x0  }
0xa0: {  	[sflag:s22] =	ssyncadd.s32 s3;
	_ =	sdelay $0x1  }
0xa1: {  	s23 =	simm.s32 $0x1B8B  }
0xa2: {  	_ =	swait.ge [sflag:s23], $0x1  }
0xa3: {  	[sflag:s23] =	ssyncset.done $0x0  }
0xa4: {  	s25 =	simm.s32 $0x1B8E;
	s24 =	sld [smem:$0x3FFE];
	[sflag:s23] =	ssyncadd.s32 $0xFFFFFFFF  }
0xa5: {  	s26 =	simm.s32 $execute0_lowered;
	[smem:$0x3FD2] =	sst s25  }
0xa6: {  	s4 =	sshll.u32 s26, $0x1;
	_ =	strace $0x80000046;
	[dreg:$0x1] =	wrdreg $0xFFFFFFFF  }
0xa7: {  	s28 =	simm.s32 $_size_execute0_lowered;
	s2 =	sadd.s32 s2, s4;
	[dreg:$0x0] =	wrdreg $0x0  }
0xa8: {  	s4 =	sshll.u32 s28, $0x1;
	[dreg:$0x2] =	wrdreg s2  }
0xa9: {  	[dreg:$0x3] =	wrdreg s4  }
0xaa: {  	[dreg:$0x4] =	wrdreg $0xC0  }
0xab: {  	_ =	task [dreg:s6], $0x5FFFF  }
0xac: {  	[dreg:$0x1] =	wrdreg $0xFFFFFFFF  }
0xad: {  	[dreg:$0x0] =	wrdreg $0x60  }
0xae: {  	[dreg:$0x2] =	wrdreg s24  }
0xaf: {  	[dreg:$0x3] =	wrdreg $0xAC000  }
0xb0: {  	[dreg:$0x4] =	wrdreg $0x9  }
0xb1: {  	_ =	task.clear_ibuf [dreg:s6], $0x5FFFF;
	_ =	strace $0x90000046  }
0xb2: {  	s29 =	simm.s32 $0x9;
	_ =	strace $0x80000048  }
0xb3: {  	_ =	swait.ge [sflag:s29], $0x1  }
0xb4: {  	[sflag:s29] =	ssyncadd.s32 $0xFFFFFFFF  }
0xb5: {  	_ =	strace $0x90000048  }
0xb6: {  	_ =	sfence  }
0xb7: {  	s30 =	sld [smem:$0x0];
	_ =	sdelay $0x2  }
0xb8: {  	s31 =	sshll.u32 s1, $0xD;
	s1 =	sshrl.u32 s1, $0x2  }
0xb9: {  	s3 =	sand.u32 $0x4000, s31;
	s1 =	sadd.s32 s1, s30  }
0xba: {  	s0 =	sor.u32 s3, s0;
	s1 =	sshll.u32 s1, $0x11  }
0xbb: {  	s0 =	sor.u32 s1, s0  }
0xbc: {  	s0 =	sadd.s32 $0x8F2B, s0  }
0xbd: {  	[sflag:s0] =	ssyncadd.remote.s32 $0x1  }
0xbe: {  	_ =	sfence.sel $0xFFFF  }
0xbf: {  	[dreg:$0x0] =	wrdreg $0xFFFFFFFF;
	(pc) =	sbr.abs _section_cstart, $3  }
0xc0: {  	[dreg:$0x1] =	wrdreg $0xFFFFFFFF  }
0xc1: {  	_ =	task.clear_ibuf [dreg:s6], $0x2FFFF;
	_ =	strace $0x9FFFFFFF  }
0xc2: {  	(tm) =	ssettm $0x7FFFFFFF  }
0xc3: {  	_ =	shalt  }
tec
execute0_lowered:
.L_overlay_start_1:
0x0: {  	(tag) =	ssettag $0x1  }
0x1: {  	s0 =	srdreg.scid;
	s1 =	rddreg [dreg:$0x0]  }
0x2: {  	s11 =	stileid.u32;
	s2 =	rddreg [dreg:$0x1]  }
0x3: {  	s12 =	simm.s32 $0x40;
	s13 =	simm.s32 $0x2800;
	s14 =	simm.s32 $0x2C00  }
0x4: {  	s15 =	simm.s32 $0x2880;
	s16 =	simm.s32 $0x4C00;
	s17 =	simm.s32 $0x2900  }
0x5: {  	s18 =	simm.s32 $0x6C00;
	s19 =	simm.s32 $0x2980;
	s20 =	simm.s32 $0x8C00  }
0x6: {  	s21 =	simm.s32 $0x1;
	s22 =	simm.s32 $0x2A00;
	s23 =	simm.s32 $0x2  }
0x7: {  	s24 =	simm.s32 $0x2A80;
	s28 =	simm.s32 $0x4;
	s29 =	simm.s32 $0x2B80  }
0x8: {  	s30 =	simm.s32 $0x0;
	s0 =	sand.u32 $0x1, s0;
	s6 =	smul.u32 $0x2800, s11  }
0x9: {  	s9 =	smul.u32 $0x50000, s11;
	s31 =	sshll.u32 s11, $0x6;
	s3 =	sshll.u32 s0, $0x4  }
0xa: {  	s7 =	smul.u32 $0x28000, s0;
	s0 =	ssub.s32 $0x2, s0;
	s4 =	sor.u32 s11, s3  }
0xb: {  	s3 =	simm.s32 $0x0;
	s25 =	sshrl.u32 s0, $0x1;
	s26 =	sshrl.u32 s9, $0x2  }
0xc: {  	s11 =	simm.s32 $0x5;
	s5 =	smul.u32 $0x500, s4;
	[smem:$0x7FF] =	sst s3  }
0xd: {  	s4 =	sadd.s32 $0xBC00, s1;
	s6 =	sadd.s32 s6, s7;
	s0 =	ssub.s32 s0, s25  }
0xe: {  	s10 =	sadd.s32 s26, s2;
	s25 =	simm.s32 $0x3;
	s26 =	simm.s32 $0x2B00  }
0xf: {  	_ =	strace $0x80000047;
	s9 =	smax.u32 s0, $0x1;
	s10 =	sshrl.u32 s10, $0x3  }
0x10: {  	s8 =	sadd.s32 s5, s1;
	s5 =	sadd.s32 $0x33C00, s1;
	s1 =	sadd.s32 s6, s1  }
0x11: {  	s6 =	sor.u32 $0x1C05, s31;
	s7 =	sadd.s32 $0x1C00, s8;
	s8 =	sadd.s32 $0x36600, s1  }
.LBB2_1:
0x12: {  	[spmem:s10], [sflag:s6] =	dma.local [hbm:s5], $0x2800  }
0x13: {  	_ =	swait.ge [sflag:s11], $0x2800  }
0x14: {  	[sflag:s11] =	ssyncset.done $0x0  }
0x15: {  	[sflag:s11] =	ssyncadd.s32 $0xFFFFD800  }
0x16: {  	[tilespmem:s3], [sflag:$0x5] =	stream.linear.gather [hbm4b:s7+s3], $0x2800, $0x38;
	[tilespmem:$0x1EC00] =	vst v63  }
0x17: {  	_ =	swait.ge [sflag:s11], $0x2800  }
0x18: {  	[sflag:s11] =	ssyncset.done $0x0  }
0x19: {  	[sflag:s11] =	ssyncadd.s32 $0xFFFFD800  }
0x1a: {  	[bflag:$0x0] =	sbarrier.arrive $0xFFFF  }
0x1b: {  	v0 =	vld [tilespmem:$0x0];
	_ =	sdelay $0x1  }
0x1c: {  	v1 =	vld [tilespmem:$0x10];
	_ =	sdelay $0x1  }
0x1d: {  	v2 =	vld [tilespmem:$0x20]  }
0x1e: {  	v3 =	vand.u32 $0xFFFF, v0  }
0x1f: {  	v6 =	vld [tilespmem:$0x30];
	v0 =	vshrl.u32 v0, $0x10;
	[tilespmem:$0x2800] =	vst v3  }
0x20: {  	v7 =	vand.u32 $0xFFFF, v1;
	[tilespmem:$0x2A00] =	vst v0  }
0x21: {  	v8 =	vshrl.u32 v1, $0x10;
	[tilespmem:$0x2810] =	vst v7  }
0x22: {  	v9 =	vand.u32 $0xFFFF, v2;
	[tilespmem:$0x2A10] =	vst v8  }
0x23: {  	v10 =	vshrl.u32 v2, $0x10;
	[tilespmem:$0x2820] =	vst v9  }
0x24: {  	v11 =	vand.u32 $0xFFFF, v6;
	[tilespmem:$0x2A20] =	vst v10  }
0x25: {  	v12 =	vshrl.u32 v6, $0x10;
	[tilespmem:$0x2830] =	vst v11  }
0x26: {  	[tilespmem:$0x2A30] =	vst v12  }
0x27: {  	[tilespmem:s14], [sflag:$0x1] =	stream.indirect.gather [hbm4b:s4+s12], $0x80, s13, s12, $0xb8;
	[tilespmem:$0x1EC00] =	vst v63  }
0x28: {  	v13 =	vld [tilespmem:$0x40];
	_ =	sdelay $0x1  }
0x29: {  	v14 =	vld [tilespmem:$0x50];
	_ =	sdelay $0x1  }
0x2a: {  	v15 =	vld [tilespmem:$0x60]  }
0x2b: {  	v16 =	vand.u32 $0xFFFF, v13  }
0x2c: {  	v17 =	vld [tilespmem:$0x70];
	v0 =	vshrl.u32 v13, $0x10;
	[tilespmem:$0x2880] =	vst v16  }
0x2d: {  	v18 =	vand.u32 $0xFFFF, v14;
	[tilespmem:$0x2A80] =	vst v0  }
0x2e: {  	v19 =	vshrl.u32 v14, $0x10;
	[tilespmem:$0x2890] =	vst v18  }
0x2f: {  	v20 =	vand.u32 $0xFFFF, v15;
	[tilespmem:$0x2A90] =	vst v19  }
0x30: {  	v21 =	vshrl.u32 v15, $0x10;
	[tilespmem:$0x28A0] =	vst v20  }
0x31: {  	v22 =	vand.u32 $0xFFFF, v17;
	[tilespmem:$0x2AA0] =	vst v21  }
0x32: {  	v23 =	vshrl.u32 v17, $0x10;
	[tilespmem:$0x28B0] =	vst v22  }
0x33: {  	[tilespmem:$0x2AB0] =	vst v23  }
0x34: {  	[tilespmem:s16], [sflag:$0x2] =	stream.indirect.gather [hbm4b:s4+s12], $0x80, s15, s12, $0xb8;
	[tilespmem:$0x1EC00] =	vst v63  }
0x35: {  	v24 =	vld [tilespmem:$0x80];
	_ =	sdelay $0x1  }
0x36: {  	v25 =	vld [tilespmem:$0x90];
	_ =	sdelay $0x1  }
0x37: {  	v26 =	vld [tilespmem:$0xA0]  }
0x38: {  	v27 =	vand.u32 $0xFFFF, v24  }
0x39: {  	v28 =	vld [tilespmem:$0xB0];
	v0 =	vshrl.u32 v24, $0x10;
	[tilespmem:$0x2900] =	vst v27  }
0x3a: {  	v29 =	vand.u32 $0xFFFF, v25;
	[tilespmem:$0x2B00] =	vst v0  }
0x3b: {  	v30 =	vshrl.u32 v25, $0x10;
	[tilespmem:$0x2910] =	vst v29  }
0x3c: {  	v31 =	vand.u32 $0xFFFF, v26;
	[tilespmem:$0x2B10] =	vst v30  }
0x3d: {  	v32 =	vshrl.u32 v26, $0x10;
	[tilespmem:$0x2920] =	vst v31  }
0x3e: {  	v33 =	vand.u32 $0xFFFF, v28;
	[tilespmem:$0x2B20] =	vst v32  }
0x3f: {  	v34 =	vshrl.u32 v28, $0x10;
	[tilespmem:$0x2930] =	vst v33  }
0x40: {  	[tilespmem:$0x2B30] =	vst v34  }
0x41: {  	[tilespmem:s18], [sflag:$0x3] =	stream.indirect.gather [hbm4b:s4+s12], $0x80, s17, s12, $0xb8;
	[tilespmem:$0x1EC00] =	vst v63  }
0x42: {  	v35 =	vld [tilespmem:$0xC0];
	_ =	sdelay $0x1  }
0x43: {  	v36 =	vld [tilespmem:$0xD0];
	_ =	sdelay $0x1  }
0x44: {  	v37 =	vld [tilespmem:$0xE0]  }
0x45: {  	v38 =	vand.u32 $0xFFFF, v35  }
0x46: {  	v39 =	vld [tilespmem:$0xF0];
	v0 =	vshrl.u32 v35, $0x10;
	[tilespmem:$0x2980] =	vst v38  }
0x47: {  	v40 =	vand.u32 $0xFFFF, v36;
	[tilespmem:$0x2B80] =	vst v0  }
0x48: {  	v41 =	vshrl.u32 v36, $0x10;
	[tilespmem:$0x2990] =	vst v40  }
0x49: {  	v42 =	vand.u32 $0xFFFF, v37;
	[tilespmem:$0x2B90] =	vst v41  }
0x4a: {  	v43 =	vshrl.u32 v37, $0x10;
	[tilespmem:$0x29A0] =	vst v42  }
0x4b: {  	v44 =	vand.u32 $0xFFFF, v39;
	[tilespmem:$0x2BA0] =	vst v43  }
0x4c: {  	v45 =	vshrl.u32 v39, $0x10;
	[tilespmem:$0x29B0] =	vst v44  }
0x4d: {  	[tilespmem:$0x2BB0] =	vst v45  }
0x4e: {  	[tilespmem:s20], [sflag:$0x4] =	stream.indirect.gather [hbm4b:s4+s12], $0x80, s19, s12, $0xb8;
	[tilespmem:$0x1EC00] =	vst v63  }
0x4f: {  	_ =	swait.ge [sflag:s21], $0x2000  }
0x50: {  	[sflag:s21] =	ssyncset.done $0x0  }
0x51: {  	[sflag:s21] =	ssyncadd.s32 $0xFFFFE000  }
0x52: {  	[spmem:s2] =	stream.indirect.scatter.add.f32 [tilespmem:s14], [sflag:$0x1], $0x80, s22, s12, $0xb8;
	[tilespmem:$0x1EC00] =	vst v63  }
0x53: {  	_ =	swait.ge [sflag:s23], $0x2000  }
0x54: {  	[sflag:s23] =	ssyncset.done $0x0  }
0x55: {  	[sflag:s23] =	ssyncadd.s32 $0xFFFFE000  }
0x56: {  	[spmem:s2] =	stream.indirect.scatter.add.f32 [tilespmem:s16], [sflag:$0x2], $0x80, s24, s12, $0xb8;
	[tilespmem:$0x1EC00] =	vst v63  }
0x57: {  	_ =	swait.ge [sflag:s25], $0x2000  }
0x58: {  	[sflag:s25] =	ssyncset.done $0x0  }
0x59: {  	[sflag:s25] =	ssyncadd.s32 $0xFFFFE000  }
0x5a: {  	[spmem:s2] =	stream.indirect.scatter.add.f32 [tilespmem:s18], [sflag:$0x3], $0x80, s26, s12, $0xb8;
	[tilespmem:$0x1EC00] =	vst v63  }
0x5b: {  	_ =	swait.ge [sflag:s28], $0x2000  }
0x5c: {  	[sflag:s28] =	ssyncset.done $0x0  }
0x5d: {  	[sflag:s28] =	ssyncadd.s32 $0xFFFFE000  }
0x5e: {  	[spmem:s2] =	stream.indirect.scatter.add.f32 [tilespmem:s20], [sflag:$0x4], $0x80, s29, s12, $0xb8;
	[tilespmem:$0x1EC00] =	vst v63  }
0x5f: {  	_ =	swait.ge [sflag:s21], $0x2000  }
0x60: {  	[sflag:s21] =	ssyncset.done $0x0  }
0x61: {  	s31 =	simm.s32 $0x1F0;
	[sflag:s21] =	ssyncadd.s32 $0xFFFFE000  }
0x62: {  	v46 =	vld [tilespmem:s31+$0xFFFFFF10];
	_ =	sdelay $0x4  }
0x63: {  	v47 =	vand.u32 $0xFFFF, v46  }
0x64: {  	v0 =	vshrl.u32 v46, $0x10;
	[tilespmem:$0x2800] =	vst v47  }
0x65: {  	[tilespmem:$0x2A00] =	vst v0  }
0x66: {  	v0 =	vld [tilespmem:s31+$0xFFFFFF20];
	_ =	sdelay $0x4  }
0x67: {  	v48 =	vand.u32 $0xFFFF, v0  }
0x68: {  	v0 =	vshrl.u32 v0, $0x10;
	[tilespmem:$0x2810] =	vst v48  }
0x69: {  	[tilespmem:$0x2A10] =	vst v0  }
0x6a: {  	v0 =	vld [tilespmem:s31+$0xFFFFFF30];
	_ =	sdelay $0x4  }
0x6b: {  	v49 =	vand.u32 $0xFFFF, v0  }
0x6c: {  	v0 =	vshrl.u32 v0, $0x10;
	[tilespmem:$0x2820] =	vst v49  }
0x6d: {  	[tilespmem:$0x2A20] =	vst v0  }
0x6e: {  	v0 =	vld [tilespmem:s31+$0xFFFFFF40];
	_ =	sdelay $0x4  }
0x6f: {  	v50 =	vand.u32 $0xFFFF, v0  }
0x70: {  	v0 =	vshrl.u32 v0, $0x10;
	[tilespmem:$0x2830] =	vst v50  }
0x71: {  	[tilespmem:$0x2A30] =	vst v0  }
0x72: {  	[tilespmem:s14], [sflag:$0x1] =	stream.indirect.gather [hbm4b:s4+s12], $0x80, s13, s12, $0xb8;
	[tilespmem:$0x1EC00] =	vst v63  }
0x73: {  	_ =	swait.ge [sflag:s23], $0x2000  }
0x74: {  	[sflag:s23] =	ssyncset.done $0x0  }
0x75: {  	[sflag:s23] =	ssyncadd.s32 $0xFFFFE000  }
0x76: {  	v51 =	vld [tilespmem:s31+$0xFFFFFF50];
	_ =	sdelay $0x4  }
0x77: {  	v52 =	vand.u32 $0xFFFF, v51  }
0x78: {  	v0 =	vshrl.u32 v51, $0x10;
	[tilespmem:$0x2880] =	vst v52  }
0x79: {  	[tilespmem:$0x2A80] =	vst v0  }
0x7a: {  	v0 =	vld [tilespmem:s31+$0xFFFFFF60];
	_ =	sdelay $0x4  }
0x7b: {  	v53 =	vand.u32 $0xFFFF, v0  }
0x7c: {  	v0 =	vshrl.u32 v0, $0x10;
	[tilespmem:$0x2890] =	vst v53  }
0x7d: {  	[tilespmem:$0x2A90] =	vst v0  }
0x7e: {  	v0 =	vld [tilespmem:s31+$0xFFFFFF70];
	_ =	sdelay $0x4  }
0x7f: {  	v54 =	vand.u32 $0xFFFF, v0  }
0x80: {  	v0 =	vshrl.u32 v0, $0x10;
	[tilespmem:$0x28A0] =	vst v54  }
0x81: {  	[tilespmem:$0x2AA0] =	vst v0  }
0x82: {  	v0 =	vld [tilespmem:s31+$0xFFFFFF80];
	_ =	sdelay $0x4  }
0x83: {  	v55 =	vand.u32 $0xFFFF, v0  }
0x84: {  	v0 =	vshrl.u32 v0, $0x10;
	[tilespmem:$0x28B0] =	vst v55  }
0x85: {  	[tilespmem:$0x2AB0] =	vst v0  }
0x86: {  	[tilespmem:s16], [sflag:$0x2] =	stream.indirect.gather [hbm4b:s4+s12], $0x80, s15, s12, $0xb8;
	[tilespmem:$0x1EC00] =	vst v63  }
0x87: {  	_ =	swait.ge [sflag:s25], $0x2000  }
0x88: {  	[sflag:s25] =	ssyncset.done $0x0  }
0x89: {  	[sflag:s25] =	ssyncadd.s32 $0xFFFFE000  }
0x8a: {  	v56 =	vld [tilespmem:s31+$0xFFFFFF90];
	_ =	sdelay $0x4  }
0x8b: {  	v57 =	vand.u32 $0xFFFF, v56  }
0x8c: {  	v0 =	vshrl.u32 v56, $0x10;
	[tilespmem:$0x2900] =	vst v57  }
0x8d: {  	[tilespmem:$0x2B00] =	vst v0  }
0x8e: {  	v0 =	vld [tilespmem:s31+$0xFFFFFFA0];
	_ =	sdelay $0x4  }
0x8f: {  	v58 =	vand.u32 $0xFFFF, v0  }
0x90: {  	v0 =	vshrl.u32 v0, $0x10;
	[tilespmem:$0x2910] =	vst v58  }
0x91: {  	[tilespmem:$0x2B10] =	vst v0  }
0x92: {  	v0 =	vld [tilespmem:s31+$0xFFFFFFB0];
	_ =	sdelay $0x4  }
0x93: {  	v59 =	vand.u32 $0xFFFF, v0  }
0x94: {  	v0 =	vshrl.u32 v0, $0x10;
	[tilespmem:$0x2920] =	vst v59  }
0x95: {  	[tilespmem:$0x2B20] =	vst v0  }
0x96: {  	v0 =	vld [tilespmem:s31+$0xFFFFFFC0];
	_ =	sdelay $0x4  }
0x97: {  	v60 =	vand.u32 $0xFFFF, v0  }
0x98: {  	v0 =	vshrl.u32 v0, $0x10;
	[tilespmem:$0x2930] =	vst v60  }
0x99: {  	[tilespmem:$0x2B30] =	vst v0  }
0x9a: {  	[tilespmem:s18], [sflag:$0x3] =	stream.indirect.gather [hbm4b:s4+s12], $0x80, s17, s12, $0xb8;
	[tilespmem:$0x1EC00] =	vst v63  }
0x9b: {  	_ =	swait.ge [sflag:s28], $0x2000  }
0x9c: {  	[sflag:s28] =	ssyncset.done $0x0  }
0x9d: {  	[sflag:s28] =	ssyncadd.s32 $0xFFFFE000  }
0x9e: {  	v61 =	vld [tilespmem:s31+$0xFFFFFFD0];
	_ =	sdelay $0x4  }
0x9f: {  	v62 =	vand.u32 $0xFFFF, v61  }
0xa0: {  	v0 =	vshrl.u32 v61, $0x10;
	[tilespmem:$0x2980] =	vst v62  }
0xa1: {  	[tilespmem:$0x2B80] =	vst v0  }
0xa2: {  	v0 =	vld [tilespmem:s31+$0xFFFFFFE0];
	_ =	sdelay $0x4  }
0xa3: {  	v63 =	vand.u32 $0xFFFF, v0  }
0xa4: {  	v0 =	vshrl.u32 v0, $0x10;
	[tilespmem:$0x2990] =	vst v63  }
0xa5: {  	s1 =	simm.s32 $0xBC0;
	[tilespmem:$0x2B90] =	vst v0  }
.LBB2_2:
0xa6: {  	p0 =	sne.s32 s1, $0x9FC0;
	v0 =	vld [tilespmem:s31+$0xFFFFFFF0];
	s0 =	smov.u32 s1;
	s1 =	sadd.s32 $0x400, s1  }
0xa7: {  	_ =	sdelay $0x3  }
0xa8: {  	v1 =	vand.u32 $0xFFFF, v0;
	v0 =	vshrl.u32 v0, $0x10  }
0xa9: {  	[tilespmem:$0x29A0] =	vst v1  }
0xaa: {  	[tilespmem:$0x2BA0] =	vst v0  }
0xab: {  	v0 =	vld [tilespmem:s31+$0x0];
	_ =	sdelay $0x4  }
0xac: {  	v1 =	vand.u32 $0xFFFF, v0;
	v0 =	vshrl.u32 v0, $0x10  }
0xad: {  	[tilespmem:$0x29B0] =	vst v1  }
0xae: {  	[tilespmem:$0x2BB0] =	vst v0  }
0xaf: {  	[tilespmem:s20], [sflag:$0x4] =	stream.indirect.gather [hbm4b:s4+s12], $0x80, s19, s12, $0xb8;
	[tilespmem:$0x1EC00] =	vst v63  }
0xb0: {  	_ =	swait.ge [sflag:s21], $0x2000  }
0xb1: {  	[sflag:s21] =	ssyncset.done $0x0  }
0xb2: {  	[sflag:s21] =	ssyncadd.s32 $0xFFFFE000  }
0xb3: {  	[spmem:s2] =	stream.indirect.scatter.add.f32 [tilespmem:s14], [sflag:$0x1], $0x80, s22, s12, $0xb8;
	[tilespmem:$0x1EC00] =	vst v63  }
0xb4: {  	_ =	swait.ge [sflag:s23], $0x2000  }
0xb5: {  	[sflag:s23] =	ssyncset.done $0x0  }
0xb6: {  	[sflag:s23] =	ssyncadd.s32 $0xFFFFE000  }
0xb7: {  	[spmem:s2] =	stream.indirect.scatter.add.f32 [tilespmem:s16], [sflag:$0x2], $0x80, s24, s12, $0xb8;
	[tilespmem:$0x1EC00] =	vst v63  }
0xb8: {  	_ =	swait.ge [sflag:s25], $0x2000  }
0xb9: {  	[sflag:s25] =	ssyncset.done $0x0  }
0xba: {  	[sflag:s25] =	ssyncadd.s32 $0xFFFFE000  }
0xbb: {  	[spmem:s2] =	stream.indirect.scatter.add.f32 [tilespmem:s18], [sflag:$0x3], $0x80, s26, s12, $0xb8;
	[tilespmem:$0x1EC00] =	vst v63  }
0xbc: {  	_ =	swait.ge [sflag:s28], $0x2000  }
0xbd: {  	[sflag:s28] =	ssyncset.done $0x0  }
0xbe: {  	[sflag:s28] =	ssyncadd.s32 $0xFFFFE000  }
0xbf: {  	[spmem:s2] =	stream.indirect.scatter.add.f32 [tilespmem:s20], [sflag:$0x4], $0x80, s29, s12, $0xb8;
	[tilespmem:$0x1EC00] =	vst v63  }
0xc0: {  	_ =	swait.ge [sflag:s21], $0x2000  }
0xc1: {  	[sflag:s21] =	ssyncset.done $0x0  }
0xc2: {  	s31 =	sshra.s32 s0, $0x2;
	[sflag:s21] =	ssyncadd.s32 $0xFFFFE000  }
0xc3: {  	v0 =	vld [tilespmem:s31+$0xFFFFFF10];
	_ =	sdelay $0x4  }
0xc4: {  	v1 =	vand.u32 $0xFFFF, v0;
	v0 =	vshrl.u32 v0, $0x10  }
0xc5: {  	[tilespmem:$0x2800] =	vst v1  }
0xc6: {  	[tilespmem:$0x2A00] =	vst v0  }
0xc7: {  	v0 =	vld [tilespmem:s31+$0xFFFFFF20];
	_ =	sdelay $0x4  }
0xc8: {  	v1 =	vand.u32 $0xFFFF, v0;
	v0 =	vshrl.u32 v0, $0x10  }
0xc9: {  	[tilespmem:$0x2810] =	vst v1  }
0xca: {  	[tilespmem:$0x2A10] =	vst v0  }
0xcb: {  	v0 =	vld [tilespmem:s31+$0xFFFFFF30];
	_ =	sdelay $0x4  }
0xcc: {  	v1 =	vand.u32 $0xFFFF, v0;
	v0 =	vshrl.u32 v0, $0x10  }
0xcd: {  	[tilespmem:$0x2820] =	vst v1  }
0xce: {  	[tilespmem:$0x2A20] =	vst v0  }
0xcf: {  	v0 =	vld [tilespmem:s31+$0xFFFFFF40];
	_ =	sdelay $0x4  }
0xd0: {  	v1 =	vand.u32 $0xFFFF, v0;
	v0 =	vshrl.u32 v0, $0x10  }
0xd1: {  	[tilespmem:$0x2830] =	vst v1  }
0xd2: {  	[tilespmem:$0x2A30] =	vst v0  }
0xd3: {  	[tilespmem:s14], [sflag:$0x1] =	stream.indirect.gather [hbm4b:s4+s12], $0x80, s13, s12, $0xb8;
	[tilespmem:$0x1EC00] =	vst v63  }
0xd4: {  	_ =	swait.ge [sflag:s23], $0x2000  }
0xd5: {  	[sflag:s23] =	ssyncset.done $0x0  }
0xd6: {  	[sflag:s23] =	ssyncadd.s32 $0xFFFFE000  }
0xd7: {  	v0 =	vld [tilespmem:s31+$0xFFFFFF50];
	_ =	sdelay $0x4  }
0xd8: {  	v1 =	vand.u32 $0xFFFF, v0;
	v0 =	vshrl.u32 v0, $0x10  }
0xd9: {  	[tilespmem:$0x2880] =	vst v1  }
0xda: {  	[tilespmem:$0x2A80] =	vst v0  }
0xdb: {  	v0 =	vld [tilespmem:s31+$0xFFFFFF60];
	_ =	sdelay $0x4  }
0xdc: {  	v1 =	vand.u32 $0xFFFF, v0;
	v0 =	vshrl.u32 v0, $0x10  }
0xdd: {  	[tilespmem:$0x2890] =	vst v1  }
0xde: {  	[tilespmem:$0x2A90] =	vst v0  }
0xdf: {  	v0 =	vld [tilespmem:s31+$0xFFFFFF70];
	_ =	sdelay $0x4  }
0xe0: {  	v1 =	vand.u32 $0xFFFF, v0;
	v0 =	vshrl.u32 v0, $0x10  }
0xe1: {  	[tilespmem:$0x28A0] =	vst v1  }
0xe2: {  	[tilespmem:$0x2AA0] =	vst v0  }
0xe3: {  	v0 =	vld [tilespmem:s31+$0xFFFFFF80];
	_ =	sdelay $0x4  }
0xe4: {  	v1 =	vand.u32 $0xFFFF, v0;
	v0 =	vshrl.u32 v0, $0x10  }
0xe5: {  	[tilespmem:$0x28B0] =	vst v1  }
0xe6: {  	[tilespmem:$0x2AB0] =	vst v0  }
0xe7: {  	[tilespmem:s16], [sflag:$0x2] =	stream.indirect.gather [hbm4b:s4+s12], $0x80, s15, s12, $0xb8;
	[tilespmem:$0x1EC00] =	vst v63  }
0xe8: {  	_ =	swait.ge [sflag:s25], $0x2000  }
0xe9: {  	[sflag:s25] =	ssyncset.done $0x0  }
0xea: {  	[sflag:s25] =	ssyncadd.s32 $0xFFFFE000  }
0xeb: {  	v0 =	vld [tilespmem:s31+$0xFFFFFF90];
	_ =	sdelay $0x4  }
0xec: {  	v1 =	vand.u32 $0xFFFF, v0;
	v0 =	vshrl.u32 v0, $0x10  }
0xed: {  	[tilespmem:$0x2900] =	vst v1  }
0xee: {  	[tilespmem:$0x2B00] =	vst v0  }
0xef: {  	v0 =	vld [tilespmem:s31+$0xFFFFFFA0];
	_ =	sdelay $0x4  }
0xf0: {  	v1 =	vand.u32 $0xFFFF, v0;
	v0 =	vshrl.u32 v0, $0x10  }
0xf1: {  	[tilespmem:$0x2910] =	vst v1  }
0xf2: {  	[tilespmem:$0x2B10] =	vst v0  }
0xf3: {  	v0 =	vld [tilespmem:s31+$0xFFFFFFB0];
	_ =	sdelay $0x4  }
0xf4: {  	v1 =	vand.u32 $0xFFFF, v0;
	v0 =	vshrl.u32 v0, $0x10  }
0xf5: {  	[tilespmem:$0x2920] =	vst v1  }
0xf6: {  	[tilespmem:$0x2B20] =	vst v0  }
0xf7: {  	v0 =	vld [tilespmem:s31+$0xFFFFFFC0];
	_ =	sdelay $0x4  }
0xf8: {  	v1 =	vand.u32 $0xFFFF, v0;
	v0 =	vshrl.u32 v0, $0x10  }
0xf9: {  	[tilespmem:$0x2930] =	vst v1  }
0xfa: {  	[tilespmem:$0x2B30] =	vst v0  }
0xfb: {  	[tilespmem:s18], [sflag:$0x3] =	stream.indirect.gather [hbm4b:s4+s12], $0x80, s17, s12, $0xb8;
	[tilespmem:$0x1EC00] =	vst v63  }
0xfc: {  	_ =	swait.ge [sflag:s28], $0x2000  }
0xfd: {  	[sflag:s28] =	ssyncset.done $0x0  }
0xfe: {  	[sflag:s28] =	ssyncadd.s32 $0xFFFFE000  }
0xff: {  	v0 =	vld [tilespmem:s31+$0xFFFFFFD0];
	_ =	sdelay $0x4  }
0x100: {  	v1 =	vand.u32 $0xFFFF, v0;
	v0 =	vshrl.u32 v0, $0x10  }
0x101: {  	[tilespmem:$0x2980] =	vst v1  }
0x102: {  	[tilespmem:$0x2B80] =	vst v0  }
0x103: {  	v0 =	vld [tilespmem:s31+$0xFFFFFFE0];
	_ =	sdelay $0x2  }
.Ltmp0:
0x104: {  	(pc) =	sbr.rel @p0 .LBB2_2-.Ltmp0, $4  }
0x105: {  	_ = 	snop  }
0x106: {  	v1 =	vand.u32 $0xFFFF, v0;
	v0 =	vshrl.u32 v0, $0x10  }
0x107: {  	[tilespmem:$0x2990] =	vst v1  }
0x108: {  	[tilespmem:$0x2B90] =	vst v0  }
0x109: {  	v0 =	vld [tilespmem:s31+$0xFFFFFFF0];
	_ =	sdelay $0x4  }
0x10a: {  	v1 =	vand.u32 $0xFFFF, v0  }
0x10b: {  	v0 =	vshrl.u32 v0, $0x10;
	[tilespmem:$0x29A0] =	vst v1  }
0x10c: {  	[tilespmem:$0x2BA0] =	vst v0  }
0x10d: {  	v0 =	vld [tilespmem:s31+$0x0];
	_ =	sdelay $0x4  }
0x10e: {  	v63 =	vand.u32 $0xFFFF, v0  }
0x10f: {  	v0 =	vshrl.u32 v0, $0x10;
	[tilespmem:$0x29B0] =	vst v63  }
0x110: {  	[tilespmem:$0x2BB0] =	vst v0  }
0x111: {  	[tilespmem:s20], [sflag:$0x4] =	stream.indirect.gather [hbm4b:s4+s12], $0x80, s19, s12, $0xb8;
	[tilespmem:$0x1EC00] =	vst v63  }
0x112: {  	_ =	swait.ge [sflag:s21], $0x2000  }
0x113: {  	[sflag:s21] =	ssyncset.done $0x0  }
0x114: {  	[sflag:s21] =	ssyncadd.s32 $0xFFFFE000  }
0x115: {  	[spmem:s2] =	stream.indirect.scatter.add.f32 [tilespmem:s14], [sflag:$0x1], $0x80, s22, s12, $0xb8;
	[tilespmem:$0x1EC00] =	vst v63  }
0x116: {  	_ =	swait.ge [sflag:s23], $0x2000  }
0x117: {  	[sflag:s23] =	ssyncset.done $0x0  }
0x118: {  	[sflag:s23] =	ssyncadd.s32 $0xFFFFE000  }
0x119: {  	[spmem:s2] =	stream.indirect.scatter.add.f32 [tilespmem:s16], [sflag:$0x2], $0x80, s24, s12, $0xb8;
	[tilespmem:$0x1EC00] =	vst v63  }
0x11a: {  	_ =	swait.ge [sflag:s25], $0x2000  }
0x11b: {  	[sflag:s25] =	ssyncset.done $0x0  }
0x11c: {  	[sflag:s25] =	ssyncadd.s32 $0xFFFFE000  }
0x11d: {  	[spmem:s2] =	stream.indirect.scatter.add.f32 [tilespmem:s18], [sflag:$0x3], $0x80, s26, s12, $0xb8;
	[tilespmem:$0x1EC00] =	vst v63  }
0x11e: {  	_ =	swait.ge [sflag:s28], $0x2000  }
0x11f: {  	[sflag:s28] =	ssyncset.done $0x0  }
0x120: {  	[sflag:s28] =	ssyncadd.s32 $0xFFFFE000  }
0x121: {  	[spmem:s2] =	stream.indirect.scatter.add.f32 [tilespmem:s20], [sflag:$0x4], $0x80, s29, s12, $0xb8;
	[tilespmem:$0x1EC00] =	vst v63  }
0x122: {  	_ =	swait.ge [sflag:s21], $0x2000  }
0x123: {  	[sflag:s21] =	ssyncset.done $0x0  }
0x124: {  	[sflag:s21] =	ssyncadd.s32 $0xFFFFE000  }
0x125: {  	_ =	swait.ge [sflag:s23], $0x2000  }
0x126: {  	[sflag:s23] =	ssyncset.done $0x0  }
0x127: {  	[sflag:s23] =	ssyncadd.s32 $0xFFFFE000  }
0x128: {  	_ =	swait.ge [sflag:s25], $0x2000  }
0x129: {  	[sflag:s25] =	ssyncset.done $0x0  }
0x12a: {  	[sflag:s25] =	ssyncadd.s32 $0xFFFFE000  }
0x12b: {  	_ =	swait.ge [sflag:s28], $0x2000  }
0x12c: {  	s30 =	sadd.s32 $0x1, s30;
	[sflag:s28] =	ssyncset.done $0x0  }
0x12d: {  	p0 =	sne.s32 s30, s9;
	[sflag:s28] =	ssyncadd.s32 $0xFFFFE000  }
.Ltmp1:
0x12e: {  	[bflag:$0x0] =	sbarrier.arrive $0xFFFF;
	(pc) =	sbr.rel @p0 .LBB2_1-.Ltmp1, $4  }
0x12f: {  	[hbm:s8], [sflag:s6] =	dma.local [spmem:s10], $0x2800  }
0x130: {  	_ =	swait.ge [sflag:s11], $0x2800  }
0x131: {  	[sflag:s11] =	ssyncset.done $0x0  }
0x132: {  	[sflag:s11] =	ssyncadd.s32 $0xFFFFD800  }
0x133: {  	_ =	sfence.sel $0x180000  }
0x134: {  	[bflag:$0x0] =	sbarrier.arrive $0xFFFF  }
0x135: {  	_ =	strace $0x90000047  }
0x136: {  	s0 =	stileid.u32;
	[bflag:$0x2] =	sbarrier.arrive $0xFFFF  }
0x137: {  	p0 =	sne.s32 s0, $0x0;
	s0 =	rddreg [dreg:$0x2]  }
0x138: {  	s0 =	sadd.s32 @!p0 $0x100000, s0  }
0x139: {  	[sflag:s0] =	ssyncadd.tile.s32 @!p0 $0x1;
	_ =	shalt  }
.Lfunc_end2:
_tile_overlayer_lowered:
.L_overlay_start_2:
0x13a: {  	(tag) =	ssettag $0x2  }
0x13b: {  	s0 =	rddreg [dreg:$0x0];
	s2 =	stileid.u32  }
0x13c: {  	s1 =	rddreg [dreg:$0x1];
	p0 =	sne.s32 s2, $0x0  }
0x13d: {  	s3 =	rddreg [dreg:$0x2];
	[bflag:$0x3] =	sbarrier.arrive $0xFFFF;
	s2 =	simm.s32 @!p0 $0x1C05  }
0x13e: {  	[timem:s3], [sflag:s2] =	dma.local @!p0 [hbm:s0], s1  }
0x13f: {  	s0 =	simm.s32 @!p0 $0x5  }
0x140: {  	_ =	swait.ge @!p0 [sflag:s0], s1  }
0x141: {  	s1 =	ssub.s32 @!p0 $0x0, s1;
	[sflag:s0] =	ssyncset.done @!p0 $0x0  }
0x142: {  	[sflag:s0] =	ssyncadd.s32 @!p0 s1  }
0x143: {  	[bflag:$0x3] =	sbarrier.arrive $0xFFFF  }
0x144: {  	_ =	shalt  }

// kernel: sc_edge_agg_prime.3.cloned.1.call-start
scs
__scs_entry_jumppad:
0x0: {  	(pc) =	sbr.rel $0x88, $3  }
0x1: {  	(tag) =	ssettag $0x0;
	lr =	simm.s32 $0x1  }
0x2: {  	[smem:$0x3F96] =	sst lr;
	_ =	strace $0xD0000000  }
0x3: {  	_ = 	snop  }
0x4: {  	_ = 	snop  }
0x5: {  	_ = 	snop  }
0x6: {  	_ = 	snop  }
0x7: {  	_ = 	snop  }
__scs_overlays_trampoline_lowered:
0x8: {  	[smem:$0x3FA5] =	sst s0  }
0x9: {  	[smem:$0x3FA6] =	sst s1  }
0xa: {  	[smem:$0x3FA7] =	sst s2  }
0xb: {  	[smem:$0x3FA8] =	sst s3  }
0xc: {  	[smem:$0x3FA9] =	sst s4  }
0xd: {  	[smem:$0x3FAA] =	sst s5  }
0xe: {  	[smem:$0x3FAB] =	sst s6  }
0xf: {  	[smem:$0x3FAC] =	sst s7  }
0x10: {  	[smem:$0x3FAD] =	sst s8  }
0x11: {  	[smem:$0x3FAE] =	sst s9;
	s0 =	simm.s32 @!p0 $0x0  }
0x12: {  	s1 =	sld [smem:$0x3F94];
	s0 =	simm.s32 @p0 $0x1  }
0x13: {  	[smem:$0x3FAF] =	sst s0;
	s0 =	simm.s32 @!p1 $0x0  }
0x14: {  	s2 =	sld [smem:$0x3F93];
	s0 =	simm.s32 @p1 $0x1  }
0x15: {  	[smem:$0x3FB0] =	sst s0;
	s0 =	simm.s32 @!p2 $0x0  }
0x16: {  	s3 =	sld [smem:$0x3FDB];
	s0 =	simm.s32 @p2 $0x1  }
0x17: {  	s4 =	simm.s32 $0x1BF5;
	[smem:$0x3FB2] =	sst s0  }
0x18: {  	s0 =	sld [smem:$0x3F95];
	_ =	swait.ge [sflag:s4], $0x0  }
0x19: {  	s7 =	sld [smem:$0x3F96]  }
0x1a: {  	s8 =	sadd.s32 $0xFFFFE003, lr  }
0x1b: {  	s9 =	sadd.s32 $0xFFFFFEF7, lr;
	s5 =	simm.s32 $0xFFFFFFFF;
	p2 =	slt.u32 s8, $0xFFFFF086  }
0x1c: {  	p1 =	slt.u32 s9, $0xF7A;
	s5 =	simm.s32 @!p2 $0x0  }
0x1d: {  	s5 =	simm.s32 @p1 $0x1;
	p0 =	seq.s32 s7, s2  }
0x1e: {  	s7 =	smul.u32 @!p0 $0xF7A, s2;
	p2 =	seq.s32 @!p0 s5, $0x0  }
0x1f: {  	s9 =	smul.u32 $0xF7A, s1;
	s8 =	simm.s32 @!p0 $0x1BF5;
	p2 =	por !p2, p0  }
0x20: {  	[sflag:s8] =	ssyncset.s32 @!p0 $0xFFFFF086;
	s6 =	sadd.s32 @!p0 s3, s7;
	s7 =	simm.s32 @!p0 $0x108  }
0x21: {  	s3 =	sadd.s32 s3, s9;
	s6 =	sadd.s32 @!p0 $0x88, s6;
	s7 =	simm.s32 @p2 $0x1082  }
0x22: {  	[simem:s7], [sflag:s8] =	dma.local @!p0 [hbm:s6], $0xF7A  }
0x23: {  	s9 =	sor.u32 $0xD0000000, s2;
	s6 =	simm.s32 $0x108;
	_ =	swait.ge @!p0 [sflag:s8], $0x0  }
0x24: {  	s3 =	sadd.s32 $0x88, s3;
	s6 =	simm.s32 @!p1 $0x1082;
	[sflag:s4] =	ssyncset.s32 $0xFFFFF086  }
0x25: {  	[simem:s6], [sflag:s4] =	dma.local [hbm:s3], $0xF7A  }
0x26: {  	[smem:$0x3F96] =	sst s1;
	(tag) =	ssettag s2;
	_ =	strace s9  }
0x27: {  	s1 =	sld [smem:$0x3FA6]  }
0x28: {  	s2 =	sld [smem:$0x3FA7]  }
0x29: {  	s4 =	sld [smem:$0x3FA9]  }
0x2a: {  	p0 =	seq.s32 s5, $0x0;
	s5 =	sld [smem:$0x3FAA]  }
0x2b: {  	s6 =	sld [smem:$0x3FAB]  }
0x2c: {  	s7 =	sld [smem:$0x3FAC]  }
0x2d: {  	s3 =	simm.s32 $0x108;
	s8 =	sld [smem:$0x3FAD]  }
0x2e: {  	s3 =	simm.s32 @!p0 $0x1082;
	s9 =	sld [smem:$0x3FAE]  }
0x2f: {  	lr =	sadd.s32 s0, s3;
	s0 =	sld [smem:$0x3FA5]  }
0x30: {  	s3 =	sld [smem:$0x3FA8]  }
0x31: {  	[smem:$0x3FB1] =	sst s10  }
0x32: {  	s10 =	sld [smem:$0x3FAF];
	_ =	sdelay $0x3  }
0x33: {  	p0 =	seq.s32 s10, $0x1;
	s10 =	sld [smem:$0x3FB1];
	_ =	sdelay $0x3  }
0x34: {  	[smem:$0x3FB1] =	sst s10  }
0x35: {  	s10 =	sld [smem:$0x3FB0];
	_ =	sdelay $0x3  }
0x36: {  	p1 =	seq.s32 s10, $0x1;
	s10 =	sld [smem:$0x3FB1];
	_ =	sdelay $0x3  }
0x37: {  	[smem:$0x3FB1] =	sst s10  }
0x38: {  	s10 =	sld [smem:$0x3FB2]  }
0x39: {  	_ = 	snop;
	(pc) =	sbr.ind lr, $3  }
0x3a: {  	_ = 	snop  }
0x3b: {  	_ = 	snop  }
0x3c: {  	p2 =	seq.s32 s10, $0x1;
	s10 =	sld [smem:$0x3FB1]  }
0x3d: {  	_ =	shalt  }
0x3e: {  	_ =	shalt  }
0x3f: {  	_ =	shalt  }
0x40: {  	_ =	shalt  }
0x41: {  	_ =	shalt  }
0x42: {  	_ =	shalt  }
0x43: {  	_ =	shalt  }
0x44: {  	_ =	shalt  }
0x45: {  	_ =	shalt  }
0x46: {  	_ =	shalt  }
0x47: {  	_ =	shalt  }
0x48: {  	_ =	shalt  }
0x49: {  	_ =	shalt  }
0x4a: {  	_ =	shalt  }
0x4b: {  	_ =	shalt  }
0x4c: {  	_ =	shalt  }
0x4d: {  	_ =	shalt  }
0x4e: {  	_ =	shalt  }
0x4f: {  	_ =	shalt  }
0x50: {  	_ =	shalt  }
0x51: {  	_ =	shalt  }
0x52: {  	_ =	shalt  }
0x53: {  	_ =	shalt  }
0x54: {  	_ =	shalt  }
0x55: {  	_ =	shalt  }
0x56: {  	_ =	shalt  }
0x57: {  	_ =	shalt  }
0x58: {  	_ =	shalt  }
0x59: {  	_ =	shalt  }
0x5a: {  	_ =	shalt  }
0x5b: {  	_ =	shalt  }
0x5c: {  	_ =	shalt  }
0x5d: {  	_ =	shalt  }
0x5e: {  	_ =	shalt  }
0x5f: {  	_ =	shalt  }
0x60: {  	_ =	shalt  }
0x61: {  	_ =	shalt  }
0x62: {  	_ =	shalt  }
0x63: {  	_ =	shalt  }
0x64: {  	_ =	shalt  }
0x65: {  	_ =	shalt  }
0x66: {  	_ =	shalt  }
0x67: {  	_ =	shalt  }
0x68: {  	_ =	shalt  }
0x69: {  	_ =	shalt  }
0x6a: {  	_ =	shalt  }
0x6b: {  	_ =	shalt  }
0x6c: {  	_ =	shalt  }
0x6d: {  	_ =	shalt  }
0x6e: {  	_ =	shalt  }
0x6f: {  	_ =	shalt  }
0x70: {  	_ =	shalt  }
0x71: {  	_ =	shalt  }
0x72: {  	_ =	shalt  }
0x73: {  	_ =	shalt  }
0x74: {  	_ =	shalt  }
0x75: {  	_ =	shalt  }
0x76: {  	_ =	shalt  }
0x77: {  	_ =	shalt  }
0x78: {  	_ =	shalt  }
0x79: {  	_ =	shalt  }
0x7a: {  	_ =	shalt  }
0x7b: {  	_ =	shalt  }
0x7c: {  	_ =	shalt  }
0x7d: {  	_ =	shalt  }
0x7e: {  	_ =	shalt  }
0x7f: {  	_ =	shalt  }
0x80: {  	_ =	shalt  }
0x81: {  	_ =	shalt  }
0x82: {  	_ =	shalt  }
0x83: {  	_ =	shalt  }
0x84: {  	_ =	shalt  }
0x85: {  	_ =	shalt  }
0x86: {  	_ =	shalt  }
0x87: {  	_ =	shalt  }
.Lfunc_end0:
.L_simem_size_0:
called_computation.1_lowered:
.L_overlay_start_0:
0x88: {  	s2 =	sld [smem:$0x3FD9]  }
0x89: {  	s3 =	sld [smem:$0x3FFE];
	_ =	sdelay $0x1  }
0x8a: {  	s1 =	srdreg.scid  }
0x8b: {  	s0 =	sand.u32 $0x1, s1  }
0x8c: {  	s17 =	sshll.u32 s0, $0xA;
	s2 =	sadd.s32 s3, s2  }
0x8d: {  	s2 =	sadd.s32 s2, s17  }
0x8e: {  	[smem:$0x3FBD] =	sst s2  }
0x8f: {  	_ = 	snop  }
0x90: {  	s2 =	sld [smem:$0x3FD0];
	(tm) =	ssettm $0x1  }
0x91: {  	s18 =	sld [smem:$0x3FFB];
	_ =	sdelay $0x3  }
0x92: {  	_ =	strace s18  }
0x93: {  	s3 =	sld [smem:$0x3FFC];
	_ =	sdelay $0x3  }
0x94: {  	_ =	strace s3  }
0x95: {  	s3 =	sld [smem:$0x3FFD];
	_ =	sdelay $0x3  }
0x96: {  	_ =	strace s3  }
0x97: {  	_ =	strace $0x8FFFFFFF  }
0x98: {  	s19 =	sld [smem:$0x3FDB];
	_ =	sdelay $0x1  }
0x99: {  	s4 =	simm.s32 $_scs_section_size  }
0x9a: {  	s5 =	simm.s32 $_size__tile_overlayer_lowered;
	s6 =	simm.s32 $_tile_overlayer_lowered  }
0x9b: {  	s22 =	simm.s32 $0x1BFF;
	s21 =	sshll.u32 s6, $0x1;
	s3 =	sadd.s32 s4, s19  }
0x9c: {  	s7 =	simm.s32 $0x0;
	s20 =	sshll.u32 s5, $0x1;
	s5 =	sadd.s32 s21, s3  }
0x9d: {  	[timem:s7], [sflag:s22] =	dma.local [hbm:s5], s20  }
0x9e: {  	_ =	swait.ge [sflag:s22], s20  }
0x9f: {  	s4 =	ssub.s32 $0x0, s20;
	[sflag:s22] =	ssyncset.done $0x0  }
0xa0: {  	[sflag:s22] =	ssyncadd.s32 s4;
	_ =	sdelay $0x1  }
0xa1: {  	s23 =	simm.s32 $0x1B8B  }
0xa2: {  	_ =	swait.ge [sflag:s23], $0x1  }
0xa3: {  	[sflag:s23] =	ssyncset.done $0x0  }
0xa4: {  	s25 =	simm.s32 $0x1B8E;
	s24 =	sld [smem:$0x3FFE];
	[sflag:s23] =	ssyncadd.s32 $0xFFFFFFFF  }
0xa5: {  	s26 =	simm.s32 $execute0_lowered;
	[smem:$0x3FD2] =	sst s25  }
0xa6: {  	s5 =	sshll.u32 s26, $0x1;
	_ =	strace $0x80000049;
	[dreg:$0x1] =	wrdreg $0xFFFFFFFF  }
0xa7: {  	s28 =	simm.s32 $_size_execute0_lowered;
	s3 =	sadd.s32 s3, s5;
	[dreg:$0x0] =	wrdreg $0x0  }
0xa8: {  	s5 =	sshll.u32 s28, $0x1;
	[dreg:$0x2] =	wrdreg s3  }
0xa9: {  	[dreg:$0x3] =	wrdreg s5  }
0xaa: {  	[dreg:$0x4] =	wrdreg $0xC0  }
0xab: {  	_ =	task [dreg:s7], $0x5FFFF  }
0xac: {  	[dreg:$0x1] =	wrdreg $0xFFFFFFFF  }
0xad: {  	[dreg:$0x0] =	wrdreg $0x60  }
0xae: {  	[dreg:$0x2] =	wrdreg s24  }
0xaf: {  	[dreg:$0x3] =	wrdreg s2  }
0xb0: {  	[dreg:$0x4] =	wrdreg $0x59800  }
0xb1: {  	[dreg:$0x5] =	wrdreg $0x199800  }
0xb2: {  	[dreg:$0x6] =	wrdreg $0x57000  }
0xb3: {  	[dreg:$0x7] =	wrdreg $0x9  }
0xb4: {  	_ =	task.clear_ibuf [dreg:s7], $0x8FFFF;
	_ =	strace $0x90000049  }
0xb5: {  	s29 =	simm.s32 $0x9;
	_ =	strace $0x8000004B  }
0xb6: {  	_ =	swait.ge [sflag:s29], $0x1  }
0xb7: {  	[sflag:s29] =	ssyncadd.s32 $0xFFFFFFFF  }
0xb8: {  	_ =	strace $0x9000004B  }
0xb9: {  	_ =	sfence  }
0xba: {  	s30 =	sld [smem:$0x0];
	_ =	sdelay $0x2  }
0xbb: {  	s31 =	sshll.u32 s1, $0xD;
	s1 =	sshrl.u32 s1, $0x2  }
0xbc: {  	s3 =	sand.u32 $0x4000, s31;
	s1 =	sadd.s32 s1, s30  }
0xbd: {  	s0 =	sor.u32 s3, s0;
	s1 =	sshll.u32 s1, $0x11  }
0xbe: {  	s0 =	sor.u32 s1, s0  }
0xbf: {  	s0 =	sadd.s32 $0x8F2B, s0  }
0xc0: {  	[sflag:s0] =	ssyncadd.remote.s32 $0x1  }
0xc1: {  	_ =	sfence.sel $0xFFFF  }
0xc2: {  	[dreg:$0x0] =	wrdreg $0xFFFFFFFF;
	(pc) =	sbr.abs _section_cstart, $3  }
0xc3: {  	[dreg:$0x1] =	wrdreg $0xFFFFFFFF  }
0xc4: {  	_ =	task.clear_ibuf [dreg:s7], $0x2FFFF;
	_ =	strace $0x9FFFFFFF  }
0xc5: {  	(tm) =	ssettm $0x7FFFFFFF  }
tec
execute0_lowered:
.L_overlay_start_1:
0x0: {  	(tag) =	ssettag $0x1  }
0x1: {  	s0 =	rddreg [dreg:$0x0]  }
0x2: {  	s1 =	rddreg [dreg:$0x1]  }
0x3: {  	s2 =	rddreg [dreg:$0x2]  }
0x4: {  	s3 =	rddreg [dreg:$0x3]  }
0x5: {  	s4 =	rddreg [dreg:$0x4]  }
0x6: {  	s16 =	stileid.u32;
	s5 =	simm.s32 $0x0;
	s7 =	srdreg.scid  }
0x7: {  	s28 =	simm.s32 $0x3700;
	s29 =	simm.s32 $0x1;
	s30 =	simm.s32 $0x3  }
0x8: {  	s31 =	simm.s32 $0x2;
	s6 =	smul.u32 $0x2800, s16;
	[smem:$0x7FF] =	sst s5  }
0x9: {  	s10 =	sadd.s32 $0x1C00, s0;
	s8 =	sshll.u32 s16, $0x3;
	s13 =	smul.u32 $0x50000, s16  }
0xa: {  	s7 =	sand.u32 $0x1, s7;
	s9 =	sadd.s32 $0x33C00, s0;
	s19 =	smul.u32 $0x9000, s16  }
0xb: {  	s14 =	sshll.u32 s16, $0xA;
	s20 =	smul.u32 $0x280, s16;
	s21 =	sshll.u32 s16, $0x6  }
0xc: {  	_ =	strace $0x8000004A;
	[dreg:$0x6] =	wrdreg s9;
	s12 =	sadd.s32 s8, s0  }
0xd: {  	s26 =	ssub.s32 $0x2, s7;
	s15 =	sshll.u32 s7, $0x4;
	s8 =	sor.u32 $0x1C05, s21  }
0xe: {  	s7 =	sshll.u32 s7, $0xE;
	s21 =	simm.s32 $0x1500;
	s6 =	sadd.s32 s6, s0  }
0xf: {  	s11 =	sshrl.u32 s26, $0x1;
	s0 =	sadd.s32 s14, s0;
	s17 =	sor.u32 s16, s15  }
0x10: {  	s18 =	sshrl.u32 s13, $0x2;
	s24 =	sshrl.u32 s20, $0x3;
	s12 =	sadd.s32 $0x86600, s12  }
0x11: {  	s14 =	ssub.s32 s26, s11;
	s15 =	sadd.s32 s18, s2;
	s6 =	sadd.s32 $0xBC00, s6  }
0x12: {  	s11 =	sshrl.u32 s19, $0x2;
	s22 =	smul.u32 $0x2800, s17;
	s18 =	sadd.s32 s20, s4  }
0x13: {  	s25 =	smul.u32 $0x500, s17;
	s9 =	sadd.s32 s1, s24;
	s0 =	sadd.s32 s7, s0  }
0x14: {  	s19 =	simm.s32 $0x40;
	s20 =	simm.s32 $0x1480;
	s24 =	simm.s32 $0x1600  }
0x15: {  	s1 =	simm.s32 $0x0;
	[dreg:$0x7] =	wrdreg s6;
	s23 =	sadd.s32 s11, s3  }
0x16: {  	s13 =	sadd.s32 $0x34200, s0;
	s14 =	smax.u32 s14, $0x1;
	s15 =	sshrl.u32 s15, $0x3  }
0x17: {  	s18 =	sshrl.u32 s18, $0x3;
	s0 =	simm.s32 $0x4;
	s16 =	sshrl.u32 s22, $0x3  }
0x18: {  	s17 =	sshrl.u32 s23, $0x3;
	s22 =	simm.s32 $0x1400;
	s23 =	simm.s32 $0x1700  }
0x19: {  	s26 =	sadd.s32 s10, s16;
	s10 =	sadd.s32 s10, s25;
	s16 =	simm.s32 $0x5  }
0x1a: {  	s25 =	simm.s32 $0x1680;
	s11 =	sadd.s32 $0x280, s26;
	s26 =	simm.s32 $0x1580  }
.LBB2_1:
0x1b: {  	s6 =	rddreg [dreg:$0x7]  }
0x1c: {  	[spmem:s15], [sflag:s8] =	dma.local [hbm:s6], $0x2800  }
0x1d: {  	_ =	swait.ge [sflag:s16], $0x2800  }
0x1e: {  	[sflag:s16] =	ssyncset.done $0x0  }
0x1f: {  	s7 =	rddreg [dreg:$0x6];
	[sflag:s16] =	ssyncadd.s32 $0xFFFFD800  }
0x20: {  	[spmem:s17], [sflag:s8] =	dma.local [hbm:s7], $0x480  }
0x21: {  	_ =	swait.ge [sflag:s16], $0x480  }
0x22: {  	[sflag:s16] =	ssyncset.done $0x0  }
0x23: {  	[sflag:s16] =	ssyncadd.s32 $0xFFFFFB80  }
0x24: {  	[spmem:s18], [sflag:s8] =	dma.local [hbm:s9], $0x50  }
0x25: {  	_ =	swait.ge [sflag:s16], $0x50  }
0x26: {  	[sflag:s16] =	ssyncset.done $0x0  }
0x27: {  	[sflag:s16] =	ssyncadd.s32 $0xFFFFFFB0  }
0x28: {  	[bflag:$0x0] =	sbarrier.arrive $0xFFFF  }
0x29: {  	[tilespmem:s5], [sflag:$0x5] =	stream.linear.gather [hbm4b:s10+s5], $0x1400, $0x38;
	[tilespmem:$0x1BD80] =	vst v63  }
0x2a: {  	_ =	swait.ge [sflag:s16], $0x1400  }
0x2b: {  	[sflag:s16] =	ssyncset.done $0x0  }
0x2c: {  	[sflag:s16] =	ssyncadd.s32 $0xFFFFEC00  }
0x2d: {  	v0 =	vld [tilespmem:$0x0];
	_ =	sdelay $0x1  }
0x2e: {  	v1 =	vld [tilespmem:$0x10];
	_ =	sdelay $0x1  }
0x2f: {  	v2 =	vld [tilespmem:$0x20]  }
0x30: {  	v3 =	vand.u32 $0xFFFF, v0  }
0x31: {  	v36 =	vld [tilespmem:$0x30];
	v0 =	vshrl.u32 v0, $0x10;
	[tilespmem:$0x1400] =	vst v3  }
0x32: {  	v37 =	vand.u32 $0xFFFF, v1;
	[tilespmem:$0x1480] =	vst v0  }
0x33: {  	v38 =	vshrl.u32 v1, $0x10;
	[tilespmem:$0x1410] =	vst v37  }
0x34: {  	v39 =	vand.u32 $0xFFFF, v2;
	[tilespmem:$0x1490] =	vst v38  }
0x35: {  	v40 =	vshrl.u32 v2, $0x10;
	[tilespmem:$0x1420] =	vst v39  }
0x36: {  	v41 =	vand.u32 $0xFFFF, v36;
	[tilespmem:$0x14A0] =	vst v40  }
0x37: {  	v42 =	vshrl.u32 v36, $0x10;
	[tilespmem:$0x1430] =	vst v41  }
0x38: {  	[tilespmem:$0x14B0] =	vst v42  }
0x39: {  	[tilespmem:s21], [sflag:$0x3] =	stream.indirect.gather [spmem:s4], $0x1, s20, s19, $0xb8;
	[tilespmem:$0x1BD80] =	vst v63  }
0x3a: {  	_ = 	snop  }
0x3b: {  	[tilespmem:s23], [sflag:$0x1] =	stream.indirect.gather [spmem:s2], $0x80, s22, s19, $0xb8;
	[tilespmem:$0x1BD80] =	vst v63  }
0x3c: {  	v43 =	vld [tilespmem:$0x40];
	_ =	sdelay $0x1  }
0x3d: {  	v44 =	vld [tilespmem:$0x50];
	_ =	sdelay $0x1  }
0x3e: {  	v45 =	vld [tilespmem:$0x60]  }
0x3f: {  	v46 =	vand.u32 $0xFFFF, v43  }
0x40: {  	v47 =	vld [tilespmem:$0x70];
	v0 =	vshrl.u32 v43, $0x10;
	[tilespmem:$0x1580] =	vst v46  }
0x41: {  	v48 =	vand.u32 $0xFFFF, v44;
	[tilespmem:$0x1600] =	vst v0  }
0x42: {  	v49 =	vshrl.u32 v44, $0x10;
	[tilespmem:$0x1590] =	vst v48  }
0x43: {  	v50 =	vand.u32 $0xFFFF, v45;
	[tilespmem:$0x1610] =	vst v49  }
0x44: {  	v51 =	vshrl.u32 v45, $0x10;
	[tilespmem:$0x15A0] =	vst v50  }
0x45: {  	v52 =	vand.u32 $0xFFFF, v47;
	[tilespmem:$0x1620] =	vst v51  }
0x46: {  	v53 =	vshrl.u32 v47, $0x10;
	[tilespmem:$0x15B0] =	vst v52  }
0x47: {  	[tilespmem:$0x1630] =	vst v53  }
0x48: {  	[tilespmem:s25], [sflag:$0x4] =	stream.indirect.gather [spmem:s4], $0x1, s24, s19, $0xb8;
	[tilespmem:$0x1BD80] =	vst v63  }
0x49: {  	_ = 	snop  }
0x4a: {  	[tilespmem:s28], [sflag:$0x2] =	stream.indirect.gather [spmem:s2], $0x80, s26, s19, $0xb8;
	[tilespmem:$0x1BD80] =	vst v63  }
0x4b: {  	_ =	swait.ge [sflag:s29], $0x2000  }
0x4c: {  	[sflag:s29] =	ssyncset.done $0x0  }
0x4d: {  	[sflag:s29] =	ssyncadd.s32 $0xFFFFE000  }
0x4e: {  	_ =	swait.ge [sflag:s30], $0x40  }
0x4f: {  	[sflag:s30] =	ssyncset.done $0x0  }
0x50: {  	[sflag:s30] =	ssyncadd.s32 $0xFFFFFFC0  }
0x51: {  	[spmem:s3] =	stream.indirect.scatter.add.f32 [tilespmem:s23], [sflag:$0x1], $0x80, s21, s19, $0xb8;
	[tilespmem:$0x1BD80] =	vst v63  }
0x52: {  	_ =	swait.ge [sflag:s31], $0x2000  }
0x53: {  	[sflag:s31] =	ssyncset.done $0x0  }
0x54: {  	[sflag:s31] =	ssyncadd.s32 $0xFFFFE000  }
0x55: {  	_ =	swait.ge [sflag:s0], $0x40  }
0x56: {  	[sflag:s0] =	ssyncset.done $0x0  }
0x57: {  	[sflag:s0] =	ssyncadd.s32 $0xFFFFFFC0  }
0x58: {  	[spmem:s3] =	stream.indirect.scatter.add.f32 [tilespmem:s28], [sflag:$0x2], $0x80, s25, s19, $0xb8;
	[tilespmem:$0x1BD80] =	vst v63  }
0x59: {  	_ =	swait.ge [sflag:s29], $0x2000  }
0x5a: {  	[sflag:s29] =	ssyncset.done $0x0  }
0x5b: {  	s7 =	simm.s32 $0x0;
	[sflag:s29] =	ssyncadd.s32 $0xFFFFE000  }
0x5c: {  	v54 =	vld [tilespmem:s7+$0x80];
	_ =	sdelay $0x4  }
0x5d: {  	v55 =	vand.u32 $0xFFFF, v54  }
0x5e: {  	v0 =	vshrl.u32 v54, $0x10;
	[tilespmem:$0x1400] =	vst v55  }
0x5f: {  	[tilespmem:$0x1480] =	vst v0  }
0x60: {  	v0 =	vld [tilespmem:s7+$0x90];
	_ =	sdelay $0x4  }
0x61: {  	v56 =	vand.u32 $0xFFFF, v0  }
0x62: {  	v0 =	vshrl.u32 v0, $0x10;
	[tilespmem:$0x1410] =	vst v56  }
0x63: {  	[tilespmem:$0x1490] =	vst v0  }
0x64: {  	v0 =	vld [tilespmem:s7+$0xA0];
	_ =	sdelay $0x4  }
0x65: {  	v57 =	vand.u32 $0xFFFF, v0  }
0x66: {  	v0 =	vshrl.u32 v0, $0x10;
	[tilespmem:$0x1420] =	vst v57  }
0x67: {  	[tilespmem:$0x14A0] =	vst v0  }
0x68: {  	v0 =	vld [tilespmem:s7+$0xB0];
	_ =	sdelay $0x4  }
0x69: {  	v58 =	vand.u32 $0xFFFF, v0  }
0x6a: {  	v0 =	vshrl.u32 v0, $0x10;
	[tilespmem:$0x1430] =	vst v58  }
0x6b: {  	[tilespmem:$0x14B0] =	vst v0  }
0x6c: {  	[tilespmem:s21], [sflag:$0x3] =	stream.indirect.gather [spmem:s4], $0x1, s20, s19, $0xb8;
	[tilespmem:$0x1BD80] =	vst v63  }
0x6d: {  	_ = 	snop  }
0x6e: {  	[tilespmem:s23], [sflag:$0x1] =	stream.indirect.gather [spmem:s2], $0x80, s22, s19, $0xb8;
	[tilespmem:$0x1BD80] =	vst v63  }
0x6f: {  	_ =	swait.ge [sflag:s31], $0x2000  }
0x70: {  	[sflag:s31] =	ssyncset.done $0x0  }
0x71: {  	[sflag:s31] =	ssyncadd.s32 $0xFFFFE000  }
0x72: {  	v59 =	vld [tilespmem:s7+$0xC0];
	_ =	sdelay $0x4  }
0x73: {  	v60 =	vand.u32 $0xFFFF, v59  }
0x74: {  	v0 =	vshrl.u32 v59, $0x10;
	[tilespmem:$0x1580] =	vst v60  }
0x75: {  	[tilespmem:$0x1600] =	vst v0  }
0x76: {  	v0 =	vld [tilespmem:s7+$0xD0];
	_ =	sdelay $0x4  }
0x77: {  	v61 =	vand.u32 $0xFFFF, v0  }
0x78: {  	v0 =	vshrl.u32 v0, $0x10;
	[tilespmem:$0x1590] =	vst v61  }
0x79: {  	[tilespmem:$0x1610] =	vst v0  }
0x7a: {  	v0 =	vld [tilespmem:s7+$0xE0];
	_ =	sdelay $0x4  }
0x7b: {  	v62 =	vand.u32 $0xFFFF, v0  }
0x7c: {  	v0 =	vshrl.u32 v0, $0x10;
	[tilespmem:$0x15A0] =	vst v62  }
0x7d: {  	[tilespmem:$0x1620] =	vst v0  }
0x7e: {  	v0 =	vld [tilespmem:s7+$0xF0];
	_ =	sdelay $0x4  }
0x7f: {  	v63 =	vand.u32 $0xFFFF, v0  }
0x80: {  	v0 =	vshrl.u32 v0, $0x10;
	[tilespmem:$0x15B0] =	vst v63  }
0x81: {  	[tilespmem:$0x1630] =	vst v0  }
0x82: {  	[tilespmem:s25], [sflag:$0x4] =	stream.indirect.gather [spmem:s4], $0x1, s24, s19, $0xb8;
	[tilespmem:$0x1BD80] =	vst v63  }
0x83: {  	_ = 	snop  }
0x84: {  	[tilespmem:s28], [sflag:$0x2] =	stream.indirect.gather [spmem:s2], $0x80, s26, s19, $0xb8;
	[tilespmem:$0x1BD80] =	vst v63  }
0x85: {  	_ =	swait.ge [sflag:s29], $0x2000  }
0x86: {  	[sflag:s29] =	ssyncset.done $0x0  }
0x87: {  	[sflag:s29] =	ssyncadd.s32 $0xFFFFE000  }
0x88: {  	_ =	swait.ge [sflag:s30], $0x40  }
0x89: {  	s6 =	simm.s32 $0x200;
	[sflag:s30] =	ssyncset.done $0x0  }
.LBB2_2:
0x8a: {  	p0 =	sne.s32 s6, $0x4C00  }
0x8b: {  	[sflag:s30] =	ssyncadd.s32 $0xFFFFFFC0;
	s7 =	smov.u32 s6;
	s6 =	sadd.s32 $0x200, s6  }
0x8c: {  	[spmem:s3] =	stream.indirect.scatter.add.f32 [tilespmem:s23], [sflag:$0x1], $0x80, s21, s19, $0xb8;
	[tilespmem:$0x1BD80] =	vst v63  }
0x8d: {  	_ =	swait.ge [sflag:s31], $0x2000  }
0x8e: {  	[sflag:s31] =	ssyncset.done $0x0  }
0x8f: {  	[sflag:s31] =	ssyncadd.s32 $0xFFFFE000  }
0x90: {  	_ =	swait.ge [sflag:s0], $0x40  }
0x91: {  	[sflag:s0] =	ssyncset.done $0x0  }
0x92: {  	[sflag:s0] =	ssyncadd.s32 $0xFFFFFFC0  }
0x93: {  	[spmem:s3] =	stream.indirect.scatter.add.f32 [tilespmem:s28], [sflag:$0x2], $0x80, s25, s19, $0xb8;
	[tilespmem:$0x1BD80] =	vst v63  }
0x94: {  	_ =	swait.ge [sflag:s29], $0x2000  }
0x95: {  	[sflag:s29] =	ssyncset.done $0x0  }
0x96: {  	s7 =	sshra.s32 s7, $0x2;
	[sflag:s29] =	ssyncadd.s32 $0xFFFFE000  }
0x97: {  	v0 =	vld [tilespmem:s7+$0x80];
	_ =	sdelay $0x4  }
0x98: {  	v1 =	vand.u32 $0xFFFF, v0;
	v0 =	vshrl.u32 v0, $0x10  }
0x99: {  	[tilespmem:$0x1400] =	vst v1  }
0x9a: {  	[tilespmem:$0x1480] =	vst v0  }
0x9b: {  	v0 =	vld [tilespmem:s7+$0x90];
	_ =	sdelay $0x4  }
0x9c: {  	v1 =	vand.u32 $0xFFFF, v0;
	v0 =	vshrl.u32 v0, $0x10  }
0x9d: {  	[tilespmem:$0x1410] =	vst v1  }
0x9e: {  	[tilespmem:$0x1490] =	vst v0  }
0x9f: {  	v0 =	vld [tilespmem:s7+$0xA0];
	_ =	sdelay $0x4  }
0xa0: {  	v1 =	vand.u32 $0xFFFF, v0;
	v0 =	vshrl.u32 v0, $0x10  }
0xa1: {  	[tilespmem:$0x1420] =	vst v1  }
0xa2: {  	[tilespmem:$0x14A0] =	vst v0  }
0xa3: {  	v0 =	vld [tilespmem:s7+$0xB0];
	_ =	sdelay $0x4  }
0xa4: {  	v1 =	vand.u32 $0xFFFF, v0;
	v0 =	vshrl.u32 v0, $0x10  }
0xa5: {  	[tilespmem:$0x1430] =	vst v1  }
0xa6: {  	[tilespmem:$0x14B0] =	vst v0  }
0xa7: {  	[tilespmem:s21], [sflag:$0x3] =	stream.indirect.gather [spmem:s4], $0x1, s20, s19, $0xb8;
	[tilespmem:$0x1BD80] =	vst v63  }
0xa8: {  	_ = 	snop  }
0xa9: {  	[tilespmem:s23], [sflag:$0x1] =	stream.indirect.gather [spmem:s2], $0x80, s22, s19, $0xb8;
	[tilespmem:$0x1BD80] =	vst v63  }
0xaa: {  	_ =	swait.ge [sflag:s31], $0x2000  }
0xab: {  	[sflag:s31] =	ssyncset.done $0x0  }
0xac: {  	[sflag:s31] =	ssyncadd.s32 $0xFFFFE000  }
0xad: {  	v0 =	vld [tilespmem:s7+$0xC0];
	_ =	sdelay $0x4  }
0xae: {  	v1 =	vand.u32 $0xFFFF, v0;
	v0 =	vshrl.u32 v0, $0x10  }
0xaf: {  	[tilespmem:$0x1580] =	vst v1  }
0xb0: {  	[tilespmem:$0x1600] =	vst v0  }
0xb1: {  	v0 =	vld [tilespmem:s7+$0xD0];
	_ =	sdelay $0x4  }
0xb2: {  	v1 =	vand.u32 $0xFFFF, v0;
	v0 =	vshrl.u32 v0, $0x10  }
0xb3: {  	[tilespmem:$0x1590] =	vst v1  }
0xb4: {  	[tilespmem:$0x1610] =	vst v0  }
0xb5: {  	v0 =	vld [tilespmem:s7+$0xE0];
	_ =	sdelay $0x4  }
0xb6: {  	v1 =	vand.u32 $0xFFFF, v0;
	v0 =	vshrl.u32 v0, $0x10  }
0xb7: {  	[tilespmem:$0x15A0] =	vst v1  }
0xb8: {  	[tilespmem:$0x1620] =	vst v0  }
0xb9: {  	v0 =	vld [tilespmem:s7+$0xF0];
	_ =	sdelay $0x4  }
0xba: {  	v1 =	vand.u32 $0xFFFF, v0;
	v0 =	vshrl.u32 v0, $0x10  }
0xbb: {  	[tilespmem:$0x15B0] =	vst v1  }
0xbc: {  	[tilespmem:$0x1630] =	vst v0  }
0xbd: {  	[tilespmem:s25], [sflag:$0x4] =	stream.indirect.gather [spmem:s4], $0x1, s24, s19, $0xb8;
	[tilespmem:$0x1BD80] =	vst v63  }
0xbe: {  	_ = 	snop  }
0xbf: {  	[tilespmem:s28], [sflag:$0x2] =	stream.indirect.gather [spmem:s2], $0x80, s26, s19, $0xb8;
	[tilespmem:$0x1BD80] =	vst v63  }
.Ltmp0:
0xc0: {  	_ =	swait.ge [sflag:s29], $0x2000;
	(pc) =	sbr.rel @p0 .LBB2_2-.Ltmp0, $4  }
0xc1: {  	[sflag:s29] =	ssyncset.done $0x0  }
0xc2: {  	[sflag:s29] =	ssyncadd.s32 $0xFFFFE000  }
0xc3: {  	_ =	swait.ge [sflag:s30], $0x40  }
0xc4: {  	[sflag:s30] =	ssyncset.done $0x0  }
0xc5: {  	[sflag:s30] =	ssyncadd.s32 $0xFFFFFFC0  }
0xc6: {  	[spmem:s3] =	stream.indirect.scatter.add.f32 [tilespmem:s23], [sflag:$0x1], $0x80, s21, s19, $0xb8;
	[tilespmem:$0x1BD80] =	vst v63  }
0xc7: {  	_ =	swait.ge [sflag:s31], $0x2000  }
0xc8: {  	[sflag:s31] =	ssyncset.done $0x0  }
0xc9: {  	[sflag:s31] =	ssyncadd.s32 $0xFFFFE000  }
0xca: {  	_ =	swait.ge [sflag:s0], $0x40  }
0xcb: {  	[sflag:s0] =	ssyncset.done $0x0  }
0xcc: {  	[sflag:s0] =	ssyncadd.s32 $0xFFFFFFC0  }
0xcd: {  	[spmem:s3] =	stream.indirect.scatter.add.f32 [tilespmem:s28], [sflag:$0x2], $0x80, s25, s19, $0xb8;
	[tilespmem:$0x1BD80] =	vst v63  }
0xce: {  	_ =	swait.ge [sflag:s29], $0x2000  }
0xcf: {  	[sflag:s29] =	ssyncset.done $0x0  }
0xd0: {  	[sflag:s29] =	ssyncadd.s32 $0xFFFFE000  }
0xd1: {  	_ =	swait.ge [sflag:s31], $0x2000  }
0xd2: {  	[sflag:s31] =	ssyncset.done $0x0  }
0xd3: {  	s6 =	simm.s32 $0x0;
	[sflag:s31] =	ssyncadd.s32 $0xFFFFE000  }
0xd4: {  	[tilespmem:s6], [sflag:$0x5] =	stream.linear.gather [hbm4b:s11+s6], $0x1400, $0x38;
	[tilespmem:$0x1BD80] =	vst v63  }
0xd5: {  	_ =	swait.ge [sflag:s16], $0x1400  }
0xd6: {  	[sflag:s16] =	ssyncset.done $0x0  }
0xd7: {  	[sflag:s16] =	ssyncadd.s32 $0xFFFFEC00  }
0xd8: {  	v0 =	vld [tilespmem:$0x0];
	_ =	sdelay $0x1  }
0xd9: {  	v1 =	vld [tilespmem:$0x10];
	_ =	sdelay $0x1  }
0xda: {  	v2 =	vld [tilespmem:$0x20]  }
0xdb: {  	v3 =	vand.u32 $0xFFFF, v0  }
0xdc: {  	v36 =	vld [tilespmem:$0x30];
	v0 =	vshrl.u32 v0, $0x10;
	[tilespmem:$0x1400] =	vst v3  }
0xdd: {  	v37 =	vand.u32 $0xFFFF, v1;
	[tilespmem:$0x1480] =	vst v0  }
0xde: {  	v38 =	vshrl.u32 v1, $0x10;
	[tilespmem:$0x1410] =	vst v37  }
0xdf: {  	v39 =	vand.u32 $0xFFFF, v2;
	[tilespmem:$0x1490] =	vst v38  }
0xe0: {  	v40 =	vshrl.u32 v2, $0x10;
	[tilespmem:$0x1420] =	vst v39  }
0xe1: {  	v41 =	vand.u32 $0xFFFF, v36;
	[tilespmem:$0x14A0] =	vst v40  }
0xe2: {  	v42 =	vshrl.u32 v36, $0x10;
	[tilespmem:$0x1430] =	vst v41  }
0xe3: {  	[tilespmem:$0x14B0] =	vst v42  }
0xe4: {  	[tilespmem:s21], [sflag:$0x3] =	stream.indirect.gather [spmem:s4], $0x1, s20, s19, $0xb8;
	[tilespmem:$0x1BD80] =	vst v63  }
0xe5: {  	_ = 	snop  }
0xe6: {  	[tilespmem:s23], [sflag:$0x1] =	stream.indirect.gather [spmem:s2], $0x80, s22, s19, $0xb8;
	[tilespmem:$0x1BD80] =	vst v63  }
0xe7: {  	v43 =	vld [tilespmem:$0x40];
	_ =	sdelay $0x1  }
0xe8: {  	v44 =	vld [tilespmem:$0x50];
	_ =	sdelay $0x1  }
0xe9: {  	v45 =	vld [tilespmem:$0x60]  }
0xea: {  	v46 =	vand.u32 $0xFFFF, v43  }
0xeb: {  	v47 =	vld [tilespmem:$0x70];
	v0 =	vshrl.u32 v43, $0x10;
	[tilespmem:$0x1580] =	vst v46  }
0xec: {  	v48 =	vand.u32 $0xFFFF, v44;
	[tilespmem:$0x1600] =	vst v0  }
0xed: {  	v49 =	vshrl.u32 v44, $0x10;
	[tilespmem:$0x1590] =	vst v48  }
0xee: {  	v50 =	vand.u32 $0xFFFF, v45;
	[tilespmem:$0x1610] =	vst v49  }
0xef: {  	v51 =	vshrl.u32 v45, $0x10;
	[tilespmem:$0x15A0] =	vst v50  }
0xf0: {  	v52 =	vand.u32 $0xFFFF, v47;
	[tilespmem:$0x1620] =	vst v51  }
0xf1: {  	v53 =	vshrl.u32 v47, $0x10;
	[tilespmem:$0x15B0] =	vst v52  }
0xf2: {  	[tilespmem:$0x1630] =	vst v53  }
0xf3: {  	[tilespmem:s25], [sflag:$0x4] =	stream.indirect.gather [spmem:s4], $0x1, s24, s19, $0xb8;
	[tilespmem:$0x1BD80] =	vst v63  }
0xf4: {  	_ = 	snop  }
0xf5: {  	[tilespmem:s28], [sflag:$0x2] =	stream.indirect.gather [spmem:s2], $0x80, s26, s19, $0xb8;
	[tilespmem:$0x1BD80] =	vst v63  }
0xf6: {  	_ =	swait.ge [sflag:s29], $0x2000  }
0xf7: {  	[sflag:s29] =	ssyncset.done $0x0  }
0xf8: {  	[sflag:s29] =	ssyncadd.s32 $0xFFFFE000  }
0xf9: {  	_ =	swait.ge [sflag:s30], $0x40  }
0xfa: {  	[sflag:s30] =	ssyncset.done $0x0  }
0xfb: {  	[sflag:s30] =	ssyncadd.s32 $0xFFFFFFC0  }
0xfc: {  	[spmem:s3] =	stream.indirect.scatter.add.f32 [tilespmem:s23], [sflag:$0x1], $0x80, s21, s19, $0xb8;
	[tilespmem:$0x1BD80] =	vst v63  }
0xfd: {  	_ =	swait.ge [sflag:s31], $0x2000  }
0xfe: {  	[sflag:s31] =	ssyncset.done $0x0  }
0xff: {  	[sflag:s31] =	ssyncadd.s32 $0xFFFFE000  }
0x100: {  	_ =	swait.ge [sflag:s0], $0x40  }
0x101: {  	[sflag:s0] =	ssyncset.done $0x0  }
0x102: {  	[sflag:s0] =	ssyncadd.s32 $0xFFFFFFC0  }
0x103: {  	[spmem:s3] =	stream.indirect.scatter.add.f32 [tilespmem:s28], [sflag:$0x2], $0x80, s25, s19, $0xb8;
	[tilespmem:$0x1BD80] =	vst v63  }
0x104: {  	_ =	swait.ge [sflag:s29], $0x2000  }
0x105: {  	[sflag:s29] =	ssyncset.done $0x0  }
0x106: {  	s7 =	simm.s32 $0x0;
	[sflag:s29] =	ssyncadd.s32 $0xFFFFE000  }
0x107: {  	v54 =	vld [tilespmem:s7+$0x80];
	_ =	sdelay $0x4  }
0x108: {  	v55 =	vand.u32 $0xFFFF, v54  }
0x109: {  	v0 =	vshrl.u32 v54, $0x10;
	[tilespmem:$0x1400] =	vst v55  }
0x10a: {  	[tilespmem:$0x1480] =	vst v0  }
0x10b: {  	v0 =	vld [tilespmem:s7+$0x90];
	_ =	sdelay $0x4  }
0x10c: {  	v56 =	vand.u32 $0xFFFF, v0  }
0x10d: {  	v0 =	vshrl.u32 v0, $0x10;
	[tilespmem:$0x1410] =	vst v56  }
0x10e: {  	[tilespmem:$0x1490] =	vst v0  }
0x10f: {  	v0 =	vld [tilespmem:s7+$0xA0];
	_ =	sdelay $0x4  }
0x110: {  	v57 =	vand.u32 $0xFFFF, v0  }
0x111: {  	v0 =	vshrl.u32 v0, $0x10;
	[tilespmem:$0x1420] =	vst v57  }
0x112: {  	[tilespmem:$0x14A0] =	vst v0  }
0x113: {  	v0 =	vld [tilespmem:s7+$0xB0];
	_ =	sdelay $0x4  }
0x114: {  	v58 =	vand.u32 $0xFFFF, v0  }
0x115: {  	v0 =	vshrl.u32 v0, $0x10;
	[tilespmem:$0x1430] =	vst v58  }
0x116: {  	[tilespmem:$0x14B0] =	vst v0  }
0x117: {  	[tilespmem:s21], [sflag:$0x3] =	stream.indirect.gather [spmem:s4], $0x1, s20, s19, $0xb8;
	[tilespmem:$0x1BD80] =	vst v63  }
0x118: {  	_ = 	snop  }
0x119: {  	[tilespmem:s23], [sflag:$0x1] =	stream.indirect.gather [spmem:s2], $0x80, s22, s19, $0xb8;
	[tilespmem:$0x1BD80] =	vst v63  }
0x11a: {  	_ =	swait.ge [sflag:s31], $0x2000  }
0x11b: {  	[sflag:s31] =	ssyncset.done $0x0  }
0x11c: {  	[sflag:s31] =	ssyncadd.s32 $0xFFFFE000  }
0x11d: {  	v59 =	vld [tilespmem:s7+$0xC0];
	_ =	sdelay $0x4  }
0x11e: {  	v60 =	vand.u32 $0xFFFF, v59  }
0x11f: {  	v0 =	vshrl.u32 v59, $0x10;
	[tilespmem:$0x1580] =	vst v60  }
0x120: {  	[tilespmem:$0x1600] =	vst v0  }
0x121: {  	v0 =	vld [tilespmem:s7+$0xD0];
	_ =	sdelay $0x4  }
0x122: {  	v61 =	vand.u32 $0xFFFF, v0  }
0x123: {  	v0 =	vshrl.u32 v0, $0x10;
	[tilespmem:$0x1590] =	vst v61  }
0x124: {  	[tilespmem:$0x1610] =	vst v0  }
0x125: {  	v0 =	vld [tilespmem:s7+$0xE0];
	_ =	sdelay $0x4  }
0x126: {  	v62 =	vand.u32 $0xFFFF, v0  }
0x127: {  	v0 =	vshrl.u32 v0, $0x10;
	[tilespmem:$0x15A0] =	vst v62  }
0x128: {  	[tilespmem:$0x1620] =	vst v0  }
0x129: {  	v0 =	vld [tilespmem:s7+$0xF0];
	_ =	sdelay $0x4  }
0x12a: {  	v63 =	vand.u32 $0xFFFF, v0  }
0x12b: {  	v0 =	vshrl.u32 v0, $0x10;
	[tilespmem:$0x15B0] =	vst v63  }
0x12c: {  	[tilespmem:$0x1630] =	vst v0  }
0x12d: {  	[tilespmem:s25], [sflag:$0x4] =	stream.indirect.gather [spmem:s4], $0x1, s24, s19, $0xb8;
	[tilespmem:$0x1BD80] =	vst v63  }
0x12e: {  	_ = 	snop  }
0x12f: {  	[tilespmem:s28], [sflag:$0x2] =	stream.indirect.gather [spmem:s2], $0x80, s26, s19, $0xb8;
	[tilespmem:$0x1BD80] =	vst v63  }
0x130: {  	_ =	swait.ge [sflag:s29], $0x2000  }
0x131: {  	[sflag:s29] =	ssyncset.done $0x0  }
0x132: {  	[sflag:s29] =	ssyncadd.s32 $0xFFFFE000  }
0x133: {  	_ =	swait.ge [sflag:s30], $0x40  }
0x134: {  	s6 =	simm.s32 $0x200;
	[sflag:s30] =	ssyncset.done $0x0  }
.LBB2_4:
0x135: {  	p0 =	sne.s32 s6, $0x4C00  }
0x136: {  	[sflag:s30] =	ssyncadd.s32 $0xFFFFFFC0;
	s7 =	smov.u32 s6;
	s6 =	sadd.s32 $0x200, s6  }
0x137: {  	[spmem:s3] =	stream.indirect.scatter.add.f32 [tilespmem:s23], [sflag:$0x1], $0x80, s21, s19, $0xb8;
	[tilespmem:$0x1BD80] =	vst v63  }
0x138: {  	_ =	swait.ge [sflag:s31], $0x2000  }
0x139: {  	[sflag:s31] =	ssyncset.done $0x0  }
0x13a: {  	[sflag:s31] =	ssyncadd.s32 $0xFFFFE000  }
0x13b: {  	_ =	swait.ge [sflag:s0], $0x40  }
0x13c: {  	[sflag:s0] =	ssyncset.done $0x0  }
0x13d: {  	[sflag:s0] =	ssyncadd.s32 $0xFFFFFFC0  }
0x13e: {  	[spmem:s3] =	stream.indirect.scatter.add.f32 [tilespmem:s28], [sflag:$0x2], $0x80, s25, s19, $0xb8;
	[tilespmem:$0x1BD80] =	vst v63  }
0x13f: {  	_ =	swait.ge [sflag:s29], $0x2000  }
0x140: {  	[sflag:s29] =	ssyncset.done $0x0  }
0x141: {  	s7 =	sshra.s32 s7, $0x2;
	[sflag:s29] =	ssyncadd.s32 $0xFFFFE000  }
0x142: {  	v0 =	vld [tilespmem:s7+$0x80];
	_ =	sdelay $0x4  }
0x143: {  	v1 =	vand.u32 $0xFFFF, v0;
	v0 =	vshrl.u32 v0, $0x10  }
0x144: {  	[tilespmem:$0x1400] =	vst v1  }
0x145: {  	[tilespmem:$0x1480] =	vst v0  }
0x146: {  	v0 =	vld [tilespmem:s7+$0x90];
	_ =	sdelay $0x4  }
0x147: {  	v1 =	vand.u32 $0xFFFF, v0;
	v0 =	vshrl.u32 v0, $0x10  }
0x148: {  	[tilespmem:$0x1410] =	vst v1  }
0x149: {  	[tilespmem:$0x1490] =	vst v0  }
0x14a: {  	v0 =	vld [tilespmem:s7+$0xA0];
	_ =	sdelay $0x4  }
0x14b: {  	v1 =	vand.u32 $0xFFFF, v0;
	v0 =	vshrl.u32 v0, $0x10  }
0x14c: {  	[tilespmem:$0x1420] =	vst v1  }
0x14d: {  	[tilespmem:$0x14A0] =	vst v0  }
0x14e: {  	v0 =	vld [tilespmem:s7+$0xB0];
	_ =	sdelay $0x4  }
0x14f: {  	v1 =	vand.u32 $0xFFFF, v0;
	v0 =	vshrl.u32 v0, $0x10  }
0x150: {  	[tilespmem:$0x1430] =	vst v1  }
0x151: {  	[tilespmem:$0x14B0] =	vst v0  }
0x152: {  	[tilespmem:s21], [sflag:$0x3] =	stream.indirect.gather [spmem:s4], $0x1, s20, s19, $0xb8;
	[tilespmem:$0x1BD80] =	vst v63  }
0x153: {  	_ = 	snop  }
0x154: {  	[tilespmem:s23], [sflag:$0x1] =	stream.indirect.gather [spmem:s2], $0x80, s22, s19, $0xb8;
	[tilespmem:$0x1BD80] =	vst v63  }
0x155: {  	_ =	swait.ge [sflag:s31], $0x2000  }
0x156: {  	[sflag:s31] =	ssyncset.done $0x0  }
0x157: {  	[sflag:s31] =	ssyncadd.s32 $0xFFFFE000  }
0x158: {  	v0 =	vld [tilespmem:s7+$0xC0];
	_ =	sdelay $0x4  }
0x159: {  	v1 =	vand.u32 $0xFFFF, v0;
	v0 =	vshrl.u32 v0, $0x10  }
0x15a: {  	[tilespmem:$0x1580] =	vst v1  }
0x15b: {  	[tilespmem:$0x1600] =	vst v0  }
0x15c: {  	v0 =	vld [tilespmem:s7+$0xD0];
	_ =	sdelay $0x4  }
0x15d: {  	v1 =	vand.u32 $0xFFFF, v0;
	v0 =	vshrl.u32 v0, $0x10  }
0x15e: {  	[tilespmem:$0x1590] =	vst v1  }
0x15f: {  	[tilespmem:$0x1610] =	vst v0  }
0x160: {  	v0 =	vld [tilespmem:s7+$0xE0];
	_ =	sdelay $0x4  }
0x161: {  	v1 =	vand.u32 $0xFFFF, v0;
	v0 =	vshrl.u32 v0, $0x10  }
0x162: {  	[tilespmem:$0x15A0] =	vst v1  }
0x163: {  	[tilespmem:$0x1620] =	vst v0  }
0x164: {  	v0 =	vld [tilespmem:s7+$0xF0];
	_ =	sdelay $0x4  }
0x165: {  	v1 =	vand.u32 $0xFFFF, v0;
	v0 =	vshrl.u32 v0, $0x10  }
0x166: {  	[tilespmem:$0x15B0] =	vst v1  }
0x167: {  	[tilespmem:$0x1630] =	vst v0  }
0x168: {  	[tilespmem:s25], [sflag:$0x4] =	stream.indirect.gather [spmem:s4], $0x1, s24, s19, $0xb8;
	[tilespmem:$0x1BD80] =	vst v63  }
0x169: {  	_ = 	snop  }
0x16a: {  	[tilespmem:s28], [sflag:$0x2] =	stream.indirect.gather [spmem:s2], $0x80, s26, s19, $0xb8;
	[tilespmem:$0x1BD80] =	vst v63  }
.Ltmp1:
0x16b: {  	_ =	swait.ge [sflag:s29], $0x2000;
	(pc) =	sbr.rel @p0 .LBB2_4-.Ltmp1, $4  }
0x16c: {  	[sflag:s29] =	ssyncset.done $0x0  }
0x16d: {  	[sflag:s29] =	ssyncadd.s32 $0xFFFFE000  }
0x16e: {  	_ =	swait.ge [sflag:s30], $0x40  }
0x16f: {  	[sflag:s30] =	ssyncset.done $0x0  }
0x170: {  	[sflag:s30] =	ssyncadd.s32 $0xFFFFFFC0  }
0x171: {  	[spmem:s3] =	stream.indirect.scatter.add.f32 [tilespmem:s23], [sflag:$0x1], $0x80, s21, s19, $0xb8;
	[tilespmem:$0x1BD80] =	vst v63  }
0x172: {  	_ =	swait.ge [sflag:s31], $0x2000  }
0x173: {  	[sflag:s31] =	ssyncset.done $0x0  }
0x174: {  	[sflag:s31] =	ssyncadd.s32 $0xFFFFE000  }
0x175: {  	_ =	swait.ge [sflag:s0], $0x40  }
0x176: {  	[sflag:s0] =	ssyncset.done $0x0  }
0x177: {  	[sflag:s0] =	ssyncadd.s32 $0xFFFFFFC0  }
0x178: {  	[spmem:s3] =	stream.indirect.scatter.add.f32 [tilespmem:s28], [sflag:$0x2], $0x80, s25, s19, $0xb8;
	[tilespmem:$0x1BD80] =	vst v63  }
0x179: {  	_ =	swait.ge [sflag:s29], $0x2000  }
0x17a: {  	[sflag:s29] =	ssyncset.done $0x0  }
0x17b: {  	[sflag:s29] =	ssyncadd.s32 $0xFFFFE000  }
0x17c: {  	_ =	swait.ge [sflag:s31], $0x2000  }
0x17d: {  	[sflag:s31] =	ssyncset.done $0x0  }
0x17e: {  	[sflag:s31] =	ssyncadd.s32 $0xFFFFE000  }
0x17f: {  	[bflag:$0x0] =	sbarrier.arrive $0xFFFF  }
0x180: {  	[tilespmem:s22], [sflag:$0x5] =	stream.linear.gather [hbm4b:s12+s5], $0x40, $0x38;
	[tilespmem:$0x1BD80] =	vst v63  }
0x181: {  	_ =	swait.ge [sflag:s16], $0x40  }
0x182: {  	[sflag:s16] =	ssyncset.done $0x0  }
0x183: {  	[sflag:s16] =	ssyncadd.s32 $0xFFFFFFC0  }
0x184: {  	[tilespmem:s23], [sflag:$0x1] =	stream.indirect.gather [spmem:s3], $0x80, s22, s19, $0xb8;
	[tilespmem:$0x1BD80] =	vst v63  }
0x185: {  	s1 =	sadd.s32 $0x1, s1;
	_ =	swait.ge [sflag:s29], $0x2000  }
0x186: {  	p0 =	sne.s32 s1, s14;
	[sflag:s29] =	ssyncset.done $0x0  }
.Ltmp2:
0x187: {  	[sflag:s29] =	ssyncadd.s32 $0xFFFFE000;
	(pc) =	sbr.rel @p0 .LBB2_1-.Ltmp2, $4  }
0x188: {  	[hbm4b:s13+s5] =	stream.linear.scatter [tilespmem:s23], [sflag:$0x5], $0x2000, $0x38;
	[tilespmem:$0x1BD80] =	vst v63  }
0x189: {  	_ =	swait.ge [sflag:s16], $0x2000  }
0x18a: {  	[sflag:s16] =	ssyncset.done $0x0  }
0x18b: {  	[sflag:s16] =	ssyncadd.s32 $0xFFFFE000  }
0x18c: {  	_ =	sfence.sel $0x180000  }
0x18d: {  	[bflag:$0x0] =	sbarrier.arrive $0xFFFF  }
0x18e: {  	_ =	strace $0x9000004A  }
0x18f: {  	s0 =	stileid.u32;
	[bflag:$0x2] =	sbarrier.arrive $0xFFFF  }
0x190: {  	p0 =	sne.s32 s0, $0x0;
	s0 =	rddreg [dreg:$0x5]  }
0x191: {  	s0 =	sadd.s32 @!p0 $0x100000, s0  }
0x192: {  	[sflag:s0] =	ssyncadd.tile.s32 @!p0 $0x1;
	_ =	shalt  }
.Lfunc_end2:
_tile_overlayer_lowered:
.L_overlay_start_2:
0x193: {  	(tag) =	ssettag $0x2  }
0x194: {  	s0 =	rddreg [dreg:$0x0];
	s2 =	stileid.u32  }
0x195: {  	s1 =	rddreg [dreg:$0x1];
	p0 =	sne.s32 s2, $0x0  }
0x196: {  	s3 =	rddreg [dreg:$0x2];
	[bflag:$0x3] =	sbarrier.arrive $0xFFFF;
	s2 =	simm.s32 @!p0 $0x1C05  }
0x197: {  	[timem:s3], [sflag:s2] =	dma.local @!p0 [hbm:s0], s1  }
0x198: {  	s0 =	simm.s32 @!p0 $0x5  }
0x199: {  	_ =	swait.ge @!p0 [sflag:s0], s1  }
0x19a: {  	s1 =	ssub.s32 @!p0 $0x0, s1;
	[sflag:s0] =	ssyncset.done @!p0 $0x0  }
0x19b: {  	[sflag:s0] =	ssyncadd.s32 @!p0 s1  }
0x19c: {  	[bflag:$0x3] =	sbarrier.arrive $0xFFFF  }
0x19d: {  	_ =	shalt  }

</sc_bundles>
